<compile_context>
chip_gen: v7x
topology: tpu7x:2x2x1
jax: 0.10.2.dev20260603
libtpu: 0.0.44.dev20260713+nightly
codegen_flags: <defaults>
</compile_context>

<pallas_src>
import functools

import jax
import jax.numpy as jnp
from jax import lax
from jax.experimental import pallas as pl
from jax.experimental.pallas import tpu as pltpu
from jax.experimental.pallas import tpu_sc as plsc

_NUM_UNITS = 500
_SPEECH_DIM = 256
_HIDDEN = 1024
_LLM_DIM = 2048
_BB = 16

_INV_SQRT2 = 0.7071067811865476

_info = plsc.get_sparse_core_info()
_NC, _NS = _info.num_cores, _info.num_subcores
_NW = _NC * _NS
_CH = 80


def _make_sc_gather(n):
    rows_per_w = n // _NW
    n_chunks = rows_per_w // _CH
    assert rows_per_w % _CH == 0
    mesh = plsc.VectorSubcoreMesh(core_axis_name="c", subcore_axis_name="s")

    nbuf = 4

    @functools.partial(
        pl.kernel, mesh=mesh,
        out_type=jax.ShapeDtypeStruct((n, _SPEECH_DIM), jnp.float32),
        scratch_types=(
            [pltpu.VMEM((_CH,), jnp.int32)] * nbuf
            + [pltpu.VMEM((_CH, _SPEECH_DIM), jnp.float32)] * nbuf
            + [pltpu.SemaphoreType.DMA] * (3 * nbuf)
        ),
    )
    def sc_gather(idx_hbm, table_hbm, out_hbm, *bufs):
        idx_v = bufs[0:nbuf]
        rows_v = bufs[nbuf:2 * nbuf]
        si = bufs[2 * nbuf:3 * nbuf]
        sg = bufs[3 * nbuf:4 * nbuf]
        ss = bufs[4 * nbuf:5 * nbuf]
        wid = lax.axis_index("s") * _NC + lax.axis_index("c")
        base0 = wid * rows_per_w

        g = [None] * nbuf
        s = [None] * nbuf
        depth = min(nbuf - 1, n_chunks)
        for k in range(depth):
            pltpu.sync_copy(idx_hbm.at[pl.ds(base0 + k * _CH, _CH)],
                            idx_v[k])
            g[k] = pltpu.async_copy(table_hbm.at[idx_v[k]], rows_v[k],
                                    sg[k])
        for c in range(n_chunks):
            p = c % nbuf
            nxt = c + depth
            q = nxt % nbuf
            ih = None
            if nxt < n_chunks:
                ih = pltpu.async_copy(
                    idx_hbm.at[pl.ds(base0 + nxt * _CH, _CH)], idx_v[q],
                    si[q])
            g[p].wait()
            s[p] = pltpu.async_copy(
                rows_v[p], out_hbm.at[pl.ds(base0 + c * _CH, _CH)], ss[p])
            if nxt < n_chunks:
                if s[q] is not None:
                    s[q].wait()
                    s[q] = None
                ih.wait()
                g[q] = pltpu.async_copy(table_hbm.at[idx_v[q]], rows_v[q],
                                        sg[q])
        for sc in s:
            if sc is not None:
                sc.wait()

    return sc_gather


def _mlp_ln(x_ref, w1_ref, b1_ref, w2_ref, b2_ref, g_ref, bt_ref, o_ref):
    x = x_ref[...]
    h = jnp.dot(x, w1_ref[...], preferred_element_type=jnp.float32)
    h = h + b1_ref[...]
    h = 0.5 * h * (1.0 + lax.erf(h * _INV_SQRT2))
    y = jnp.dot(h, w2_ref[...], preferred_element_type=jnp.float32)
    y = y + b2_ref[...]
    mu = jnp.mean(y, axis=-1, keepdims=True)
    yc = y - mu
    var = jnp.mean(yc * yc, axis=-1, keepdims=True)
    out = yc * lax.rsqrt(var + 1e-5) * g_ref[...] + bt_ref[...]
    o_ref[...] = out.reshape(o_ref.shape)


def _mlp_ln_alias(x_ref, w1_ref, b1_ref, w2_ref, b2_ref, g_ref, bt_ref,
                  prev_ref, o_ref):
    del prev_ref
    _mlp_ln(x_ref, w1_ref, b1_ref, w2_ref, b2_ref, g_ref, bt_ref, o_ref)


@jax.jit
def kernel(local_ids, embed_W, W1, b1, W2, b2, ln_gamma, ln_beta):
    B, T = local_ids.shape
    n = B * T
    grid = B // _BB
    rows = T * _BB
    half_g = grid // 2
    nh = n // 2
    ids = (local_ids.astype(jnp.int32).T
           .reshape(T, grid, _BB).transpose(1, 0, 2).reshape(n))
    gather = _make_sc_gather(nh)
    x0 = gather(ids[:nh], embed_W)
    x1 = gather(ids[nh:], embed_W)

    full = lambda *shape: pl.BlockSpec(shape, lambda i: (0,) * len(shape))
    w_specs = [
        full(_SPEECH_DIM, _HIDDEN),
        full(1, _HIDDEN),
        full(_HIDDEN, _LLM_DIM),
        full(1, _LLM_DIM),
        full(1, _LLM_DIM),
        full(1, _LLM_DIM),
    ]
    w_args = (W1, b1.reshape(1, _HIDDEN), W2, b2.reshape(1, _LLM_DIM),
              ln_gamma.reshape(1, _LLM_DIM), ln_beta.reshape(1, _LLM_DIM))
    x_spec = pl.BlockSpec((rows, _SPEECH_DIM), lambda i: (i, 0))
    out_shape = jax.ShapeDtypeStruct((T, B, _LLM_DIM), jnp.float32)
    params = pltpu.CompilerParams(dimension_semantics=("arbitrary",))

    out0 = pl.pallas_call(
        _mlp_ln,
        grid=(half_g,),
        in_specs=[x_spec] + w_specs,
        out_specs=pl.BlockSpec((T, _BB, _LLM_DIM), lambda i: (0, i, 0)),
        out_shape=out_shape,
        compiler_params=params,
    )(x0, *w_args)
    out = pl.pallas_call(
        _mlp_ln_alias,
        grid=(half_g,),
        in_specs=[x_spec] + w_specs + [
            pl.BlockSpec(memory_space=pl.ANY)],
        out_specs=pl.BlockSpec((T, _BB, _LLM_DIM),
                               lambda i: (0, i + half_g, 0)),
        out_shape=out_shape,
        input_output_aliases={7: 0},
        compiler_params=params,
    )(x1, *w_args, out0)
    return out.transpose(1, 0, 2)

# --- scband reference (transcript-rebuilt; emitter-appended) ---
"""Pipeline reference for scband-speech-adapter-53901839564831 (READ-ONLY COPY).

The authoritative reference and input builder live on the scoring server;
editing this copy changes nothing except your own understanding.
"""

import jax, jax.numpy as jnp
import numpy as np

NUM_UNITS = 500
SPEECH_DIM = 256
LLM_DIM = 2048
EXPANSION = 4
HIDDEN = SPEECH_DIM * EXPANSION
B, T = 1024, 50


def setup_inputs(seed: int = 0) -> dict:
    key = jax.random.key(seed)
    ks = jax.random.split(key, 6)
    local_ids = jax.random.randint(ks[0], (B, T), 0, NUM_UNITS, dtype=jnp.int64 if jax.config.jax_enable_x64 else jnp.int32)
    embed_W = jax.random.normal(ks[1], (NUM_UNITS, SPEECH_DIM), dtype=jnp.float32) * 0.02
    lim1 = float(np.sqrt(6.0 / (SPEECH_DIM + HIDDEN)))
    W1 = jax.random.uniform(ks[2], (SPEECH_DIM, HIDDEN), dtype=jnp.float32, minval=-lim1, maxval=lim1)
    b1 = jnp.zeros((HIDDEN,), dtype=jnp.float32)
    lim2 = float(np.sqrt(6.0 / (HIDDEN + LLM_DIM)))
    W2 = jax.random.uniform(ks[3], (HIDDEN, LLM_DIM), dtype=jnp.float32, minval=-lim2, maxval=lim2)
    b2 = jnp.zeros((LLM_DIM,), dtype=jnp.float32)
    ln_gamma = jnp.ones((LLM_DIM,), dtype=jnp.float32)
    ln_beta = jnp.zeros((LLM_DIM,), dtype=jnp.float32)
    return {"local_ids": local_ids, "embed_W": embed_W, "W1": W1, "b1": b1, "W2": W2, "b2": b2, "ln_gamma": ln_gamma, "ln_beta": ln_beta}


def reference(local_ids, embed_W, W1, b1, W2, b2, ln_gamma, ln_beta):
    # embedding lookup: speech unit id -> dedicated 256-dim speech space
    x = jnp.take(embed_W, local_ids, axis=0)            # [B, T, speech_dim]
    # MLP projector (dropout is identity in eval mode)
    h = jax.nn.gelu(x @ W1 + b1, approximate=False)      # [B, T, hidden]
    y = h @ W2 + b2                                      # [B, T, llm_dim]
    # LayerNorm over last dim (eps matches torch default 1e-5)
    mu = jnp.mean(y, axis=-1, keepdims=True)
    var = jnp.var(y, axis=-1, keepdims=True)
    out = (y - mu) / jnp.sqrt(var + 1e-5) * ln_gamma + ln_beta
    return out

if __name__ == "__main__":
    import jax
    _d = setup_inputs()
    print(jax.jit(kernel)(*tuple(_d.values())))

</pallas_src>

<mosaic_0001>
#map = affine_map<(d0, d1) -> (0)>
#map1 = affine_map<(d0, d1) -> (0, 0)>
module attributes {stable_mosaic.version = 14 : i64} {
  func.func @sc_gather(%arg0: i32, %arg1: i32, %arg2: memref<25600xi32, #tpu.memory_space<hbm>>, %arg3: memref<500x256xf32, #tpu.memory_space<hbm>>, %arg4: memref<25600x256xf32, #tpu.memory_space<hbm>>, %arg5: memref<80xi32, #tpu.memory_space<vmem>>, %arg6: memref<80xi32, #tpu.memory_space<vmem>>, %arg7: memref<80xi32, #tpu.memory_space<vmem>>, %arg8: memref<80xi32, #tpu.memory_space<vmem>>, %arg9: memref<80x256xf32, #tpu.memory_space<vmem>>, %arg10: memref<80x256xf32, #tpu.memory_space<vmem>>, %arg11: memref<80x256xf32, #tpu.memory_space<vmem>>, %arg12: memref<80x256xf32, #tpu.memory_space<vmem>>, %arg13: memref<!tpu.dma_semaphore, #tpu.memory_space<semaphore_mem>>, %arg14: memref<!tpu.dma_semaphore, #tpu.memory_space<semaphore_mem>>, %arg15: memref<!tpu.dma_semaphore, #tpu.memory_space<semaphore_mem>>, %arg16: memref<!tpu.dma_semaphore, #tpu.memory_space<semaphore_mem>>, %arg17: memref<!tpu.dma_semaphore, #tpu.memory_space<semaphore_mem>>, %arg18: memref<!tpu.dma_semaphore, #tpu.memory_space<semaphore_mem>>, %arg19: memref<!tpu.dma_semaphore, #tpu.memory_space<semaphore_mem>>, %arg20: memref<!tpu.dma_semaphore, #tpu.memory_space<semaphore_mem>>, %arg21: memref<!tpu.dma_semaphore, #tpu.memory_space<semaphore_mem>>, %arg22: memref<!tpu.dma_semaphore, #tpu.memory_space<semaphore_mem>>, %arg23: memref<!tpu.dma_semaphore, #tpu.memory_space<semaphore_mem>>, %arg24: memref<!tpu.dma_semaphore, #tpu.memory_space<semaphore_mem>>) attributes {dimension_semantics = [#tpu.dimension_semantics<core_parallel>, #tpu.dimension_semantics<subcore_parallel>], iteration_bounds = array<i64: 2, 16>, scalar_prefetch = 0 : i64, scratch_operands = 20 : i64, tpu.core_type = #tpu.core_type<sc_vector_subcore>, window_params = [{transform_indices = #map}, {transform_indices = #map1}, {transform_indices = #map1}]} {
    %mul3A = arith.constant 2 : i32
    %mul3A_0 = arith.muli %arg1, %mul3A : i32
    %add3A = arith.addi %mul3A_0, %arg0 : i32
    %mul3A_1 = arith.constant 800 : i32
    %mul3A_2 = arith.muli %add3A, %mul3A_1 : i32
    %add3A_3 = arith.constant 0 : i32
    %add3A_4 = arith.addi %mul3A_2, %add3A_3 : i32
    "tpu.region"() ({
      %run_scoped3A = tpu.sem_alloc : memref<!tpu.dma_semaphore, #tpu.memory_space<semaphore_mem>>
      %dma_start3A_209 = tpu.memref_slice %arg2[%add3A_4] : memref<25600xi32, #tpu.memory_space<hbm>> -> memref<80xi32, #tpu.memory_space<hbm>>
      %dma_start3A_210 = tpu.memref_slice %arg2[%add3A_4] : memref<25600xi32, #tpu.memory_space<hbm>> -> memref<80xi32, #tpu.memory_space<hbm>>
      tpu.enqueue_dma source(%dma_start3A_210 : memref<80xi32, #tpu.memory_space<hbm>>) target(%arg5 : memref<80xi32, #tpu.memory_space<vmem>>) target_semaphore(%run_scoped3A : memref<!tpu.dma_semaphore, #tpu.memory_space<semaphore_mem>>)
      %dma_wait3A_211 = tpu.memref_slice %arg2[%add3A_4] : memref<25600xi32, #tpu.memory_space<hbm>> -> memref<80xi32, #tpu.memory_space<hbm>>
      %dma_wait3A_212 = tpu.memref_slice %arg2[%add3A_4] : memref<25600xi32, #tpu.memory_space<hbm>> -> memref<80xi32, #tpu.memory_space<hbm>>
      tpu.wait_dma2 semaphore(%run_scoped3A : memref<!tpu.dma_semaphore, #tpu.memory_space<semaphore_mem>>) src(%dma_wait3A_212 : memref<80xi32, #tpu.memory_space<hbm>>) dst(%arg5 : memref<80xi32, #tpu.memory_space<vmem>>)
      tpu.yield
    }) : () -> ()
    %dma_start3A = arith.constant 0 : i32
    %dma_start3A_5 = arith.constant 0 : i32
    %dma_start3A_6 = tpu.memref_slice %arg3[%dma_start3A, %dma_start3A_5] : memref<500x256xf32, #tpu.memory_space<hbm>> -> memref<500x256xf32, #tpu.memory_space<hbm>>
    tpu.enqueue_indirect_dma source(%dma_start3A_6 : memref<500x256xf32, #tpu.memory_space<hbm>>) target(%arg9 : memref<80x256xf32, #tpu.memory_space<vmem>>) offsets(%arg5 : memref<80xi32, #tpu.memory_space<vmem>>) semaphore(%arg17 : memref<!tpu.dma_semaphore, #tpu.memory_space<semaphore_mem>>)
    %add3A_7 = arith.constant 80 : i32
    %add3A_8 = arith.addi %mul3A_2, %add3A_7 : i32
    "tpu.region"() ({
      %run_scoped3A = tpu.sem_alloc : memref<!tpu.dma_semaphore, #tpu.memory_space<semaphore_mem>>
      %dma_start3A_209 = tpu.memref_slice %arg2[%add3A_8] : memref<25600xi32, #tpu.memory_space<hbm>> -> memref<80xi32, #tpu.memory_space<hbm>>
      %dma_start3A_210 = tpu.memref_slice %arg2[%add3A_8] : memref<25600xi32, #tpu.memory_space<hbm>> -> memref<80xi32, #tpu.memory_space<hbm>>
      tpu.enqueue_dma source(%dma_start3A_210 : memref<80xi32, #tpu.memory_space<hbm>>) target(%arg6 : memref<80xi32, #tpu.memory_space<vmem>>) target_semaphore(%run_scoped3A : memref<!tpu.dma_semaphore, #tpu.memory_space<semaphore_mem>>)
      %dma_wait3A_211 = tpu.memref_slice %arg2[%add3A_8] : memref<25600xi32, #tpu.memory_space<hbm>> -> memref<80xi32, #tpu.memory_space<hbm>>
      %dma_wait3A_212 = tpu.memref_slice %arg2[%add3A_8] : memref<25600xi32, #tpu.memory_space<hbm>> -> memref<80xi32, #tpu.memory_space<hbm>>
      tpu.wait_dma2 semaphore(%run_scoped3A : memref<!tpu.dma_semaphore, #tpu.memory_space<semaphore_mem>>) src(%dma_wait3A_212 : memref<80xi32, #tpu.memory_space<hbm>>) dst(%arg6 : memref<80xi32, #tpu.memory_space<vmem>>)
      tpu.yield
    }) : () -> ()
    %dma_start3A_9 = arith.constant 0 : i32
    %dma_start3A_10 = arith.constant 0 : i32
    %dma_start3A_11 = tpu.memref_slice %arg3[%dma_start3A_9, %dma_start3A_10] : memref<500x256xf32, #tpu.memory_space<hbm>> -> memref<500x256xf32, #tpu.memory_space<hbm>>
    tpu.enqueue_indirect_dma source(%dma_start3A_11 : memref<500x256xf32, #tpu.memory_space<hbm>>) target(%arg10 : memref<80x256xf32, #tpu.memory_space<vmem>>) offsets(%arg6 : memref<80xi32, #tpu.memory_space<vmem>>) semaphore(%arg18 : memref<!tpu.dma_semaphore, #tpu.memory_space<semaphore_mem>>)
    %add3A_12 = arith.constant 160 : i32
    %add3A_13 = arith.addi %mul3A_2, %add3A_12 : i32
    "tpu.region"() ({
      %run_scoped3A = tpu.sem_alloc : memref<!tpu.dma_semaphore, #tpu.memory_space<semaphore_mem>>
      %dma_start3A_209 = tpu.memref_slice %arg2[%add3A_13] : memref<25600xi32, #tpu.memory_space<hbm>> -> memref<80xi32, #tpu.memory_space<hbm>>
      %dma_start3A_210 = tpu.memref_slice %arg2[%add3A_13] : memref<25600xi32, #tpu.memory_space<hbm>> -> memref<80xi32, #tpu.memory_space<hbm>>
      tpu.enqueue_dma source(%dma_start3A_210 : memref<80xi32, #tpu.memory_space<hbm>>) target(%arg7 : memref<80xi32, #tpu.memory_space<vmem>>) target_semaphore(%run_scoped3A : memref<!tpu.dma_semaphore, #tpu.memory_space<semaphore_mem>>)
      %dma_wait3A_211 = tpu.memref_slice %arg2[%add3A_13] : memref<25600xi32, #tpu.memory_space<hbm>> -> memref<80xi32, #tpu.memory_space<hbm>>
      %dma_wait3A_212 = tpu.memref_slice %arg2[%add3A_13] : memref<25600xi32, #tpu.memory_space<hbm>> -> memref<80xi32, #tpu.memory_space<hbm>>
      tpu.wait_dma2 semaphore(%run_scoped3A : memref<!tpu.dma_semaphore, #tpu.memory_space<semaphore_mem>>) src(%dma_wait3A_212 : memref<80xi32, #tpu.memory_space<hbm>>) dst(%arg7 : memref<80xi32, #tpu.memory_space<vmem>>)
      tpu.yield
    }) : () -> ()
    %dma_start3A_14 = arith.constant 0 : i32
    %dma_start3A_15 = arith.constant 0 : i32
    %dma_start3A_16 = tpu.memref_slice %arg3[%dma_start3A_14, %dma_start3A_15] : memref<500x256xf32, #tpu.memory_space<hbm>> -> memref<500x256xf32, #tpu.memory_space<hbm>>
    tpu.enqueue_indirect_dma source(%dma_start3A_16 : memref<500x256xf32, #tpu.memory_space<hbm>>) target(%arg11 : memref<80x256xf32, #tpu.memory_space<vmem>>) offsets(%arg7 : memref<80xi32, #tpu.memory_space<vmem>>) semaphore(%arg19 : memref<!tpu.dma_semaphore, #tpu.memory_space<semaphore_mem>>)
    %add3A_17 = arith.constant 240 : i32
    %add3A_18 = arith.addi %mul3A_2, %add3A_17 : i32
    %dma_start3A_19 = tpu.memref_slice %arg2[%add3A_18] : memref<25600xi32, #tpu.memory_space<hbm>> -> memref<80xi32, #tpu.memory_space<hbm>>
    %dma_start3A_20 = tpu.memref_slice %arg2[%add3A_18] : memref<25600xi32, #tpu.memory_space<hbm>> -> memref<80xi32, #tpu.memory_space<hbm>>
    tpu.enqueue_dma source(%dma_start3A_20 : memref<80xi32, #tpu.memory_space<hbm>>) target(%arg8 : memref<80xi32, #tpu.memory_space<vmem>>) target_semaphore(%arg16 : memref<!tpu.dma_semaphore, #tpu.memory_space<semaphore_mem>>)
    %dma_wait3A = arith.constant 0 : i32
    %dma_wait3A_21 = arith.constant 0 : i32
    %dma_wait3A_22 = tpu.memref_slice %arg3[%dma_wait3A, %dma_wait3A_21] : memref<500x256xf32, #tpu.memory_space<hbm>> -> memref<500x256xf32, #tpu.memory_space<hbm>>
    tpu.wait_indirect_dma semaphore(%arg17 : memref<!tpu.dma_semaphore, #tpu.memory_space<semaphore_mem>>) src(%dma_wait3A_22 : memref<500x256xf32, #tpu.memory_space<hbm>>) dst(%arg9 : memref<80x256xf32, #tpu.memory_space<vmem>>)
    %add3A_23 = arith.constant 0 : i32
    %add3A_24 = arith.addi %mul3A_2, %add3A_23 : i32
    %dma_start3A_25 = arith.constant 0 : i32
    %dma_start3A_26 = tpu.memref_slice %arg4[%add3A_24, %dma_start3A_25] : memref<25600x256xf32, #tpu.memory_space<hbm>> -> memref<80x256xf32, #tpu.memory_space<hbm>>
    %dma_start3A_27 = arith.constant 0 : i32
    %dma_start3A_28 = tpu.memref_slice %arg4[%add3A_24, %dma_start3A_27] : memref<25600x256xf32, #tpu.memory_space<hbm>> -> memref<80x256xf32, #tpu.memory_space<hbm>>
    tpu.enqueue_dma source(%arg9 : memref<80x256xf32, #tpu.memory_space<vmem>>) target(%dma_start3A_28 : memref<80x256xf32, #tpu.memory_space<hbm>>) target_semaphore(%arg21 : memref<!tpu.dma_semaphore, #tpu.memory_space<semaphore_mem>>)
    %dma_wait3A_29 = tpu.memref_slice %arg2[%add3A_18] : memref<25600xi32, #tpu.memory_space<hbm>> -> memref<80xi32, #tpu.memory_space<hbm>>
    %dma_wait3A_30 = tpu.memref_slice %arg2[%add3A_18] : memref<25600xi32, #tpu.memory_space<hbm>> -> memref<80xi32, #tpu.memory_space<hbm>>
    tpu.wait_dma2 semaphore(%arg16 : memref<!tpu.dma_semaphore, #tpu.memory_space<semaphore_mem>>) src(%dma_wait3A_30 : memref<80xi32, #tpu.memory_space<hbm>>) dst(%arg8 : memref<80xi32, #tpu.memory_space<vmem>>)
    %dma_start3A_31 = arith.constant 0 : i32
    %dma_start3A_32 = arith.constant 0 : i32
    %dma_start3A_33 = tpu.memref_slice %arg3[%dma_start3A_31, %dma_start3A_32] : memref<500x256xf32, #tpu.memory_space<hbm>> -> memref<500x256xf32, #tpu.memory_space<hbm>>
    tpu.enqueue_indirect_dma source(%dma_start3A_33 : memref<500x256xf32, #tpu.memory_space<hbm>>) target(%arg12 : memref<80x256xf32, #tpu.memory_space<vmem>>) offsets(%arg8 : memref<80xi32, #tpu.memory_space<vmem>>) semaphore(%arg20 : memref<!tpu.dma_semaphore, #tpu.memory_space<semaphore_mem>>)
    %add3A_34 = arith.constant 320 : i32
    %add3A_35 = arith.addi %mul3A_2, %add3A_34 : i32
    %dma_start3A_36 = tpu.memref_slice %arg2[%add3A_35] : memref<25600xi32, #tpu.memory_space<hbm>> -> memref<80xi32, #tpu.memory_space<hbm>>
    %dma_start3A_37 = tpu.memref_slice %arg2[%add3A_35] : memref<25600xi32, #tpu.memory_space<hbm>> -> memref<80xi32, #tpu.memory_space<hbm>>
    tpu.enqueue_dma source(%dma_start3A_37 : memref<80xi32, #tpu.memory_space<hbm>>) target(%arg5 : memref<80xi32, #tpu.memory_space<vmem>>) target_semaphore(%arg13 : memref<!tpu.dma_semaphore, #tpu.memory_space<semaphore_mem>>)
    %dma_wait3A_38 = arith.constant 0 : i32
    %dma_wait3A_39 = arith.constant 0 : i32
    %dma_wait3A_40 = tpu.memref_slice %arg3[%dma_wait3A_38, %dma_wait3A_39] : memref<500x256xf32, #tpu.memory_space<hbm>> -> memref<500x256xf32, #tpu.memory_space<hbm>>
    tpu.wait_indirect_dma semaphore(%arg18 : memref<!tpu.dma_semaphore, #tpu.memory_space<semaphore_mem>>) src(%dma_wait3A_40 : memref<500x256xf32, #tpu.memory_space<hbm>>) dst(%arg10 : memref<80x256xf32, #tpu.memory_space<vmem>>)
    %add3A_41 = arith.constant 80 : i32
    %add3A_42 = arith.addi %mul3A_2, %add3A_41 : i32
    %dma_start3A_43 = arith.constant 0 : i32
    %dma_start3A_44 = tpu.memref_slice %arg4[%add3A_42, %dma_start3A_43] : memref<25600x256xf32, #tpu.memory_space<hbm>> -> memref<80x256xf32, #tpu.memory_space<hbm>>
    %dma_start3A_45 = arith.constant 0 : i32
    %dma_start3A_46 = tpu.memref_slice %arg4[%add3A_42, %dma_start3A_45] : memref<25600x256xf32, #tpu.memory_space<hbm>> -> memref<80x256xf32, #tpu.memory_space<hbm>>
    tpu.enqueue_dma source(%arg10 : memref<80x256xf32, #tpu.memory_space<vmem>>) target(%dma_start3A_46 : memref<80x256xf32, #tpu.memory_space<hbm>>) target_semaphore(%arg22 : memref<!tpu.dma_semaphore, #tpu.memory_space<semaphore_mem>>)
    %dma_wait3A_47 = arith.constant 0 : i32
    %dma_wait3A_48 = tpu.memref_slice %arg4[%add3A_24, %dma_wait3A_47] : memref<25600x256xf32, #tpu.memory_space<hbm>> -> memref<80x256xf32, #tpu.memory_space<hbm>>
    %dma_wait3A_49 = arith.constant 0 : i32
    %dma_wait3A_50 = tpu.memref_slice %arg4[%add3A_24, %dma_wait3A_49] : memref<25600x256xf32, #tpu.memory_space<hbm>> -> memref<80x256xf32, #tpu.memory_space<hbm>>
    tpu.wait_dma2 semaphore(%arg21 : memref<!tpu.dma_semaphore, #tpu.memory_space<semaphore_mem>>) src(%arg9 : memref<80x256xf32, #tpu.memory_space<vmem>>) dst(%dma_wait3A_50 : memref<80x256xf32, #tpu.memory_space<hbm>>)
    %dma_wait3A_51 = tpu.memref_slice %arg2[%add3A_35] : memref<25600xi32, #tpu.memory_space<hbm>> -> memref<80xi32, #tpu.memory_space<hbm>>
    %dma_wait3A_52 = tpu.memref_slice %arg2[%add3A_35] : memref<25600xi32, #tpu.memory_space<hbm>> -> memref<80xi32, #tpu.memory_space<hbm>>
    tpu.wait_dma2 semaphore(%arg13 : memref<!tpu.dma_semaphore, #tpu.memory_space<semaphore_mem>>) src(%dma_wait3A_52 : memref<80xi32, #tpu.memory_space<hbm>>) dst(%arg5 : memref<80xi32, #tpu.memory_space<vmem>>)
    %dma_start3A_53 = arith.constant 0 : i32
    %dma_start3A_54 = arith.constant 0 : i32
    %dma_start3A_55 = tpu.memref_slice %arg3[%dma_start3A_53, %dma_start3A_54] : memref<500x256xf32, #tpu.memory_space<hbm>> -> memref<500x256xf32, #tpu.memory_space<hbm>>
    tpu.enqueue_indirect_dma source(%dma_start3A_55 : memref<500x256xf32, #tpu.memory_space<hbm>>) target(%arg9 : memref<80x256xf32, #tpu.memory_space<vmem>>) offsets(%arg5 : memref<80xi32, #tpu.memory_space<vmem>>) semaphore(%arg17 : memref<!tpu.dma_semaphore, #tpu.memory_space<semaphore_mem>>)
    %add3A_56 = arith.constant 400 : i32
    %add3A_57 = arith.addi %mul3A_2, %add3A_56 : i32
    %dma_start3A_58 = tpu.memref_slice %arg2[%add3A_57] : memref<25600xi32, #tpu.memory_space<hbm>> -> memref<80xi32, #tpu.memory_space<hbm>>
    %dma_start3A_59 = tpu.memref_slice %arg2[%add3A_57] : memref<25600xi32, #tpu.memory_space<hbm>> -> memref<80xi32, #tpu.memory_space<hbm>>
    tpu.enqueue_dma source(%dma_start3A_59 : memref<80xi32, #tpu.memory_space<hbm>>) target(%arg6 : memref<80xi32, #tpu.memory_space<vmem>>) target_semaphore(%arg14 : memref<!tpu.dma_semaphore, #tpu.memory_space<semaphore_mem>>)
    %dma_wait3A_60 = arith.constant 0 : i32
    %dma_wait3A_61 = arith.constant 0 : i32
    %dma_wait3A_62 = tpu.memref_slice %arg3[%dma_wait3A_60, %dma_wait3A_61] : memref<500x256xf32, #tpu.memory_space<hbm>> -> memref<500x256xf32, #tpu.memory_space<hbm>>
    tpu.wait_indirect_dma semaphore(%arg19 : memref<!tpu.dma_semaphore, #tpu.memory_space<semaphore_mem>>) src(%dma_wait3A_62 : memref<500x256xf32, #tpu.memory_space<hbm>>) dst(%arg11 : memref<80x256xf32, #tpu.memory_space<vmem>>)
    %add3A_63 = arith.constant 160 : i32
    %add3A_64 = arith.addi %mul3A_2, %add3A_63 : i32
    %dma_start3A_65 = arith.constant 0 : i32
    %dma_start3A_66 = tpu.memref_slice %arg4[%add3A_64, %dma_start3A_65] : memref<25600x256xf32, #tpu.memory_space<hbm>> -> memref<80x256xf32, #tpu.memory_space<hbm>>
    %dma_start3A_67 = arith.constant 0 : i32
    %dma_start3A_68 = tpu.memref_slice %arg4[%add3A_64, %dma_start3A_67] : memref<25600x256xf32, #tpu.memory_space<hbm>> -> memref<80x256xf32, #tpu.memory_space<hbm>>
    tpu.enqueue_dma source(%arg11 : memref<80x256xf32, #tpu.memory_space<vmem>>) target(%dma_start3A_68 : memref<80x256xf32, #tpu.memory_space<hbm>>) target_semaphore(%arg23 : memref<!tpu.dma_semaphore, #tpu.memory_space<semaphore_mem>>)
    %dma_wait3A_69 = arith.constant 0 : i32
    %dma_wait3A_70 = tpu.memref_slice %arg4[%add3A_42, %dma_wait3A_69] : memref<25600x256xf32, #tpu.memory_space<hbm>> -> memref<80x256xf32, #tpu.memory_space<hbm>>
    %dma_wait3A_71 = arith.constant 0 : i32
    %dma_wait3A_72 = tpu.memref_slice %arg4[%add3A_42, %dma_wait3A_71] : memref<25600x256xf32, #tpu.memory_space<hbm>> -> memref<80x256xf32, #tpu.memory_space<hbm>>
    tpu.wait_dma2 semaphore(%arg22 : memref<!tpu.dma_semaphore, #tpu.memory_space<semaphore_mem>>) src(%arg10 : memref<80x256xf32, #tpu.memory_space<vmem>>) dst(%dma_wait3A_72 : memref<80x256xf32, #tpu.memory_space<hbm>>)
    %dma_wait3A_73 = tpu.memref_slice %arg2[%add3A_57] : memref<25600xi32, #tpu.memory_space<hbm>> -> memref<80xi32, #tpu.memory_space<hbm>>
    %dma_wait3A_74 = tpu.memref_slice %arg2[%add3A_57] : memref<25600xi32, #tpu.memory_space<hbm>> -> memref<80xi32, #tpu.memory_space<hbm>>
    tpu.wait_dma2 semaphore(%arg14 : memref<!tpu.dma_semaphore, #tpu.memory_space<semaphore_mem>>) src(%dma_wait3A_74 : memref<80xi32, #tpu.memory_space<hbm>>) dst(%arg6 : memref<80xi32, #tpu.memory_space<vmem>>)
    %dma_start3A_75 = arith.constant 0 : i32
    %dma_start3A_76 = arith.constant 0 : i32
    %dma_start3A_77 = tpu.memref_slice %arg3[%dma_start3A_75, %dma_start3A_76] : memref<500x256xf32, #tpu.memory_space<hbm>> -> memref<500x256xf32, #tpu.memory_space<hbm>>
    tpu.enqueue_indirect_dma source(%dma_start3A_77 : memref<500x256xf32, #tpu.memory_space<hbm>>) target(%arg10 : memref<80x256xf32, #tpu.memory_space<vmem>>) offsets(%arg6 : memref<80xi32, #tpu.memory_space<vmem>>) semaphore(%arg18 : memref<!tpu.dma_semaphore, #tpu.memory_space<semaphore_mem>>)
    %add3A_78 = arith.constant 480 : i32
    %add3A_79 = arith.addi %mul3A_2, %add3A_78 : i32
    %dma_start3A_80 = tpu.memref_slice %arg2[%add3A_79] : memref<25600xi32, #tpu.memory_space<hbm>> -> memref<80xi32, #tpu.memory_space<hbm>>
    %dma_start3A_81 = tpu.memref_slice %arg2[%add3A_79] : memref<25600xi32, #tpu.memory_space<hbm>> -> memref<80xi32, #tpu.memory_space<hbm>>
    tpu.enqueue_dma source(%dma_start3A_81 : memref<80xi32, #tpu.memory_space<hbm>>) target(%arg7 : memref<80xi32, #tpu.memory_space<vmem>>) target_semaphore(%arg15 : memref<!tpu.dma_semaphore, #tpu.memory_space<semaphore_mem>>)
    %dma_wait3A_82 = arith.constant 0 : i32
    %dma_wait3A_83 = arith.constant 0 : i32
    %dma_wait3A_84 = tpu.memref_slice %arg3[%dma_wait3A_82, %dma_wait3A_83] : memref<500x256xf32, #tpu.memory_space<hbm>> -> memref<500x256xf32, #tpu.memory_space<hbm>>
    tpu.wait_indirect_dma semaphore(%arg20 : memref<!tpu.dma_semaphore, #tpu.memory_space<semaphore_mem>>) src(%dma_wait3A_84 : memref<500x256xf32, #tpu.memory_space<hbm>>) dst(%arg12 : memref<80x256xf32, #tpu.memory_space<vmem>>)
    %add3A_85 = arith.constant 240 : i32
    %add3A_86 = arith.addi %mul3A_2, %add3A_85 : i32
    %dma_start3A_87 = arith.constant 0 : i32
    %dma_start3A_88 = tpu.memref_slice %arg4[%add3A_86, %dma_start3A_87] : memref<25600x256xf32, #tpu.memory_space<hbm>> -> memref<80x256xf32, #tpu.memory_space<hbm>>
    %dma_start3A_89 = arith.constant 0 : i32
    %dma_start3A_90 = tpu.memref_slice %arg4[%add3A_86, %dma_start3A_89] : memref<25600x256xf32, #tpu.memory_space<hbm>> -> memref<80x256xf32, #tpu.memory_space<hbm>>
    tpu.enqueue_dma source(%arg12 : memref<80x256xf32, #tpu.memory_space<vmem>>) target(%dma_start3A_90 : memref<80x256xf32, #tpu.memory_space<hbm>>) target_semaphore(%arg24 : memref<!tpu.dma_semaphore, #tpu.memory_space<semaphore_mem>>)
    %dma_wait3A_91 = arith.constant 0 : i32
    %dma_wait3A_92 = tpu.memref_slice %arg4[%add3A_64, %dma_wait3A_91] : memref<25600x256xf32, #tpu.memory_space<hbm>> -> memref<80x256xf32, #tpu.memory_space<hbm>>
    %dma_wait3A_93 = arith.constant 0 : i32
    %dma_wait3A_94 = tpu.memref_slice %arg4[%add3A_64, %dma_wait3A_93] : memref<25600x256xf32, #tpu.memory_space<hbm>> -> memref<80x256xf32, #tpu.memory_space<hbm>>
    tpu.wait_dma2 semaphore(%arg23 : memref<!tpu.dma_semaphore, #tpu.memory_space<semaphore_mem>>) src(%arg11 : memref<80x256xf32, #tpu.memory_space<vmem>>) dst(%dma_wait3A_94 : memref<80x256xf32, #tpu.memory_space<hbm>>)
    %dma_wait3A_95 = tpu.memref_slice %arg2[%add3A_79] : memref<25600xi32, #tpu.memory_space<hbm>> -> memref<80xi32, #tpu.memory_space<hbm>>
    %dma_wait3A_96 = tpu.memref_slice %arg2[%add3A_79] : memref<25600xi32, #tpu.memory_space<hbm>> -> memref<80xi32, #tpu.memory_space<hbm>>
    tpu.wait_dma2 semaphore(%arg15 : memref<!tpu.dma_semaphore, #tpu.memory_space<semaphore_mem>>) src(%dma_wait3A_96 : memref<80xi32, #tpu.memory_space<hbm>>) dst(%arg7 : memref<80xi32, #tpu.memory_space<vmem>>)
    %dma_start3A_97 = arith.constant 0 : i32
    %dma_start3A_98 = arith.constant 0 : i32
    %dma_start3A_99 = tpu.memref_slice %arg3[%dma_start3A_97, %dma_start3A_98] : memref<500x256xf32, #tpu.memory_space<hbm>> -> memref<500x256xf32, #tpu.memory_space<hbm>>
    tpu.enqueue_indirect_dma source(%dma_start3A_99 : memref<500x256xf32, #tpu.memory_space<hbm>>) target(%arg11 : memref<80x256xf32, #tpu.memory_space<vmem>>) offsets(%arg7 : memref<80xi32, #tpu.memory_space<vmem>>) semaphore(%arg19 : memref<!tpu.dma_semaphore, #tpu.memory_space<semaphore_mem>>)
    %add3A_100 = arith.constant 560 : i32
    %add3A_101 = arith.addi %mul3A_2, %add3A_100 : i32
    %dma_start3A_102 = tpu.memref_slice %arg2[%add3A_101] : memref<25600xi32, #tpu.memory_space<hbm>> -> memref<80xi32, #tpu.memory_space<hbm>>
    %dma_start3A_103 = tpu.memref_slice %arg2[%add3A_101] : memref<25600xi32, #tpu.memory_space<hbm>> -> memref<80xi32, #tpu.memory_space<hbm>>
    tpu.enqueue_dma source(%dma_start3A_103 : memref<80xi32, #tpu.memory_space<hbm>>) target(%arg8 : memref<80xi32, #tpu.memory_space<vmem>>) target_semaphore(%arg16 : memref<!tpu.dma_semaphore, #tpu.memory_space<semaphore_mem>>)
    %dma_wait3A_104 = arith.constant 0 : i32
    %dma_wait3A_105 = arith.constant 0 : i32
    %dma_wait3A_106 = tpu.memref_slice %arg3[%dma_wait3A_104, %dma_wait3A_105] : memref<500x256xf32, #tpu.memory_space<hbm>> -> memref<500x256xf32, #tpu.memory_space<hbm>>
    tpu.wait_indirect_dma semaphore(%arg17 : memref<!tpu.dma_semaphore, #tpu.memory_space<semaphore_mem>>) src(%dma_wait3A_106 : memref<500x256xf32, #tpu.memory_space<hbm>>) dst(%arg9 : memref<80x256xf32, #tpu.memory_space<vmem>>)
    %add3A_107 = arith.constant 320 : i32
    %add3A_108 = arith.addi %mul3A_2, %add3A_107 : i32
    %dma_start3A_109 = arith.constant 0 : i32
    %dma_start3A_110 = tpu.memref_slice %arg4[%add3A_108, %dma_start3A_109] : memref<25600x256xf32, #tpu.memory_space<hbm>> -> memref<80x256xf32, #tpu.memory_space<hbm>>
    %dma_start3A_111 = arith.constant 0 : i32
    %dma_start3A_112 = tpu.memref_slice %arg4[%add3A_108, %dma_start3A_111] : memref<25600x256xf32, #tpu.memory_space<hbm>> -> memref<80x256xf32, #tpu.memory_space<hbm>>
    tpu.enqueue_dma source(%arg9 : memref<80x256xf32, #tpu.memory_space<vmem>>) target(%dma_start3A_112 : memref<80x256xf32, #tpu.memory_space<hbm>>) target_semaphore(%arg21 : memref<!tpu.dma_semaphore, #tpu.memory_space<semaphore_mem>>)
    %dma_wait3A_113 = arith.constant 0 : i32
    %dma_wait3A_114 = tpu.memref_slice %arg4[%add3A_86, %dma_wait3A_113] : memref<25600x256xf32, #tpu.memory_space<hbm>> -> memref<80x256xf32, #tpu.memory_space<hbm>>
    %dma_wait3A_115 = arith.constant 0 : i32
    %dma_wait3A_116 = tpu.memref_slice %arg4[%add3A_86, %dma_wait3A_115] : memref<25600x256xf32, #tpu.memory_space<hbm>> -> memref<80x256xf32, #tpu.memory_space<hbm>>
    tpu.wait_dma2 semaphore(%arg24 : memref<!tpu.dma_semaphore, #tpu.memory_space<semaphore_mem>>) src(%arg12 : memref<80x256xf32, #tpu.memory_space<vmem>>) dst(%dma_wait3A_116 : memref<80x256xf32, #tpu.memory_space<hbm>>)
    %dma_wait3A_117 = tpu.memref_slice %arg2[%add3A_101] : memref<25600xi32, #tpu.memory_space<hbm>> -> memref<80xi32, #tpu.memory_space<hbm>>
    %dma_wait3A_118 = tpu.memref_slice %arg2[%add3A_101] : memref<25600xi32, #tpu.memory_space<hbm>> -> memref<80xi32, #tpu.memory_space<hbm>>
    tpu.wait_dma2 semaphore(%arg16 : memref<!tpu.dma_semaphore, #tpu.memory_space<semaphore_mem>>) src(%dma_wait3A_118 : memref<80xi32, #tpu.memory_space<hbm>>) dst(%arg8 : memref<80xi32, #tpu.memory_space<vmem>>)
    %dma_start3A_119 = arith.constant 0 : i32
    %dma_start3A_120 = arith.constant 0 : i32
    %dma_start3A_121 = tpu.memref_slice %arg3[%dma_start3A_119, %dma_start3A_120] : memref<500x256xf32, #tpu.memory_space<hbm>> -> memref<500x256xf32, #tpu.memory_space<hbm>>
    tpu.enqueue_indirect_dma source(%dma_start3A_121 : memref<500x256xf32, #tpu.memory_space<hbm>>) target(%arg12 : memref<80x256xf32, #tpu.memory_space<vmem>>) offsets(%arg8 : memref<80xi32, #tpu.memory_space<vmem>>) semaphore(%arg20 : memref<!tpu.dma_semaphore, #tpu.memory_space<semaphore_mem>>)
    %add3A_122 = arith.constant 640 : i32
    %add3A_123 = arith.addi %mul3A_2, %add3A_122 : i32
    %dma_start3A_124 = tpu.memref_slice %arg2[%add3A_123] : memref<25600xi32, #tpu.memory_space<hbm>> -> memref<80xi32, #tpu.memory_space<hbm>>
    %dma_start3A_125 = tpu.memref_slice %arg2[%add3A_123] : memref<25600xi32, #tpu.memory_space<hbm>> -> memref<80xi32, #tpu.memory_space<hbm>>
    tpu.enqueue_dma source(%dma_start3A_125 : memref<80xi32, #tpu.memory_space<hbm>>) target(%arg5 : memref<80xi32, #tpu.memory_space<vmem>>) target_semaphore(%arg13 : memref<!tpu.dma_semaphore, #tpu.memory_space<semaphore_mem>>)
    %dma_wait3A_126 = arith.constant 0 : i32
    %dma_wait3A_127 = arith.constant 0 : i32
    %dma_wait3A_128 = tpu.memref_slice %arg3[%dma_wait3A_126, %dma_wait3A_127] : memref<500x256xf32, #tpu.memory_space<hbm>> -> memref<500x256xf32, #tpu.memory_space<hbm>>
    tpu.wait_indirect_dma semaphore(%arg18 : memref<!tpu.dma_semaphore, #tpu.memory_space<semaphore_mem>>) src(%dma_wait3A_128 : memref<500x256xf32, #tpu.memory_space<hbm>>) dst(%arg10 : memref<80x256xf32, #tpu.memory_space<vmem>>)
    %add3A_129 = arith.constant 400 : i32
    %add3A_130 = arith.addi %mul3A_2, %add3A_129 : i32
    %dma_start3A_131 = arith.constant 0 : i32
    %dma_start3A_132 = tpu.memref_slice %arg4[%add3A_130, %dma_start3A_131] : memref<25600x256xf32, #tpu.memory_space<hbm>> -> memref<80x256xf32, #tpu.memory_space<hbm>>
    %dma_start3A_133 = arith.constant 0 : i32
    %dma_start3A_134 = tpu.memref_slice %arg4[%add3A_130, %dma_start3A_133] : memref<25600x256xf32, #tpu.memory_space<hbm>> -> memref<80x256xf32, #tpu.memory_space<hbm>>
    tpu.enqueue_dma source(%arg10 : memref<80x256xf32, #tpu.memory_space<vmem>>) target(%dma_start3A_134 : memref<80x256xf32, #tpu.memory_space<hbm>>) target_semaphore(%arg22 : memref<!tpu.dma_semaphore, #tpu.memory_space<semaphore_mem>>)
    %dma_wait3A_135 = arith.constant 0 : i32
    %dma_wait3A_136 = tpu.memref_slice %arg4[%add3A_108, %dma_wait3A_135] : memref<25600x256xf32, #tpu.memory_space<hbm>> -> memref<80x256xf32, #tpu.memory_space<hbm>>
    %dma_wait3A_137 = arith.constant 0 : i32
    %dma_wait3A_138 = tpu.memref_slice %arg4[%add3A_108, %dma_wait3A_137] : memref<25600x256xf32, #tpu.memory_space<hbm>> -> memref<80x256xf32, #tpu.memory_space<hbm>>
    tpu.wait_dma2 semaphore(%arg21 : memref<!tpu.dma_semaphore, #tpu.memory_space<semaphore_mem>>) src(%arg9 : memref<80x256xf32, #tpu.memory_space<vmem>>) dst(%dma_wait3A_138 : memref<80x256xf32, #tpu.memory_space<hbm>>)
    %dma_wait3A_139 = tpu.memref_slice %arg2[%add3A_123] : memref<25600xi32, #tpu.memory_space<hbm>> -> memref<80xi32, #tpu.memory_space<hbm>>
    %dma_wait3A_140 = tpu.memref_slice %arg2[%add3A_123] : memref<25600xi32, #tpu.memory_space<hbm>> -> memref<80xi32, #tpu.memory_space<hbm>>
    tpu.wait_dma2 semaphore(%arg13 : memref<!tpu.dma_semaphore, #tpu.memory_space<semaphore_mem>>) src(%dma_wait3A_140 : memref<80xi32, #tpu.memory_space<hbm>>) dst(%arg5 : memref<80xi32, #tpu.memory_space<vmem>>)
    %dma_start3A_141 = arith.constant 0 : i32
    %dma_start3A_142 = arith.constant 0 : i32
    %dma_start3A_143 = tpu.memref_slice %arg3[%dma_start3A_141, %dma_start3A_142] : memref<500x256xf32, #tpu.memory_space<hbm>> -> memref<500x256xf32, #tpu.memory_space<hbm>>
    tpu.enqueue_indirect_dma source(%dma_start3A_143 : memref<500x256xf32, #tpu.memory_space<hbm>>) target(%arg9 : memref<80x256xf32, #tpu.memory_space<vmem>>) offsets(%arg5 : memref<80xi32, #tpu.memory_space<vmem>>) semaphore(%arg17 : memref<!tpu.dma_semaphore, #tpu.memory_space<semaphore_mem>>)
    %add3A_144 = arith.constant 720 : i32
    %add3A_145 = arith.addi %mul3A_2, %add3A_144 : i32
    %dma_start3A_146 = tpu.memref_slice %arg2[%add3A_145] : memref<25600xi32, #tpu.memory_space<hbm>> -> memref<80xi32, #tpu.memory_space<hbm>>
    %dma_start3A_147 = tpu.memref_slice %arg2[%add3A_145] : memref<25600xi32, #tpu.memory_space<hbm>> -> memref<80xi32, #tpu.memory_space<hbm>>
    tpu.enqueue_dma source(%dma_start3A_147 : memref<80xi32, #tpu.memory_space<hbm>>) target(%arg6 : memref<80xi32, #tpu.memory_space<vmem>>) target_semaphore(%arg14 : memref<!tpu.dma_semaphore, #tpu.memory_space<semaphore_mem>>)
    %dma_wait3A_148 = arith.constant 0 : i32
    %dma_wait3A_149 = arith.constant 0 : i32
    %dma_wait3A_150 = tpu.memref_slice %arg3[%dma_wait3A_148, %dma_wait3A_149] : memref<500x256xf32, #tpu.memory_space<hbm>> -> memref<500x256xf32, #tpu.memory_space<hbm>>
    tpu.wait_indirect_dma semaphore(%arg19 : memref<!tpu.dma_semaphore, #tpu.memory_space<semaphore_mem>>) src(%dma_wait3A_150 : memref<500x256xf32, #tpu.memory_space<hbm>>) dst(%arg11 : memref<80x256xf32, #tpu.memory_space<vmem>>)
    %add3A_151 = arith.constant 480 : i32
    %add3A_152 = arith.addi %mul3A_2, %add3A_151 : i32
    %dma_start3A_153 = arith.constant 0 : i32
    %dma_start3A_154 = tpu.memref_slice %arg4[%add3A_152, %dma_start3A_153] : memref<25600x256xf32, #tpu.memory_space<hbm>> -> memref<80x256xf32, #tpu.memory_space<hbm>>
    %dma_start3A_155 = arith.constant 0 : i32
    %dma_start3A_156 = tpu.memref_slice %arg4[%add3A_152, %dma_start3A_155] : memref<25600x256xf32, #tpu.memory_space<hbm>> -> memref<80x256xf32, #tpu.memory_space<hbm>>
    tpu.enqueue_dma source(%arg11 : memref<80x256xf32, #tpu.memory_space<vmem>>) target(%dma_start3A_156 : memref<80x256xf32, #tpu.memory_space<hbm>>) target_semaphore(%arg23 : memref<!tpu.dma_semaphore, #tpu.memory_space<semaphore_mem>>)
    %dma_wait3A_157 = arith.constant 0 : i32
    %dma_wait3A_158 = tpu.memref_slice %arg4[%add3A_130, %dma_wait3A_157] : memref<25600x256xf32, #tpu.memory_space<hbm>> -> memref<80x256xf32, #tpu.memory_space<hbm>>
    %dma_wait3A_159 = arith.constant 0 : i32
    %dma_wait3A_160 = tpu.memref_slice %arg4[%add3A_130, %dma_wait3A_159] : memref<25600x256xf32, #tpu.memory_space<hbm>> -> memref<80x256xf32, #tpu.memory_space<hbm>>
    tpu.wait_dma2 semaphore(%arg22 : memref<!tpu.dma_semaphore, #tpu.memory_space<semaphore_mem>>) src(%arg10 : memref<80x256xf32, #tpu.memory_space<vmem>>) dst(%dma_wait3A_160 : memref<80x256xf32, #tpu.memory_space<hbm>>)
    %dma_wait3A_161 = tpu.memref_slice %arg2[%add3A_145] : memref<25600xi32, #tpu.memory_space<hbm>> -> memref<80xi32, #tpu.memory_space<hbm>>
    %dma_wait3A_162 = tpu.memref_slice %arg2[%add3A_145] : memref<25600xi32, #tpu.memory_space<hbm>> -> memref<80xi32, #tpu.memory_space<hbm>>
    tpu.wait_dma2 semaphore(%arg14 : memref<!tpu.dma_semaphore, #tpu.memory_space<semaphore_mem>>) src(%dma_wait3A_162 : memref<80xi32, #tpu.memory_space<hbm>>) dst(%arg6 : memref<80xi32, #tpu.memory_space<vmem>>)
    %dma_start3A_163 = arith.constant 0 : i32
    %dma_start3A_164 = arith.constant 0 : i32
    %dma_start3A_165 = tpu.memref_slice %arg3[%dma_start3A_163, %dma_start3A_164] : memref<500x256xf32, #tpu.memory_space<hbm>> -> memref<500x256xf32, #tpu.memory_space<hbm>>
    tpu.enqueue_indirect_dma source(%dma_start3A_165 : memref<500x256xf32, #tpu.memory_space<hbm>>) target(%arg10 : memref<80x256xf32, #tpu.memory_space<vmem>>) offsets(%arg6 : memref<80xi32, #tpu.memory_space<vmem>>) semaphore(%arg18 : memref<!tpu.dma_semaphore, #tpu.memory_space<semaphore_mem>>)
    %dma_wait3A_166 = arith.constant 0 : i32
    %dma_wait3A_167 = arith.constant 0 : i32
    %dma_wait3A_168 = tpu.memref_slice %arg3[%dma_wait3A_166, %dma_wait3A_167] : memref<500x256xf32, #tpu.memory_space<hbm>> -> memref<500x256xf32, #tpu.memory_space<hbm>>
    tpu.wait_indirect_dma semaphore(%arg20 : memref<!tpu.dma_semaphore, #tpu.memory_space<semaphore_mem>>) src(%dma_wait3A_168 : memref<500x256xf32, #tpu.memory_space<hbm>>) dst(%arg12 : memref<80x256xf32, #tpu.memory_space<vmem>>)
    %add3A_169 = arith.constant 560 : i32
    %add3A_170 = arith.addi %mul3A_2, %add3A_169 : i32
    %dma_start3A_171 = arith.constant 0 : i32
    %dma_start3A_172 = tpu.memref_slice %arg4[%add3A_170, %dma_start3A_171] : memref<25600x256xf32, #tpu.memory_space<hbm>> -> memref<80x256xf32, #tpu.memory_space<hbm>>
    %dma_start3A_173 = arith.constant 0 : i32
    %dma_start3A_174 = tpu.memref_slice %arg4[%add3A_170, %dma_start3A_173] : memref<25600x256xf32, #tpu.memory_space<hbm>> -> memref<80x256xf32, #tpu.memory_space<hbm>>
    tpu.enqueue_dma source(%arg12 : memref<80x256xf32, #tpu.memory_space<vmem>>) target(%dma_start3A_174 : memref<80x256xf32, #tpu.memory_space<hbm>>) target_semaphore(%arg24 : memref<!tpu.dma_semaphore, #tpu.memory_space<semaphore_mem>>)
    %dma_wait3A_175 = arith.constant 0 : i32
    %dma_wait3A_176 = arith.constant 0 : i32
    %dma_wait3A_177 = tpu.memref_slice %arg3[%dma_wait3A_175, %dma_wait3A_176] : memref<500x256xf32, #tpu.memory_space<hbm>> -> memref<500x256xf32, #tpu.memory_space<hbm>>
    tpu.wait_indirect_dma semaphore(%arg17 : memref<!tpu.dma_semaphore, #tpu.memory_space<semaphore_mem>>) src(%dma_wait3A_177 : memref<500x256xf32, #tpu.memory_space<hbm>>) dst(%arg9 : memref<80x256xf32, #tpu.memory_space<vmem>>)
    %add3A_178 = arith.constant 640 : i32
    %add3A_179 = arith.addi %mul3A_2, %add3A_178 : i32
    %dma_start3A_180 = arith.constant 0 : i32
    %dma_start3A_181 = tpu.memref_slice %arg4[%add3A_179, %dma_start3A_180] : memref<25600x256xf32, #tpu.memory_space<hbm>> -> memref<80x256xf32, #tpu.memory_space<hbm>>
    %dma_start3A_182 = arith.constant 0 : i32
    %dma_start3A_183 = tpu.memref_slice %arg4[%add3A_179, %dma_start3A_182] : memref<25600x256xf32, #tpu.memory_space<hbm>> -> memref<80x256xf32, #tpu.memory_space<hbm>>
    tpu.enqueue_dma source(%arg9 : memref<80x256xf32, #tpu.memory_space<vmem>>) target(%dma_start3A_183 : memref<80x256xf32, #tpu.memory_space<hbm>>) target_semaphore(%arg21 : memref<!tpu.dma_semaphore, #tpu.memory_space<semaphore_mem>>)
    %dma_wait3A_184 = arith.constant 0 : i32
    %dma_wait3A_185 = arith.constant 0 : i32
    %dma_wait3A_186 = tpu.memref_slice %arg3[%dma_wait3A_184, %dma_wait3A_185] : memref<500x256xf32, #tpu.memory_space<hbm>> -> memref<500x256xf32, #tpu.memory_space<hbm>>
    tpu.wait_indirect_dma semaphore(%arg18 : memref<!tpu.dma_semaphore, #tpu.memory_space<semaphore_mem>>) src(%dma_wait3A_186 : memref<500x256xf32, #tpu.memory_space<hbm>>) dst(%arg10 : memref<80x256xf32, #tpu.memory_space<vmem>>)
    %add3A_187 = arith.constant 720 : i32
    %add3A_188 = arith.addi %mul3A_2, %add3A_187 : i32
    %dma_start3A_189 = arith.constant 0 : i32
    %dma_start3A_190 = tpu.memref_slice %arg4[%add3A_188, %dma_start3A_189] : memref<25600x256xf32, #tpu.memory_space<hbm>> -> memref<80x256xf32, #tpu.memory_space<hbm>>
    %dma_start3A_191 = arith.constant 0 : i32
    %dma_start3A_192 = tpu.memref_slice %arg4[%add3A_188, %dma_start3A_191] : memref<25600x256xf32, #tpu.memory_space<hbm>> -> memref<80x256xf32, #tpu.memory_space<hbm>>
    tpu.enqueue_dma source(%arg10 : memref<80x256xf32, #tpu.memory_space<vmem>>) target(%dma_start3A_192 : memref<80x256xf32, #tpu.memory_space<hbm>>) target_semaphore(%arg22 : memref<!tpu.dma_semaphore, #tpu.memory_space<semaphore_mem>>)
    %dma_wait3A_193 = arith.constant 0 : i32
    %dma_wait3A_194 = tpu.memref_slice %arg4[%add3A_179, %dma_wait3A_193] : memref<25600x256xf32, #tpu.memory_space<hbm>> -> memref<80x256xf32, #tpu.memory_space<hbm>>
    %dma_wait3A_195 = arith.constant 0 : i32
    %dma_wait3A_196 = tpu.memref_slice %arg4[%add3A_179, %dma_wait3A_195] : memref<25600x256xf32, #tpu.memory_space<hbm>> -> memref<80x256xf32, #tpu.memory_space<hbm>>
    tpu.wait_dma2 semaphore(%arg21 : memref<!tpu.dma_semaphore, #tpu.memory_space<semaphore_mem>>) src(%arg9 : memref<80x256xf32, #tpu.memory_space<vmem>>) dst(%dma_wait3A_196 : memref<80x256xf32, #tpu.memory_space<hbm>>)
    %dma_wait3A_197 = arith.constant 0 : i32
    %dma_wait3A_198 = tpu.memref_slice %arg4[%add3A_188, %dma_wait3A_197] : memref<25600x256xf32, #tpu.memory_space<hbm>> -> memref<80x256xf32, #tpu.memory_space<hbm>>
    %dma_wait3A_199 = arith.constant 0 : i32
    %dma_wait3A_200 = tpu.memref_slice %arg4[%add3A_188, %dma_wait3A_199] : memref<25600x256xf32, #tpu.memory_space<hbm>> -> memref<80x256xf32, #tpu.memory_space<hbm>>
    tpu.wait_dma2 semaphore(%arg22 : memref<!tpu.dma_semaphore, #tpu.memory_space<semaphore_mem>>) src(%arg10 : memref<80x256xf32, #tpu.memory_space<vmem>>) dst(%dma_wait3A_200 : memref<80x256xf32, #tpu.memory_space<hbm>>)
    %dma_wait3A_201 = arith.constant 0 : i32
    %dma_wait3A_202 = tpu.memref_slice %arg4[%add3A_152, %dma_wait3A_201] : memref<25600x256xf32, #tpu.memory_space<hbm>> -> memref<80x256xf32, #tpu.memory_space<hbm>>
    %dma_wait3A_203 = arith.constant 0 : i32
    %dma_wait3A_204 = tpu.memref_slice %arg4[%add3A_152, %dma_wait3A_203] : memref<25600x256xf32, #tpu.memory_space<hbm>> -> memref<80x256xf32, #tpu.memory_space<hbm>>
    tpu.wait_dma2 semaphore(%arg23 : memref<!tpu.dma_semaphore, #tpu.memory_space<semaphore_mem>>) src(%arg11 : memref<80x256xf32, #tpu.memory_space<vmem>>) dst(%dma_wait3A_204 : memref<80x256xf32, #tpu.memory_space<hbm>>)
    %dma_wait3A_205 = arith.constant 0 : i32
    %dma_wait3A_206 = tpu.memref_slice %arg4[%add3A_170, %dma_wait3A_205] : memref<25600x256xf32, #tpu.memory_space<hbm>> -> memref<80x256xf32, #tpu.memory_space<hbm>>
    %dma_wait3A_207 = arith.constant 0 : i32
    %dma_wait3A_208 = tpu.memref_slice %arg4[%add3A_170, %dma_wait3A_207] : memref<25600x256xf32, #tpu.memory_space<hbm>> -> memref<80x256xf32, #tpu.memory_space<hbm>>
    tpu.wait_dma2 semaphore(%arg24 : memref<!tpu.dma_semaphore, #tpu.memory_space<semaphore_mem>>) src(%arg12 : memref<80x256xf32, #tpu.memory_space<vmem>>) dst(%dma_wait3A_208 : memref<80x256xf32, #tpu.memory_space<hbm>>)
    return
  }
}

#map = affine_map<(d0, d1) -> (0)>
#map1 = affine_map<(d0, d1) -> (0, 0)>
module attributes {stable_mosaic.version = 14 : i64} {
  func.func @sc_gather(%arg0: i32, %arg1: i32, %arg2: memref<25600xi32, #tpu.memory_space<hbm>>, %arg3: memref<500x256xf32, #tpu.memory_space<hbm>>, %arg4: memref<25600x256xf32, #tpu.memory_space<hbm>>, %arg5: memref<80xi32, #tpu.memory_space<vmem>>, %arg6: memref<80xi32, #tpu.memory_space<vmem>>, %arg7: memref<80xi32, #tpu.memory_space<vmem>>, %arg8: memref<80xi32, #tpu.memory_space<vmem>>, %arg9: memref<80x256xf32, #tpu.memory_space<vmem>>, %arg10: memref<80x256xf32, #tpu.memory_space<vmem>>, %arg11: memref<80x256xf32, #tpu.memory_space<vmem>>, %arg12: memref<80x256xf32, #tpu.memory_space<vmem>>, %arg13: memref<!tpu.dma_semaphore, #tpu.memory_space<semaphore_mem>>, %arg14: memref<!tpu.dma_semaphore, #tpu.memory_space<semaphore_mem>>, %arg15: memref<!tpu.dma_semaphore, #tpu.memory_space<semaphore_mem>>, %arg16: memref<!tpu.dma_semaphore, #tpu.memory_space<semaphore_mem>>, %arg17: memref<!tpu.dma_semaphore, #tpu.memory_space<semaphore_mem>>, %arg18: memref<!tpu.dma_semaphore, #tpu.memory_space<semaphore_mem>>, %arg19: memref<!tpu.dma_semaphore, #tpu.memory_space<semaphore_mem>>, %arg20: memref<!tpu.dma_semaphore, #tpu.memory_space<semaphore_mem>>, %arg21: memref<!tpu.dma_semaphore, #tpu.memory_space<semaphore_mem>>, %arg22: memref<!tpu.dma_semaphore, #tpu.memory_space<semaphore_mem>>, %arg23: memref<!tpu.dma_semaphore, #tpu.memory_space<semaphore_mem>>, %arg24: memref<!tpu.dma_semaphore, #tpu.memory_space<semaphore_mem>>) attributes {dimension_semantics = [#tpu.dimension_semantics<core_parallel>, #tpu.dimension_semantics<subcore_parallel>], iteration_bounds = array<i64: 2, 16>, scalar_prefetch = 0 : i64, scratch_operands = 20 : i64, tpu.core_type = #tpu.core_type<sc_vector_subcore>, window_params = [{transform_indices = #map}, {transform_indices = #map1}, {transform_indices = #map1}]} {
    %mul3A = arith.constant 2 : i32
    %mul3A_0 = arith.muli %arg1, %mul3A : i32
    %add3A = arith.addi %mul3A_0, %arg0 : i32
    %mul3A_1 = arith.constant 800 : i32
    %mul3A_2 = arith.muli %add3A, %mul3A_1 : i32
    %add3A_3 = arith.constant 0 : i32
    %add3A_4 = arith.addi %mul3A_2, %add3A_3 : i32
    "tpu.region"() ({
      %run_scoped3A = tpu.sem_alloc : memref<!tpu.dma_semaphore, #tpu.memory_space<semaphore_mem>>
      %dma_start3A_209 = tpu.memref_slice %arg2[%add3A_4] : memref<25600xi32, #tpu.memory_space<hbm>> -> memref<80xi32, #tpu.memory_space<hbm>>
      %dma_start3A_210 = tpu.memref_slice %arg2[%add3A_4] : memref<25600xi32, #tpu.memory_space<hbm>> -> memref<80xi32, #tpu.memory_space<hbm>>
      tpu.enqueue_dma source(%dma_start3A_210 : memref<80xi32, #tpu.memory_space<hbm>>) target(%arg5 : memref<80xi32, #tpu.memory_space<vmem>>) target_semaphore(%run_scoped3A : memref<!tpu.dma_semaphore, #tpu.memory_space<semaphore_mem>>)
      %dma_wait3A_211 = tpu.memref_slice %arg2[%add3A_4] : memref<25600xi32, #tpu.memory_space<hbm>> -> memref<80xi32, #tpu.memory_space<hbm>>
      %dma_wait3A_212 = tpu.memref_slice %arg2[%add3A_4] : memref<25600xi32, #tpu.memory_space<hbm>> -> memref<80xi32, #tpu.memory_space<hbm>>
      tpu.wait_dma2 semaphore(%run_scoped3A : memref<!tpu.dma_semaphore, #tpu.memory_space<semaphore_mem>>) src(%dma_wait3A_212 : memref<80xi32, #tpu.memory_space<hbm>>) dst(%arg5 : memref<80xi32, #tpu.memory_space<vmem>>)
      tpu.yield
    }) : () -> ()
    %dma_start3A = arith.constant 0 : i32
    %dma_start3A_5 = arith.constant 0 : i32
    %dma_start3A_6 = tpu.memref_slice %arg3[%dma_start3A, %dma_start3A_5] : memref<500x256xf32, #tpu.memory_space<hbm>> -> memref<500x256xf32, #tpu.memory_space<hbm>>
    tpu.enqueue_indirect_dma source(%dma_start3A_6 : memref<500x256xf32, #tpu.memory_space<hbm>>) target(%arg9 : memref<80x256xf32, #tpu.memory_space<vmem>>) offsets(%arg5 : memref<80xi32, #tpu.memory_space<vmem>>) semaphore(%arg17 : memref<!tpu.dma_semaphore, #tpu.memory_space<semaphore_mem>>)
    %add3A_7 = arith.constant 80 : i32
    %add3A_8 = arith.addi %mul3A_2, %add3A_7 : i32
    "tpu.region"() ({
      %run_scoped3A = tpu.sem_alloc : memref<!tpu.dma_semaphore, #tpu.memory_space<semaphore_mem>>
      %dma_start3A_209 = tpu.memref_slice %arg2[%add3A_8] : memref<25600xi32, #tpu.memory_space<hbm>> -> memref<80xi32, #tpu.memory_space<hbm>>
      %dma_start3A_210 = tpu.memref_slice %arg2[%add3A_8] : memref<25600xi32, #tpu.memory_space<hbm>> -> memref<80xi32, #tpu.memory_space<hbm>>
      tpu.enqueue_dma source(%dma_start3A_210 : memref<80xi32, #tpu.memory_space<hbm>>) target(%arg6 : memref<80xi32, #tpu.memory_space<vmem>>) target_semaphore(%run_scoped3A : memref<!tpu.dma_semaphore, #tpu.memory_space<semaphore_mem>>)
      %dma_wait3A_211 = tpu.memref_slice %arg2[%add3A_8] : memref<25600xi32, #tpu.memory_space<hbm>> -> memref<80xi32, #tpu.memory_space<hbm>>
      %dma_wait3A_212 = tpu.memref_slice %arg2[%add3A_8] : memref<25600xi32, #tpu.memory_space<hbm>> -> memref<80xi32, #tpu.memory_space<hbm>>
      tpu.wait_dma2 semaphore(%run_scoped3A : memref<!tpu.dma_semaphore, #tpu.memory_space<semaphore_mem>>) src(%dma_wait3A_212 : memref<80xi32, #tpu.memory_space<hbm>>) dst(%arg6 : memref<80xi32, #tpu.memory_space<vmem>>)
      tpu.yield
    }) : () -> ()
    %dma_start3A_9 = arith.constant 0 : i32
    %dma_start3A_10 = arith.constant 0 : i32
    %dma_start3A_11 = tpu.memref_slice %arg3[%dma_start3A_9, %dma_start3A_10] : memref<500x256xf32, #tpu.memory_space<hbm>> -> memref<500x256xf32, #tpu.memory_space<hbm>>
    tpu.enqueue_indirect_dma source(%dma_start3A_11 : memref<500x256xf32, #tpu.memory_space<hbm>>) target(%arg10 : memref<80x256xf32, #tpu.memory_space<vmem>>) offsets(%arg6 : memref<80xi32, #tpu.memory_space<vmem>>) semaphore(%arg18 : memref<!tpu.dma_semaphore, #tpu.memory_space<semaphore_mem>>)
    %add3A_12 = arith.constant 160 : i32
    %add3A_13 = arith.addi %mul3A_2, %add3A_12 : i32
    "tpu.region"() ({
      %run_scoped3A = tpu.sem_alloc : memref<!tpu.dma_semaphore, #tpu.memory_space<semaphore_mem>>
      %dma_start3A_209 = tpu.memref_slice %arg2[%add3A_13] : memref<25600xi32, #tpu.memory_space<hbm>> -> memref<80xi32, #tpu.memory_space<hbm>>
      %dma_start3A_210 = tpu.memref_slice %arg2[%add3A_13] : memref<25600xi32, #tpu.memory_space<hbm>> -> memref<80xi32, #tpu.memory_space<hbm>>
      tpu.enqueue_dma source(%dma_start3A_210 : memref<80xi32, #tpu.memory_space<hbm>>) target(%arg7 : memref<80xi32, #tpu.memory_space<vmem>>) target_semaphore(%run_scoped3A : memref<!tpu.dma_semaphore, #tpu.memory_space<semaphore_mem>>)
      %dma_wait3A_211 = tpu.memref_slice %arg2[%add3A_13] : memref<25600xi32, #tpu.memory_space<hbm>> -> memref<80xi32, #tpu.memory_space<hbm>>
      %dma_wait3A_212 = tpu.memref_slice %arg2[%add3A_13] : memref<25600xi32, #tpu.memory_space<hbm>> -> memref<80xi32, #tpu.memory_space<hbm>>
      tpu.wait_dma2 semaphore(%run_scoped3A : memref<!tpu.dma_semaphore, #tpu.memory_space<semaphore_mem>>) src(%dma_wait3A_212 : memref<80xi32, #tpu.memory_space<hbm>>) dst(%arg7 : memref<80xi32, #tpu.memory_space<vmem>>)
      tpu.yield
    }) : () -> ()
    %dma_start3A_14 = arith.constant 0 : i32
    %dma_start3A_15 = arith.constant 0 : i32
    %dma_start3A_16 = tpu.memref_slice %arg3[%dma_start3A_14, %dma_start3A_15] : memref<500x256xf32, #tpu.memory_space<hbm>> -> memref<500x256xf32, #tpu.memory_space<hbm>>
    tpu.enqueue_indirect_dma source(%dma_start3A_16 : memref<500x256xf32, #tpu.memory_space<hbm>>) target(%arg11 : memref<80x256xf32, #tpu.memory_space<vmem>>) offsets(%arg7 : memref<80xi32, #tpu.memory_space<vmem>>) semaphore(%arg19 : memref<!tpu.dma_semaphore, #tpu.memory_space<semaphore_mem>>)
    %add3A_17 = arith.constant 240 : i32
    %add3A_18 = arith.addi %mul3A_2, %add3A_17 : i32
    %dma_start3A_19 = tpu.memref_slice %arg2[%add3A_18] : memref<25600xi32, #tpu.memory_space<hbm>> -> memref<80xi32, #tpu.memory_space<hbm>>
    %dma_start3A_20 = tpu.memref_slice %arg2[%add3A_18] : memref<25600xi32, #tpu.memory_space<hbm>> -> memref<80xi32, #tpu.memory_space<hbm>>
    tpu.enqueue_dma source(%dma_start3A_20 : memref<80xi32, #tpu.memory_space<hbm>>) target(%arg8 : memref<80xi32, #tpu.memory_space<vmem>>) target_semaphore(%arg16 : memref<!tpu.dma_semaphore, #tpu.memory_space<semaphore_mem>>)
    %dma_wait3A = arith.constant 0 : i32
    %dma_wait3A_21 = arith.constant 0 : i32
    %dma_wait3A_22 = tpu.memref_slice %arg3[%dma_wait3A, %dma_wait3A_21] : memref<500x256xf32, #tpu.memory_space<hbm>> -> memref<500x256xf32, #tpu.memory_space<hbm>>
    tpu.wait_indirect_dma semaphore(%arg17 : memref<!tpu.dma_semaphore, #tpu.memory_space<semaphore_mem>>) src(%dma_wait3A_22 : memref<500x256xf32, #tpu.memory_space<hbm>>) dst(%arg9 : memref<80x256xf32, #tpu.memory_space<vmem>>)
    %add3A_23 = arith.constant 0 : i32
    %add3A_24 = arith.addi %mul3A_2, %add3A_23 : i32
    %dma_start3A_25 = arith.constant 0 : i32
    %dma_start3A_26 = tpu.memref_slice %arg4[%add3A_24, %dma_start3A_25] : memref<25600x256xf32, #tpu.memory_space<hbm>> -> memref<80x256xf32, #tpu.memory_space<hbm>>
    %dma_start3A_27 = arith.constant 0 : i32
    %dma_start3A_28 = tpu.memref_slice %arg4[%add3A_24, %dma_start3A_27] : memref<25600x256xf32, #tpu.memory_space<hbm>> -> memref<80x256xf32, #tpu.memory_space<hbm>>
    tpu.enqueue_dma source(%arg9 : memref<80x256xf32, #tpu.memory_space<vmem>>) target(%dma_start3A_28 : memref<80x256xf32, #tpu.memory_space<hbm>>) target_semaphore(%arg21 : memref<!tpu.dma_semaphore, #tpu.memory_space<semaphore_mem>>)
    %dma_wait3A_29 = tpu.memref_slice %arg2[%add3A_18] : memref<25600xi32, #tpu.memory_space<hbm>> -> memref<80xi32, #tpu.memory_space<hbm>>
    %dma_wait3A_30 = tpu.memref_slice %arg2[%add3A_18] : memref<25600xi32, #tpu.memory_space<hbm>> -> memref<80xi32, #tpu.memory_space<hbm>>
    tpu.wait_dma2 semaphore(%arg16 : memref<!tpu.dma_semaphore, #tpu.memory_space<semaphore_mem>>) src(%dma_wait3A_30 : memref<80xi32, #tpu.memory_space<hbm>>) dst(%arg8 : memref<80xi32, #tpu.memory_space<vmem>>)
    %dma_start3A_31 = arith.constant 0 : i32
    %dma_start3A_32 = arith.constant 0 : i32
    %dma_start3A_33 = tpu.memref_slice %arg3[%dma_start3A_31, %dma_start3A_32] : memref<500x256xf32, #tpu.memory_space<hbm>> -> memref<500x256xf32, #tpu.memory_space<hbm>>
    tpu.enqueue_indirect_dma source(%dma_start3A_33 : memref<500x256xf32, #tpu.memory_space<hbm>>) target(%arg12 : memref<80x256xf32, #tpu.memory_space<vmem>>) offsets(%arg8 : memref<80xi32, #tpu.memory_space<vmem>>) semaphore(%arg20 : memref<!tpu.dma_semaphore, #tpu.memory_space<semaphore_mem>>)
    %add3A_34 = arith.constant 320 : i32
    %add3A_35 = arith.addi %mul3A_2, %add3A_34 : i32
    %dma_start3A_36 = tpu.memref_slice %arg2[%add3A_35] : memref<25600xi32, #tpu.memory_space<hbm>> -> memref<80xi32, #tpu.memory_space<hbm>>
    %dma_start3A_37 = tpu.memref_slice %arg2[%add3A_35] : memref<25600xi32, #tpu.memory_space<hbm>> -> memref<80xi32, #tpu.memory_space<hbm>>
    tpu.enqueue_dma source(%dma_start3A_37 : memref<80xi32, #tpu.memory_space<hbm>>) target(%arg5 : memref<80xi32, #tpu.memory_space<vmem>>) target_semaphore(%arg13 : memref<!tpu.dma_semaphore, #tpu.memory_space<semaphore_mem>>)
    %dma_wait3A_38 = arith.constant 0 : i32
    %dma_wait3A_39 = arith.constant 0 : i32
    %dma_wait3A_40 = tpu.memref_slice %arg3[%dma_wait3A_38, %dma_wait3A_39] : memref<500x256xf32, #tpu.memory_space<hbm>> -> memref<500x256xf32, #tpu.memory_space<hbm>>
    tpu.wait_indirect_dma semaphore(%arg18 : memref<!tpu.dma_semaphore, #tpu.memory_space<semaphore_mem>>) src(%dma_wait3A_40 : memref<500x256xf32, #tpu.memory_space<hbm>>) dst(%arg10 : memref<80x256xf32, #tpu.memory_space<vmem>>)
    %add3A_41 = arith.constant 80 : i32
    %add3A_42 = arith.addi %mul3A_2, %add3A_41 : i32
    %dma_start3A_43 = arith.constant 0 : i32
    %dma_start3A_44 = tpu.memref_slice %arg4[%add3A_42, %dma_start3A_43] : memref<25600x256xf32, #tpu.memory_space<hbm>> -> memref<80x256xf32, #tpu.memory_space<hbm>>
    %dma_start3A_45 = arith.constant 0 : i32
    %dma_start3A_46 = tpu.memref_slice %arg4[%add3A_42, %dma_start3A_45] : memref<25600x256xf32, #tpu.memory_space<hbm>> -> memref<80x256xf32, #tpu.memory_space<hbm>>
    tpu.enqueue_dma source(%arg10 : memref<80x256xf32, #tpu.memory_space<vmem>>) target(%dma_start3A_46 : memref<80x256xf32, #tpu.memory_space<hbm>>) target_semaphore(%arg22 : memref<!tpu.dma_semaphore, #tpu.memory_space<semaphore_mem>>)
    %dma_wait3A_47 = arith.constant 0 : i32
    %dma_wait3A_48 = tpu.memref_slice %arg4[%add3A_24, %dma_wait3A_47] : memref<25600x256xf32, #tpu.memory_space<hbm>> -> memref<80x256xf32, #tpu.memory_space<hbm>>
    %dma_wait3A_49 = arith.constant 0 : i32
    %dma_wait3A_50 = tpu.memref_slice %arg4[%add3A_24, %dma_wait3A_49] : memref<25600x256xf32, #tpu.memory_space<hbm>> -> memref<80x256xf32, #tpu.memory_space<hbm>>
    tpu.wait_dma2 semaphore(%arg21 : memref<!tpu.dma_semaphore, #tpu.memory_space<semaphore_mem>>) src(%arg9 : memref<80x256xf32, #tpu.memory_space<vmem>>) dst(%dma_wait3A_50 : memref<80x256xf32, #tpu.memory_space<hbm>>)
    %dma_wait3A_51 = tpu.memref_slice %arg2[%add3A_35] : memref<25600xi32, #tpu.memory_space<hbm>> -> memref<80xi32, #tpu.memory_space<hbm>>
    %dma_wait3A_52 = tpu.memref_slice %arg2[%add3A_35] : memref<25600xi32, #tpu.memory_space<hbm>> -> memref<80xi32, #tpu.memory_space<hbm>>
    tpu.wait_dma2 semaphore(%arg13 : memref<!tpu.dma_semaphore, #tpu.memory_space<semaphore_mem>>) src(%dma_wait3A_52 : memref<80xi32, #tpu.memory_space<hbm>>) dst(%arg5 : memref<80xi32, #tpu.memory_space<vmem>>)
    %dma_start3A_53 = arith.constant 0 : i32
    %dma_start3A_54 = arith.constant 0 : i32
    %dma_start3A_55 = tpu.memref_slice %arg3[%dma_start3A_53, %dma_start3A_54] : memref<500x256xf32, #tpu.memory_space<hbm>> -> memref<500x256xf32, #tpu.memory_space<hbm>>
    tpu.enqueue_indirect_dma source(%dma_start3A_55 : memref<500x256xf32, #tpu.memory_space<hbm>>) target(%arg9 : memref<80x256xf32, #tpu.memory_space<vmem>>) offsets(%arg5 : memref<80xi32, #tpu.memory_space<vmem>>) semaphore(%arg17 : memref<!tpu.dma_semaphore, #tpu.memory_space<semaphore_mem>>)
    %add3A_56 = arith.constant 400 : i32
    %add3A_57 = arith.addi %mul3A_2, %add3A_56 : i32
    %dma_start3A_58 = tpu.memref_slice %arg2[%add3A_57] : memref<25600xi32, #tpu.memory_space<hbm>> -> memref<80xi32, #tpu.memory_space<hbm>>
    %dma_start3A_59 = tpu.memref_slice %arg2[%add3A_57] : memref<25600xi32, #tpu.memory_space<hbm>> -> memref<80xi32, #tpu.memory_space<hbm>>
    tpu.enqueue_dma source(%dma_start3A_59 : memref<80xi32, #tpu.memory_space<hbm>>) target(%arg6 : memref<80xi32, #tpu.memory_space<vmem>>) target_semaphore(%arg14 : memref<!tpu.dma_semaphore, #tpu.memory_space<semaphore_mem>>)
    %dma_wait3A_60 = arith.constant 0 : i32
    %dma_wait3A_61 = arith.constant 0 : i32
    %dma_wait3A_62 = tpu.memref_slice %arg3[%dma_wait3A_60, %dma_wait3A_61] : memref<500x256xf32, #tpu.memory_space<hbm>> -> memref<500x256xf32, #tpu.memory_space<hbm>>
    tpu.wait_indirect_dma semaphore(%arg19 : memref<!tpu.dma_semaphore, #tpu.memory_space<semaphore_mem>>) src(%dma_wait3A_62 : memref<500x256xf32, #tpu.memory_space<hbm>>) dst(%arg11 : memref<80x256xf32, #tpu.memory_space<vmem>>)
    %add3A_63 = arith.constant 160 : i32
    %add3A_64 = arith.addi %mul3A_2, %add3A_63 : i32
    %dma_start3A_65 = arith.constant 0 : i32
    %dma_start3A_66 = tpu.memref_slice %arg4[%add3A_64, %dma_start3A_65] : memref<25600x256xf32, #tpu.memory_space<hbm>> -> memref<80x256xf32, #tpu.memory_space<hbm>>
    %dma_start3A_67 = arith.constant 0 : i32
    %dma_start3A_68 = tpu.memref_slice %arg4[%add3A_64, %dma_start3A_67] : memref<25600x256xf32, #tpu.memory_space<hbm>> -> memref<80x256xf32, #tpu.memory_space<hbm>>
    tpu.enqueue_dma source(%arg11 : memref<80x256xf32, #tpu.memory_space<vmem>>) target(%dma_start3A_68 : memref<80x256xf32, #tpu.memory_space<hbm>>) target_semaphore(%arg23 : memref<!tpu.dma_semaphore, #tpu.memory_space<semaphore_mem>>)
    %dma_wait3A_69 = arith.constant 0 : i32
    %dma_wait3A_70 = tpu.memref_slice %arg4[%add3A_42, %dma_wait3A_69] : memref<25600x256xf32, #tpu.memory_space<hbm>> -> memref<80x256xf32, #tpu.memory_space<hbm>>
    %dma_wait3A_71 = arith.constant 0 : i32
    %dma_wait3A_72 = tpu.memref_slice %arg4[%add3A_42, %dma_wait3A_71] : memref<25600x256xf32, #tpu.memory_space<hbm>> -> memref<80x256xf32, #tpu.memory_space<hbm>>
    tpu.wait_dma2 semaphore(%arg22 : memref<!tpu.dma_semaphore, #tpu.memory_space<semaphore_mem>>) src(%arg10 : memref<80x256xf32, #tpu.memory_space<vmem>>) dst(%dma_wait3A_72 : memref<80x256xf32, #tpu.memory_space<hbm>>)
    %dma_wait3A_73 = tpu.memref_slice %arg2[%add3A_57] : memref<25600xi32, #tpu.memory_space<hbm>> -> memref<80xi32, #tpu.memory_space<hbm>>
    %dma_wait3A_74 = tpu.memref_slice %arg2[%add3A_57] : memref<25600xi32, #tpu.memory_space<hbm>> -> memref<80xi32, #tpu.memory_space<hbm>>
    tpu.wait_dma2 semaphore(%arg14 : memref<!tpu.dma_semaphore, #tpu.memory_space<semaphore_mem>>) src(%dma_wait3A_74 : memref<80xi32, #tpu.memory_space<hbm>>) dst(%arg6 : memref<80xi32, #tpu.memory_space<vmem>>)
    %dma_start3A_75 = arith.constant 0 : i32
    %dma_start3A_76 = arith.constant 0 : i32
    %dma_start3A_77 = tpu.memref_slice %arg3[%dma_start3A_75, %dma_start3A_76] : memref<500x256xf32, #tpu.memory_space<hbm>> -> memref<500x256xf32, #tpu.memory_space<hbm>>
    tpu.enqueue_indirect_dma source(%dma_start3A_77 : memref<500x256xf32, #tpu.memory_space<hbm>>) target(%arg10 : memref<80x256xf32, #tpu.memory_space<vmem>>) offsets(%arg6 : memref<80xi32, #tpu.memory_space<vmem>>) semaphore(%arg18 : memref<!tpu.dma_semaphore, #tpu.memory_space<semaphore_mem>>)
    %add3A_78 = arith.constant 480 : i32
    %add3A_79 = arith.addi %mul3A_2, %add3A_78 : i32
    %dma_start3A_80 = tpu.memref_slice %arg2[%add3A_79] : memref<25600xi32, #tpu.memory_space<hbm>> -> memref<80xi32, #tpu.memory_space<hbm>>
    %dma_start3A_81 = tpu.memref_slice %arg2[%add3A_79] : memref<25600xi32, #tpu.memory_space<hbm>> -> memref<80xi32, #tpu.memory_space<hbm>>
    tpu.enqueue_dma source(%dma_start3A_81 : memref<80xi32, #tpu.memory_space<hbm>>) target(%arg7 : memref<80xi32, #tpu.memory_space<vmem>>) target_semaphore(%arg15 : memref<!tpu.dma_semaphore, #tpu.memory_space<semaphore_mem>>)
    %dma_wait3A_82 = arith.constant 0 : i32
    %dma_wait3A_83 = arith.constant 0 : i32
    %dma_wait3A_84 = tpu.memref_slice %arg3[%dma_wait3A_82, %dma_wait3A_83] : memref<500x256xf32, #tpu.memory_space<hbm>> -> memref<500x256xf32, #tpu.memory_space<hbm>>
    tpu.wait_indirect_dma semaphore(%arg20 : memref<!tpu.dma_semaphore, #tpu.memory_space<semaphore_mem>>) src(%dma_wait3A_84 : memref<500x256xf32, #tpu.memory_space<hbm>>) dst(%arg12 : memref<80x256xf32, #tpu.memory_space<vmem>>)
    %add3A_85 = arith.constant 240 : i32
    %add3A_86 = arith.addi %mul3A_2, %add3A_85 : i32
    %dma_start3A_87 = arith.constant 0 : i32
    %dma_start3A_88 = tpu.memref_slice %arg4[%add3A_86, %dma_start3A_87] : memref<25600x256xf32, #tpu.memory_space<hbm>> -> memref<80x256xf32, #tpu.memory_space<hbm>>
    %dma_start3A_89 = arith.constant 0 : i32
    %dma_start3A_90 = tpu.memref_slice %arg4[%add3A_86, %dma_start3A_89] : memref<25600x256xf32, #tpu.memory_space<hbm>> -> memref<80x256xf32, #tpu.memory_space<hbm>>
    tpu.enqueue_dma source(%arg12 : memref<80x256xf32, #tpu.memory_space<vmem>>) target(%dma_start3A_90 : memref<80x256xf32, #tpu.memory_space<hbm>>) target_semaphore(%arg24 : memref<!tpu.dma_semaphore, #tpu.memory_space<semaphore_mem>>)
    %dma_wait3A_91 = arith.constant 0 : i32
    %dma_wait3A_92 = tpu.memref_slice %arg4[%add3A_64, %dma_wait3A_91] : memref<25600x256xf32, #tpu.memory_space<hbm>> -> memref<80x256xf32, #tpu.memory_space<hbm>>
    %dma_wait3A_93 = arith.constant 0 : i32
    %dma_wait3A_94 = tpu.memref_slice %arg4[%add3A_64, %dma_wait3A_93] : memref<25600x256xf32, #tpu.memory_space<hbm>> -> memref<80x256xf32, #tpu.memory_space<hbm>>
    tpu.wait_dma2 semaphore(%arg23 : memref<!tpu.dma_semaphore, #tpu.memory_space<semaphore_mem>>) src(%arg11 : memref<80x256xf32, #tpu.memory_space<vmem>>) dst(%dma_wait3A_94 : memref<80x256xf32, #tpu.memory_space<hbm>>)
    %dma_wait3A_95 = tpu.memref_slice %arg2[%add3A_79] : memref<25600xi32, #tpu.memory_space<hbm>> -> memref<80xi32, #tpu.memory_space<hbm>>
    %dma_wait3A_96 = tpu.memref_slice %arg2[%add3A_79] : memref<25600xi32, #tpu.memory_space<hbm>> -> memref<80xi32, #tpu.memory_space<hbm>>
    tpu.wait_dma2 semaphore(%arg15 : memref<!tpu.dma_semaphore, #tpu.memory_space<semaphore_mem>>) src(%dma_wait3A_96 : memref<80xi32, #tpu.memory_space<hbm>>) dst(%arg7 : memref<80xi32, #tpu.memory_space<vmem>>)
    %dma_start3A_97 = arith.constant 0 : i32
    %dma_start3A_98 = arith.constant 0 : i32
    %dma_start3A_99 = tpu.memref_slice %arg3[%dma_start3A_97, %dma_start3A_98] : memref<500x256xf32, #tpu.memory_space<hbm>> -> memref<500x256xf32, #tpu.memory_space<hbm>>
    tpu.enqueue_indirect_dma source(%dma_start3A_99 : memref<500x256xf32, #tpu.memory_space<hbm>>) target(%arg11 : memref<80x256xf32, #tpu.memory_space<vmem>>) offsets(%arg7 : memref<80xi32, #tpu.memory_space<vmem>>) semaphore(%arg19 : memref<!tpu.dma_semaphore, #tpu.memory_space<semaphore_mem>>)
    %add3A_100 = arith.constant 560 : i32
    %add3A_101 = arith.addi %mul3A_2, %add3A_100 : i32
    %dma_start3A_102 = tpu.memref_slice %arg2[%add3A_101] : memref<25600xi32, #tpu.memory_space<hbm>> -> memref<80xi32, #tpu.memory_space<hbm>>
    %dma_start3A_103 = tpu.memref_slice %arg2[%add3A_101] : memref<25600xi32, #tpu.memory_space<hbm>> -> memref<80xi32, #tpu.memory_space<hbm>>
    tpu.enqueue_dma source(%dma_start3A_103 : memref<80xi32, #tpu.memory_space<hbm>>) target(%arg8 : memref<80xi32, #tpu.memory_space<vmem>>) target_semaphore(%arg16 : memref<!tpu.dma_semaphore, #tpu.memory_space<semaphore_mem>>)
    %dma_wait3A_104 = arith.constant 0 : i32
    %dma_wait3A_105 = arith.constant 0 : i32
    %dma_wait3A_106 = tpu.memref_slice %arg3[%dma_wait3A_104, %dma_wait3A_105] : memref<500x256xf32, #tpu.memory_space<hbm>> -> memref<500x256xf32, #tpu.memory_space<hbm>>
    tpu.wait_indirect_dma semaphore(%arg17 : memref<!tpu.dma_semaphore, #tpu.memory_space<semaphore_mem>>) src(%dma_wait3A_106 : memref<500x256xf32, #tpu.memory_space<hbm>>) dst(%arg9 : memref<80x256xf32, #tpu.memory_space<vmem>>)
    %add3A_107 = arith.constant 320 : i32
    %add3A_108 = arith.addi %mul3A_2, %add3A_107 : i32
    %dma_start3A_109 = arith.constant 0 : i32
    %dma_start3A_110 = tpu.memref_slice %arg4[%add3A_108, %dma_start3A_109] : memref<25600x256xf32, #tpu.memory_space<hbm>> -> memref<80x256xf32, #tpu.memory_space<hbm>>
    %dma_start3A_111 = arith.constant 0 : i32
    %dma_start3A_112 = tpu.memref_slice %arg4[%add3A_108, %dma_start3A_111] : memref<25600x256xf32, #tpu.memory_space<hbm>> -> memref<80x256xf32, #tpu.memory_space<hbm>>
    tpu.enqueue_dma source(%arg9 : memref<80x256xf32, #tpu.memory_space<vmem>>) target(%dma_start3A_112 : memref<80x256xf32, #tpu.memory_space<hbm>>) target_semaphore(%arg21 : memref<!tpu.dma_semaphore, #tpu.memory_space<semaphore_mem>>)
    %dma_wait3A_113 = arith.constant 0 : i32
    %dma_wait3A_114 = tpu.memref_slice %arg4[%add3A_86, %dma_wait3A_113] : memref<25600x256xf32, #tpu.memory_space<hbm>> -> memref<80x256xf32, #tpu.memory_space<hbm>>
    %dma_wait3A_115 = arith.constant 0 : i32
    %dma_wait3A_116 = tpu.memref_slice %arg4[%add3A_86, %dma_wait3A_115] : memref<25600x256xf32, #tpu.memory_space<hbm>> -> memref<80x256xf32, #tpu.memory_space<hbm>>
    tpu.wait_dma2 semaphore(%arg24 : memref<!tpu.dma_semaphore, #tpu.memory_space<semaphore_mem>>) src(%arg12 : memref<80x256xf32, #tpu.memory_space<vmem>>) dst(%dma_wait3A_116 : memref<80x256xf32, #tpu.memory_space<hbm>>)
    %dma_wait3A_117 = tpu.memref_slice %arg2[%add3A_101] : memref<25600xi32, #tpu.memory_space<hbm>> -> memref<80xi32, #tpu.memory_space<hbm>>
    %dma_wait3A_118 = tpu.memref_slice %arg2[%add3A_101] : memref<25600xi32, #tpu.memory_space<hbm>> -> memref<80xi32, #tpu.memory_space<hbm>>
    tpu.wait_dma2 semaphore(%arg16 : memref<!tpu.dma_semaphore, #tpu.memory_space<semaphore_mem>>) src(%dma_wait3A_118 : memref<80xi32, #tpu.memory_space<hbm>>) dst(%arg8 : memref<80xi32, #tpu.memory_space<vmem>>)
    %dma_start3A_119 = arith.constant 0 : i32
    %dma_start3A_120 = arith.constant 0 : i32
    %dma_start3A_121 = tpu.memref_slice %arg3[%dma_start3A_119, %dma_start3A_120] : memref<500x256xf32, #tpu.memory_space<hbm>> -> memref<500x256xf32, #tpu.memory_space<hbm>>
    tpu.enqueue_indirect_dma source(%dma_start3A_121 : memref<500x256xf32, #tpu.memory_space<hbm>>) target(%arg12 : memref<80x256xf32, #tpu.memory_space<vmem>>) offsets(%arg8 : memref<80xi32, #tpu.memory_space<vmem>>) semaphore(%arg20 : memref<!tpu.dma_semaphore, #tpu.memory_space<semaphore_mem>>)
    %add3A_122 = arith.constant 640 : i32
    %add3A_123 = arith.addi %mul3A_2, %add3A_122 : i32
    %dma_start3A_124 = tpu.memref_slice %arg2[%add3A_123] : memref<25600xi32, #tpu.memory_space<hbm>> -> memref<80xi32, #tpu.memory_space<hbm>>
    %dma_start3A_125 = tpu.memref_slice %arg2[%add3A_123] : memref<25600xi32, #tpu.memory_space<hbm>> -> memref<80xi32, #tpu.memory_space<hbm>>
    tpu.enqueue_dma source(%dma_start3A_125 : memref<80xi32, #tpu.memory_space<hbm>>) target(%arg5 : memref<80xi32, #tpu.memory_space<vmem>>) target_semaphore(%arg13 : memref<!tpu.dma_semaphore, #tpu.memory_space<semaphore_mem>>)
    %dma_wait3A_126 = arith.constant 0 : i32
    %dma_wait3A_127 = arith.constant 0 : i32
    %dma_wait3A_128 = tpu.memref_slice %arg3[%dma_wait3A_126, %dma_wait3A_127] : memref<500x256xf32, #tpu.memory_space<hbm>> -> memref<500x256xf32, #tpu.memory_space<hbm>>
    tpu.wait_indirect_dma semaphore(%arg18 : memref<!tpu.dma_semaphore, #tpu.memory_space<semaphore_mem>>) src(%dma_wait3A_128 : memref<500x256xf32, #tpu.memory_space<hbm>>) dst(%arg10 : memref<80x256xf32, #tpu.memory_space<vmem>>)
    %add3A_129 = arith.constant 400 : i32
    %add3A_130 = arith.addi %mul3A_2, %add3A_129 : i32
    %dma_start3A_131 = arith.constant 0 : i32
    %dma_start3A_132 = tpu.memref_slice %arg4[%add3A_130, %dma_start3A_131] : memref<25600x256xf32, #tpu.memory_space<hbm>> -> memref<80x256xf32, #tpu.memory_space<hbm>>
    %dma_start3A_133 = arith.constant 0 : i32
    %dma_start3A_134 = tpu.memref_slice %arg4[%add3A_130, %dma_start3A_133] : memref<25600x256xf32, #tpu.memory_space<hbm>> -> memref<80x256xf32, #tpu.memory_space<hbm>>
    tpu.enqueue_dma source(%arg10 : memref<80x256xf32, #tpu.memory_space<vmem>>) target(%dma_start3A_134 : memref<80x256xf32, #tpu.memory_space<hbm>>) target_semaphore(%arg22 : memref<!tpu.dma_semaphore, #tpu.memory_space<semaphore_mem>>)
    %dma_wait3A_135 = arith.constant 0 : i32
    %dma_wait3A_136 = tpu.memref_slice %arg4[%add3A_108, %dma_wait3A_135] : memref<25600x256xf32, #tpu.memory_space<hbm>> -> memref<80x256xf32, #tpu.memory_space<hbm>>
    %dma_wait3A_137 = arith.constant 0 : i32
    %dma_wait3A_138 = tpu.memref_slice %arg4[%add3A_108, %dma_wait3A_137] : memref<25600x256xf32, #tpu.memory_space<hbm>> -> memref<80x256xf32, #tpu.memory_space<hbm>>
    tpu.wait_dma2 semaphore(%arg21 : memref<!tpu.dma_semaphore, #tpu.memory_space<semaphore_mem>>) src(%arg9 : memref<80x256xf32, #tpu.memory_space<vmem>>) dst(%dma_wait3A_138 : memref<80x256xf32, #tpu.memory_space<hbm>>)
    %dma_wait3A_139 = tpu.memref_slice %arg2[%add3A_123] : memref<25600xi32, #tpu.memory_space<hbm>> -> memref<80xi32, #tpu.memory_space<hbm>>
    %dma_wait3A_140 = tpu.memref_slice %arg2[%add3A_123] : memref<25600xi32, #tpu.memory_space<hbm>> -> memref<80xi32, #tpu.memory_space<hbm>>
    tpu.wait_dma2 semaphore(%arg13 : memref<!tpu.dma_semaphore, #tpu.memory_space<semaphore_mem>>) src(%dma_wait3A_140 : memref<80xi32, #tpu.memory_space<hbm>>) dst(%arg5 : memref<80xi32, #tpu.memory_space<vmem>>)
    %dma_start3A_141 = arith.constant 0 : i32
    %dma_start3A_142 = arith.constant 0 : i32
    %dma_start3A_143 = tpu.memref_slice %arg3[%dma_start3A_141, %dma_start3A_142] : memref<500x256xf32, #tpu.memory_space<hbm>> -> memref<500x256xf32, #tpu.memory_space<hbm>>
    tpu.enqueue_indirect_dma source(%dma_start3A_143 : memref<500x256xf32, #tpu.memory_space<hbm>>) target(%arg9 : memref<80x256xf32, #tpu.memory_space<vmem>>) offsets(%arg5 : memref<80xi32, #tpu.memory_space<vmem>>) semaphore(%arg17 : memref<!tpu.dma_semaphore, #tpu.memory_space<semaphore_mem>>)
    %add3A_144 = arith.constant 720 : i32
    %add3A_145 = arith.addi %mul3A_2, %add3A_144 : i32
    %dma_start3A_146 = tpu.memref_slice %arg2[%add3A_145] : memref<25600xi32, #tpu.memory_space<hbm>> -> memref<80xi32, #tpu.memory_space<hbm>>
    %dma_start3A_147 = tpu.memref_slice %arg2[%add3A_145] : memref<25600xi32, #tpu.memory_space<hbm>> -> memref<80xi32, #tpu.memory_space<hbm>>
    tpu.enqueue_dma source(%dma_start3A_147 : memref<80xi32, #tpu.memory_space<hbm>>) target(%arg6 : memref<80xi32, #tpu.memory_space<vmem>>) target_semaphore(%arg14 : memref<!tpu.dma_semaphore, #tpu.memory_space<semaphore_mem>>)
    %dma_wait3A_148 = arith.constant 0 : i32
    %dma_wait3A_149 = arith.constant 0 : i32
    %dma_wait3A_150 = tpu.memref_slice %arg3[%dma_wait3A_148, %dma_wait3A_149] : memref<500x256xf32, #tpu.memory_space<hbm>> -> memref<500x256xf32, #tpu.memory_space<hbm>>
    tpu.wait_indirect_dma semaphore(%arg19 : memref<!tpu.dma_semaphore, #tpu.memory_space<semaphore_mem>>) src(%dma_wait3A_150 : memref<500x256xf32, #tpu.memory_space<hbm>>) dst(%arg11 : memref<80x256xf32, #tpu.memory_space<vmem>>)
    %add3A_151 = arith.constant 480 : i32
    %add3A_152 = arith.addi %mul3A_2, %add3A_151 : i32
    %dma_start3A_153 = arith.constant 0 : i32
    %dma_start3A_154 = tpu.memref_slice %arg4[%add3A_152, %dma_start3A_153] : memref<25600x256xf32, #tpu.memory_space<hbm>> -> memref<80x256xf32, #tpu.memory_space<hbm>>
    %dma_start3A_155 = arith.constant 0 : i32
    %dma_start3A_156 = tpu.memref_slice %arg4[%add3A_152, %dma_start3A_155] : memref<25600x256xf32, #tpu.memory_space<hbm>> -> memref<80x256xf32, #tpu.memory_space<hbm>>
    tpu.enqueue_dma source(%arg11 : memref<80x256xf32, #tpu.memory_space<vmem>>) target(%dma_start3A_156 : memref<80x256xf32, #tpu.memory_space<hbm>>) target_semaphore(%arg23 : memref<!tpu.dma_semaphore, #tpu.memory_space<semaphore_mem>>)
    %dma_wait3A_157 = arith.constant 0 : i32
    %dma_wait3A_158 = tpu.memref_slice %arg4[%add3A_130, %dma_wait3A_157] : memref<25600x256xf32, #tpu.memory_space<hbm>> -> memref<80x256xf32, #tpu.memory_space<hbm>>
    %dma_wait3A_159 = arith.constant 0 : i32
    %dma_wait3A_160 = tpu.memref_slice %arg4[%add3A_130, %dma_wait3A_159] : memref<25600x256xf32, #tpu.memory_space<hbm>> -> memref<80x256xf32, #tpu.memory_space<hbm>>
    tpu.wait_dma2 semaphore(%arg22 : memref<!tpu.dma_semaphore, #tpu.memory_space<semaphore_mem>>) src(%arg10 : memref<80x256xf32, #tpu.memory_space<vmem>>) dst(%dma_wait3A_160 : memref<80x256xf32, #tpu.memory_space<hbm>>)
    %dma_wait3A_161 = tpu.memref_slice %arg2[%add3A_145] : memref<25600xi32, #tpu.memory_space<hbm>> -> memref<80xi32, #tpu.memory_space<hbm>>
    %dma_wait3A_162 = tpu.memref_slice %arg2[%add3A_145] : memref<25600xi32, #tpu.memory_space<hbm>> -> memref<80xi32, #tpu.memory_space<hbm>>
    tpu.wait_dma2 semaphore(%arg14 : memref<!tpu.dma_semaphore, #tpu.memory_space<semaphore_mem>>) src(%dma_wait3A_162 : memref<80xi32, #tpu.memory_space<hbm>>) dst(%arg6 : memref<80xi32, #tpu.memory_space<vmem>>)
    %dma_start3A_163 = arith.constant 0 : i32
    %dma_start3A_164 = arith.constant 0 : i32
    %dma_start3A_165 = tpu.memref_slice %arg3[%dma_start3A_163, %dma_start3A_164] : memref<500x256xf32, #tpu.memory_space<hbm>> -> memref<500x256xf32, #tpu.memory_space<hbm>>
    tpu.enqueue_indirect_dma source(%dma_start3A_165 : memref<500x256xf32, #tpu.memory_space<hbm>>) target(%arg10 : memref<80x256xf32, #tpu.memory_space<vmem>>) offsets(%arg6 : memref<80xi32, #tpu.memory_space<vmem>>) semaphore(%arg18 : memref<!tpu.dma_semaphore, #tpu.memory_space<semaphore_mem>>)
    %dma_wait3A_166 = arith.constant 0 : i32
    %dma_wait3A_167 = arith.constant 0 : i32
    %dma_wait3A_168 = tpu.memref_slice %arg3[%dma_wait3A_166, %dma_wait3A_167] : memref<500x256xf32, #tpu.memory_space<hbm>> -> memref<500x256xf32, #tpu.memory_space<hbm>>
    tpu.wait_indirect_dma semaphore(%arg20 : memref<!tpu.dma_semaphore, #tpu.memory_space<semaphore_mem>>) src(%dma_wait3A_168 : memref<500x256xf32, #tpu.memory_space<hbm>>) dst(%arg12 : memref<80x256xf32, #tpu.memory_space<vmem>>)
    %add3A_169 = arith.constant 560 : i32
    %add3A_170 = arith.addi %mul3A_2, %add3A_169 : i32
    %dma_start3A_171 = arith.constant 0 : i32
    %dma_start3A_172 = tpu.memref_slice %arg4[%add3A_170, %dma_start3A_171] : memref<25600x256xf32, #tpu.memory_space<hbm>> -> memref<80x256xf32, #tpu.memory_space<hbm>>
    %dma_start3A_173 = arith.constant 0 : i32
    %dma_start3A_174 = tpu.memref_slice %arg4[%add3A_170, %dma_start3A_173] : memref<25600x256xf32, #tpu.memory_space<hbm>> -> memref<80x256xf32, #tpu.memory_space<hbm>>
    tpu.enqueue_dma source(%arg12 : memref<80x256xf32, #tpu.memory_space<vmem>>) target(%dma_start3A_174 : memref<80x256xf32, #tpu.memory_space<hbm>>) target_semaphore(%arg24 : memref<!tpu.dma_semaphore, #tpu.memory_space<semaphore_mem>>)
    %dma_wait3A_175 = arith.constant 0 : i32
    %dma_wait3A_176 = arith.constant 0 : i32
    %dma_wait3A_177 = tpu.memref_slice %arg3[%dma_wait3A_175, %dma_wait3A_176] : memref<500x256xf32, #tpu.memory_space<hbm>> -> memref<500x256xf32, #tpu.memory_space<hbm>>
    tpu.wait_indirect_dma semaphore(%arg17 : memref<!tpu.dma_semaphore, #tpu.memory_space<semaphore_mem>>) src(%dma_wait3A_177 : memref<500x256xf32, #tpu.memory_space<hbm>>) dst(%arg9 : memref<80x256xf32, #tpu.memory_space<vmem>>)
    %add3A_178 = arith.constant 640 : i32
    %add3A_179 = arith.addi %mul3A_2, %add3A_178 : i32
    %dma_start3A_180 = arith.constant 0 : i32
    %dma_start3A_181 = tpu.memref_slice %arg4[%add3A_179, %dma_start3A_180] : memref<25600x256xf32, #tpu.memory_space<hbm>> -> memref<80x256xf32, #tpu.memory_space<hbm>>
    %dma_start3A_182 = arith.constant 0 : i32
    %dma_start3A_183 = tpu.memref_slice %arg4[%add3A_179, %dma_start3A_182] : memref<25600x256xf32, #tpu.memory_space<hbm>> -> memref<80x256xf32, #tpu.memory_space<hbm>>
    tpu.enqueue_dma source(%arg9 : memref<80x256xf32, #tpu.memory_space<vmem>>) target(%dma_start3A_183 : memref<80x256xf32, #tpu.memory_space<hbm>>) target_semaphore(%arg21 : memref<!tpu.dma_semaphore, #tpu.memory_space<semaphore_mem>>)
    %dma_wait3A_184 = arith.constant 0 : i32
    %dma_wait3A_185 = arith.constant 0 : i32
    %dma_wait3A_186 = tpu.memref_slice %arg3[%dma_wait3A_184, %dma_wait3A_185] : memref<500x256xf32, #tpu.memory_space<hbm>> -> memref<500x256xf32, #tpu.memory_space<hbm>>
    tpu.wait_indirect_dma semaphore(%arg18 : memref<!tpu.dma_semaphore, #tpu.memory_space<semaphore_mem>>) src(%dma_wait3A_186 : memref<500x256xf32, #tpu.memory_space<hbm>>) dst(%arg10 : memref<80x256xf32, #tpu.memory_space<vmem>>)
    %add3A_187 = arith.constant 720 : i32
    %add3A_188 = arith.addi %mul3A_2, %add3A_187 : i32
    %dma_start3A_189 = arith.constant 0 : i32
    %dma_start3A_190 = tpu.memref_slice %arg4[%add3A_188, %dma_start3A_189] : memref<25600x256xf32, #tpu.memory_space<hbm>> -> memref<80x256xf32, #tpu.memory_space<hbm>>
    %dma_start3A_191 = arith.constant 0 : i32
    %dma_start3A_192 = tpu.memref_slice %arg4[%add3A_188, %dma_start3A_191] : memref<25600x256xf32, #tpu.memory_space<hbm>> -> memref<80x256xf32, #tpu.memory_space<hbm>>
    tpu.enqueue_dma source(%arg10 : memref<80x256xf32, #tpu.memory_space<vmem>>) target(%dma_start3A_192 : memref<80x256xf32, #tpu.memory_space<hbm>>) target_semaphore(%arg22 : memref<!tpu.dma_semaphore, #tpu.memory_space<semaphore_mem>>)
    %dma_wait3A_193 = arith.constant 0 : i32
    %dma_wait3A_194 = tpu.memref_slice %arg4[%add3A_179, %dma_wait3A_193] : memref<25600x256xf32, #tpu.memory_space<hbm>> -> memref<80x256xf32, #tpu.memory_space<hbm>>
    %dma_wait3A_195 = arith.constant 0 : i32
    %dma_wait3A_196 = tpu.memref_slice %arg4[%add3A_179, %dma_wait3A_195] : memref<25600x256xf32, #tpu.memory_space<hbm>> -> memref<80x256xf32, #tpu.memory_space<hbm>>
    tpu.wait_dma2 semaphore(%arg21 : memref<!tpu.dma_semaphore, #tpu.memory_space<semaphore_mem>>) src(%arg9 : memref<80x256xf32, #tpu.memory_space<vmem>>) dst(%dma_wait3A_196 : memref<80x256xf32, #tpu.memory_space<hbm>>)
    %dma_wait3A_197 = arith.constant 0 : i32
    %dma_wait3A_198 = tpu.memref_slice %arg4[%add3A_188, %dma_wait3A_197] : memref<25600x256xf32, #tpu.memory_space<hbm>> -> memref<80x256xf32, #tpu.memory_space<hbm>>
    %dma_wait3A_199 = arith.constant 0 : i32
    %dma_wait3A_200 = tpu.memref_slice %arg4[%add3A_188, %dma_wait3A_199] : memref<25600x256xf32, #tpu.memory_space<hbm>> -> memref<80x256xf32, #tpu.memory_space<hbm>>
    tpu.wait_dma2 semaphore(%arg22 : memref<!tpu.dma_semaphore, #tpu.memory_space<semaphore_mem>>) src(%arg10 : memref<80x256xf32, #tpu.memory_space<vmem>>) dst(%dma_wait3A_200 : memref<80x256xf32, #tpu.memory_space<hbm>>)
    %dma_wait3A_201 = arith.constant 0 : i32
    %dma_wait3A_202 = tpu.memref_slice %arg4[%add3A_152, %dma_wait3A_201] : memref<25600x256xf32, #tpu.memory_space<hbm>> -> memref<80x256xf32, #tpu.memory_space<hbm>>
    %dma_wait3A_203 = arith.constant 0 : i32
    %dma_wait3A_204 = tpu.memref_slice %arg4[%add3A_152, %dma_wait3A_203] : memref<25600x256xf32, #tpu.memory_space<hbm>> -> memref<80x256xf32, #tpu.memory_space<hbm>>
    tpu.wait_dma2 semaphore(%arg23 : memref<!tpu.dma_semaphore, #tpu.memory_space<semaphore_mem>>) src(%arg11 : memref<80x256xf32, #tpu.memory_space<vmem>>) dst(%dma_wait3A_204 : memref<80x256xf32, #tpu.memory_space<hbm>>)
    %dma_wait3A_205 = arith.constant 0 : i32
    %dma_wait3A_206 = tpu.memref_slice %arg4[%add3A_170, %dma_wait3A_205] : memref<25600x256xf32, #tpu.memory_space<hbm>> -> memref<80x256xf32, #tpu.memory_space<hbm>>
    %dma_wait3A_207 = arith.constant 0 : i32
    %dma_wait3A_208 = tpu.memref_slice %arg4[%add3A_170, %dma_wait3A_207] : memref<25600x256xf32, #tpu.memory_space<hbm>> -> memref<80x256xf32, #tpu.memory_space<hbm>>
    tpu.wait_dma2 semaphore(%arg24 : memref<!tpu.dma_semaphore, #tpu.memory_space<semaphore_mem>>) src(%arg12 : memref<80x256xf32, #tpu.memory_space<vmem>>) dst(%dma_wait3A_208 : memref<80x256xf32, #tpu.memory_space<hbm>>)
    return
  }
}

module attributes {stable_mosaic.version = 14 : i64} {
  func.func @_mlp_ln(%arg0: i32, %arg1: memref<800x256xf32, #tpu.memory_space<vmem>>, %arg2: memref<256x1024xf32, #tpu.memory_space<vmem>>, %arg3: memref<1x1024xf32, #tpu.memory_space<vmem>>, %arg4: memref<1024x2048xf32, #tpu.memory_space<vmem>>, %arg5: memref<1x2048xf32, #tpu.memory_space<vmem>>, %arg6: memref<1x2048xf32, #tpu.memory_space<vmem>>, %arg7: memref<1x2048xf32, #tpu.memory_space<vmem>>, %arg8: memref<50x16x2048xf32, #tpu.memory_space<vmem>>) attributes {dimension_semantics = [#tpu.dimension_semantics<arbitrary>], iteration_bounds = array<i64: 32>, scalar_prefetch = 0 : i64, scratch_operands = 0 : i64, tpu.core_type = #tpu.core_type<tc>, window_params = [{transform_indices = @transform_0, window_bounds = array<i64: 800, 256>}, {pipeline_mode = #tpu.pipeline_mode<synchronous>, transform_indices = @transform_1, window_bounds = array<i64: 256, 1024>}, {pipeline_mode = #tpu.pipeline_mode<synchronous>, transform_indices = @transform_2, window_bounds = array<i64: 1, 1024>}, {pipeline_mode = #tpu.pipeline_mode<synchronous>, transform_indices = @transform_3, window_bounds = array<i64: 1024, 2048>}, {pipeline_mode = #tpu.pipeline_mode<synchronous>, transform_indices = @transform_4, window_bounds = array<i64: 1, 2048>}, {pipeline_mode = #tpu.pipeline_mode<synchronous>, transform_indices = @transform_5, window_bounds = array<i64: 1, 2048>}, {pipeline_mode = #tpu.pipeline_mode<synchronous>, transform_indices = @transform_6, window_bounds = array<i64: 1, 2048>}, {transform_indices = @transform_7, window_bounds = array<i64: 50, 16, 2048>}]} {
    %get3A = arith.constant 0 : index
    %get3A_0 = arith.constant 0 : index
    %get3A_1 = vector.load %arg1[%get3A, %get3A_0] : memref<800x256xf32, #tpu.memory_space<vmem>>, vector<800x256xf32>
    %get3A_2 = arith.constant 0 : index
    %get3A_3 = arith.constant 0 : index
    %get3A_4 = vector.load %arg2[%get3A_2, %get3A_3] : memref<256x1024xf32, #tpu.memory_space<vmem>>, vector<256x1024xf32>
    %dot_general3A = arith.constant dense<0.000000e+00> : vector<800x1024xf32>
    %dot_general3A_5 = tpu.matmul %get3A_1, %get3A_4, %dot_general3A {dimension_numbers = #tpu.dot_dimension_numbers<[1], [0], [0], [1], [0, 0, 1, 1], [], []>, transpose_lhs_hint = false} : vector<800x256xf32>, vector<256x1024xf32>, vector<800x1024xf32> -> vector<800x1024xf32>
    %get3A_6 = arith.constant 0 : index
    %get3A_7 = arith.constant 0 : index
    %get3A_8 = vector.load %arg3[%get3A_6, %get3A_7] : memref<1x1024xf32, #tpu.memory_space<vmem>>, vector<1x1024xf32>
    %add3A = vector.broadcast %get3A_8 : vector<1x1024xf32> to vector<800x1024xf32>
    %add3A_9 = arith.addf %dot_general3A_5, %add3A : vector<800x1024xf32>
    %mul3A = arith.constant 5.000000e-01 : f32
    %mul3A_10 = vector.broadcast %mul3A : f32 to vector<800x1024xf32>
    %mul3A_11 = arith.mulf %mul3A_10, %add3A_9 : vector<800x1024xf32>
    %mul3A_12 = arith.constant 0.707106769 : f32
    %mul3A_13 = vector.broadcast %mul3A_12 : f32 to vector<800x1024xf32>
    %mul3A_14 = arith.mulf %add3A_9, %mul3A_13 : vector<800x1024xf32>
    %erf3A = math.erf %mul3A_14 : vector<800x1024xf32>
    %add3A_15 = arith.constant 1.000000e+00 : f32
    %add3A_16 = vector.broadcast %add3A_15 : f32 to vector<800x1024xf32>
    %add3A_17 = arith.addf %add3A_16, %erf3A : vector<800x1024xf32>
    %mul3A_18 = arith.mulf %mul3A_11, %add3A_17 : vector<800x1024xf32>
    %get3A_19 = arith.constant 0 : index
    %get3A_20 = arith.constant 0 : index
    %get3A_21 = vector.load %arg4[%get3A_19, %get3A_20] : memref<1024x2048xf32, #tpu.memory_space<vmem>>, vector<1024x2048xf32>
    %dot_general3A_22 = arith.constant dense<0.000000e+00> : vector<800x2048xf32>
    %dot_general3A_23 = tpu.matmul %mul3A_18, %get3A_21, %dot_general3A_22 {dimension_numbers = #tpu.dot_dimension_numbers<[1], [0], [0], [1], [0, 0, 1, 1], [], []>, transpose_lhs_hint = false} : vector<800x1024xf32>, vector<1024x2048xf32>, vector<800x2048xf32> -> vector<800x2048xf32>
    %get3A_24 = arith.constant 0 : index
    %get3A_25 = arith.constant 0 : index
    %get3A_26 = vector.load %arg5[%get3A_24, %get3A_25] : memref<1x2048xf32, #tpu.memory_space<vmem>>, vector<1x2048xf32>
    %add3A_27 = vector.broadcast %get3A_26 : vector<1x2048xf32> to vector<800x2048xf32>
    %add3A_28 = arith.addf %dot_general3A_23, %add3A_27 : vector<800x2048xf32>
    %reduce_sum3A = arith.constant dense<0.000000e+00> : vector<800xf32>
    %reduce_sum3A_29 = vector.multi_reduction <add>, %add3A_28, %reduce_sum3A [1] : vector<800x2048xf32> to vector<800xf32>
    %broadcast_in_dim3A = vector.shape_cast %reduce_sum3A_29 : vector<800xf32> to vector<800x1xf32>
    %div3A = arith.constant 2.048000e+03 : f32
    %div3A_30 = vector.broadcast %div3A : f32 to vector<800x1xf32>
    %div3A_31 = arith.divf %broadcast_in_dim3A, %div3A_30 : vector<800x1xf32>
    %sub3A = vector.broadcast %div3A_31 : vector<800x1xf32> to vector<800x2048xf32>
    %sub3A_32 = arith.subf %add3A_28, %sub3A : vector<800x2048xf32>
    %mul3A_33 = arith.mulf %sub3A_32, %sub3A_32 : vector<800x2048xf32>
    %reduce_sum3A_34 = arith.constant dense<0.000000e+00> : vector<800xf32>
    %reduce_sum3A_35 = vector.multi_reduction <add>, %mul3A_33, %reduce_sum3A_34 [1] : vector<800x2048xf32> to vector<800xf32>
    %broadcast_in_dim3A_36 = vector.shape_cast %reduce_sum3A_35 : vector<800xf32> to vector<800x1xf32>
    %div3A_37 = arith.constant 2.048000e+03 : f32
    %div3A_38 = vector.broadcast %div3A_37 : f32 to vector<800x1xf32>
    %div3A_39 = arith.divf %broadcast_in_dim3A_36, %div3A_38 : vector<800x1xf32>
    %add3A_40 = arith.constant 9.99999974E-6 : f32
    %add3A_41 = vector.broadcast %add3A_40 : f32 to vector<800x1xf32>
    %add3A_42 = arith.addf %div3A_39, %add3A_41 : vector<800x1xf32>
    %rsqrt3A = math.rsqrt %add3A_42 : vector<800x1xf32>
    %mul3A_43 = vector.broadcast %rsqrt3A : vector<800x1xf32> to vector<800x2048xf32>
    %mul3A_44 = arith.mulf %sub3A_32, %mul3A_43 : vector<800x2048xf32>
    %get3A_45 = arith.constant 0 : index
    %get3A_46 = arith.constant 0 : index
    %get3A_47 = vector.load %arg6[%get3A_45, %get3A_46] : memref<1x2048xf32, #tpu.memory_space<vmem>>, vector<1x2048xf32>
    %mul3A_48 = vector.broadcast %get3A_47 : vector<1x2048xf32> to vector<800x2048xf32>
    %mul3A_49 = arith.mulf %mul3A_44, %mul3A_48 : vector<800x2048xf32>
    %get3A_50 = arith.constant 0 : index
    %get3A_51 = arith.constant 0 : index
    %get3A_52 = vector.load %arg7[%get3A_50, %get3A_51] : memref<1x2048xf32, #tpu.memory_space<vmem>>, vector<1x2048xf32>
    %add3A_53 = vector.broadcast %get3A_52 : vector<1x2048xf32> to vector<800x2048xf32>
    %add3A_54 = arith.addf %mul3A_49, %add3A_53 : vector<800x2048xf32>
    %reshape3A = vector.shape_cast %add3A_54 : vector<800x2048xf32> to vector<50x16x2048xf32>
    %swap3A = arith.constant 0 : index
    %swap3A_55 = arith.constant 0 : index
    %swap3A_56 = arith.constant 0 : index
    %swap3A_57 = vector.load %arg8[%swap3A, %swap3A_55, %swap3A_56] : memref<50x16x2048xf32, #tpu.memory_space<vmem>>, vector<50x16x2048xf32>
    tpu.vector_store %arg8[%swap3A, %swap3A_55, %swap3A_56], %reshape3A {strides = array<i32>} : memref<50x16x2048xf32, #tpu.memory_space<vmem>>, vector<50x16x2048xf32>,
    return
  }
  func.func @transform_0(%arg0: i32) -> (i32, i32) {
    %c0_i32 = arith.constant 0 : i32
    %c0_i32_0 = arith.constant 0 : i32
    return %arg0, %c0_i32 : i32, i32
  }
  func.func @transform_1(%arg0: i32) -> (i32, i32) {
    %c0_i32 = arith.constant 0 : i32
    %c0_i32_0 = arith.constant 0 : i32
    %c0_i32_1 = arith.constant 0 : i32
    return %c0_i32, %c0_i32_0 : i32, i32
  }
  func.func @transform_2(%arg0: i32) -> (i32, i32) {
    %c0_i32 = arith.constant 0 : i32
    %c0_i32_0 = arith.constant 0 : i32
    %c0_i32_1 = arith.constant 0 : i32
    return %c0_i32, %c0_i32_0 : i32, i32
  }
  func.func @transform_3(%arg0: i32) -> (i32, i32) {
    %c0_i32 = arith.constant 0 : i32
    %c0_i32_0 = arith.constant 0 : i32
    %c0_i32_1 = arith.constant 0 : i32
    return %c0_i32, %c0_i32_0 : i32, i32
  }
  func.func @transform_4(%arg0: i32) -> (i32, i32) {
    %c0_i32 = arith.constant 0 : i32
    %c0_i32_0 = arith.constant 0 : i32
    %c0_i32_1 = arith.constant 0 : i32
    return %c0_i32, %c0_i32_0 : i32, i32
  }
  func.func @transform_5(%arg0: i32) -> (i32, i32) {
    %c0_i32 = arith.constant 0 : i32
    %c0_i32_0 = arith.constant 0 : i32
    %c0_i32_1 = arith.constant 0 : i32
    return %c0_i32, %c0_i32_0 : i32, i32
  }
  func.func @transform_6(%arg0: i32) -> (i32, i32) {
    %c0_i32 = arith.constant 0 : i32
    %c0_i32_0 = arith.constant 0 : i32
    %c0_i32_1 = arith.constant 0 : i32
    return %c0_i32, %c0_i32_0 : i32, i32
  }
  func.func @transform_7(%arg0: i32) -> (i32, i32, i32) {
    %c0_i32 = arith.constant 0 : i32
    %c0_i32_0 = arith.constant 0 : i32
    %c0_i32_1 = arith.constant 0 : i32
    return %c0_i32, %arg0, %c0_i32_0 : i32, i32, i32
  }
}

module attributes {stable_mosaic.version = 14 : i64} {
  func.func @_mlp_ln_alias(%arg0: i32, %arg1: memref<800x256xf32, #tpu.memory_space<vmem>>, %arg2: memref<256x1024xf32, #tpu.memory_space<vmem>>, %arg3: memref<1x1024xf32, #tpu.memory_space<vmem>>, %arg4: memref<1024x2048xf32, #tpu.memory_space<vmem>>, %arg5: memref<1x2048xf32, #tpu.memory_space<vmem>>, %arg6: memref<1x2048xf32, #tpu.memory_space<vmem>>, %arg7: memref<1x2048xf32, #tpu.memory_space<vmem>>, %arg8: memref<50x1024x2048xf32, #tpu.memory_space<any>>, %arg9: memref<50x16x2048xf32, #tpu.memory_space<vmem>>) attributes {dimension_semantics = [#tpu.dimension_semantics<arbitrary>], iteration_bounds = array<i64: 32>, scalar_prefetch = 0 : i64, scratch_operands = 0 : i64, tpu.core_type = #tpu.core_type<tc>, window_params = [{transform_indices = @transform_0, window_bounds = array<i64: 800, 256>}, {pipeline_mode = #tpu.pipeline_mode<synchronous>, transform_indices = @transform_1, window_bounds = array<i64: 256, 1024>}, {pipeline_mode = #tpu.pipeline_mode<synchronous>, transform_indices = @transform_2, window_bounds = array<i64: 1, 1024>}, {pipeline_mode = #tpu.pipeline_mode<synchronous>, transform_indices = @transform_3, window_bounds = array<i64: 1024, 2048>}, {pipeline_mode = #tpu.pipeline_mode<synchronous>, transform_indices = @transform_4, window_bounds = array<i64: 1, 2048>}, {pipeline_mode = #tpu.pipeline_mode<synchronous>, transform_indices = @transform_5, window_bounds = array<i64: 1, 2048>}, {pipeline_mode = #tpu.pipeline_mode<synchronous>, transform_indices = @transform_6, window_bounds = array<i64: 1, 2048>}, {}, {transform_indices = @transform_8, window_bounds = array<i64: 50, 16, 2048>}]} {
    %get3A = arith.constant 0 : index
    %get3A_0 = arith.constant 0 : index
    %get3A_1 = vector.load %arg1[%get3A, %get3A_0] : memref<800x256xf32, #tpu.memory_space<vmem>>, vector<800x256xf32>
    %get3A_2 = arith.constant 0 : index
    %get3A_3 = arith.constant 0 : index
    %get3A_4 = vector.load %arg2[%get3A_2, %get3A_3] : memref<256x1024xf32, #tpu.memory_space<vmem>>, vector<256x1024xf32>
    %dot_general3A = arith.constant dense<0.000000e+00> : vector<800x1024xf32>
    %dot_general3A_5 = tpu.matmul %get3A_1, %get3A_4, %dot_general3A {dimension_numbers = #tpu.dot_dimension_numbers<[1], [0], [0], [1], [0, 0, 1, 1], [], []>, transpose_lhs_hint = false} : vector<800x256xf32>, vector<256x1024xf32>, vector<800x1024xf32> -> vector<800x1024xf32>
    %get3A_6 = arith.constant 0 : index
    %get3A_7 = arith.constant 0 : index
    %get3A_8 = vector.load %arg3[%get3A_6, %get3A_7] : memref<1x1024xf32, #tpu.memory_space<vmem>>, vector<1x1024xf32>
    %add3A = vector.broadcast %get3A_8 : vector<1x1024xf32> to vector<800x1024xf32>
    %add3A_9 = arith.addf %dot_general3A_5, %add3A : vector<800x1024xf32>
    %mul3A = arith.constant 5.000000e-01 : f32
    %mul3A_10 = vector.broadcast %mul3A : f32 to vector<800x1024xf32>
    %mul3A_11 = arith.mulf %mul3A_10, %add3A_9 : vector<800x1024xf32>
    %mul3A_12 = arith.constant 0.707106769 : f32
    %mul3A_13 = vector.broadcast %mul3A_12 : f32 to vector<800x1024xf32>
    %mul3A_14 = arith.mulf %add3A_9, %mul3A_13 : vector<800x1024xf32>
    %erf3A = math.erf %mul3A_14 : vector<800x1024xf32>
    %add3A_15 = arith.constant 1.000000e+00 : f32
    %add3A_16 = vector.broadcast %add3A_15 : f32 to vector<800x1024xf32>
    %add3A_17 = arith.addf %add3A_16, %erf3A : vector<800x1024xf32>
    %mul3A_18 = arith.mulf %mul3A_11, %add3A_17 : vector<800x1024xf32>
    %get3A_19 = arith.constant 0 : index
    %get3A_20 = arith.constant 0 : index
    %get3A_21 = vector.load %arg4[%get3A_19, %get3A_20] : memref<1024x2048xf32, #tpu.memory_space<vmem>>, vector<1024x2048xf32>
    %dot_general3A_22 = arith.constant dense<0.000000e+00> : vector<800x2048xf32>
    %dot_general3A_23 = tpu.matmul %mul3A_18, %get3A_21, %dot_general3A_22 {dimension_numbers = #tpu.dot_dimension_numbers<[1], [0], [0], [1], [0, 0, 1, 1], [], []>, transpose_lhs_hint = false} : vector<800x1024xf32>, vector<1024x2048xf32>, vector<800x2048xf32> -> vector<800x2048xf32>
    %get3A_24 = arith.constant 0 : index
    %get3A_25 = arith.constant 0 : index
    %get3A_26 = vector.load %arg5[%get3A_24, %get3A_25] : memref<1x2048xf32, #tpu.memory_space<vmem>>, vector<1x2048xf32>
    %add3A_27 = vector.broadcast %get3A_26 : vector<1x2048xf32> to vector<800x2048xf32>
    %add3A_28 = arith.addf %dot_general3A_23, %add3A_27 : vector<800x2048xf32>
    %reduce_sum3A = arith.constant dense<0.000000e+00> : vector<800xf32>
    %reduce_sum3A_29 = vector.multi_reduction <add>, %add3A_28, %reduce_sum3A [1] : vector<800x2048xf32> to vector<800xf32>
    %broadcast_in_dim3A = vector.shape_cast %reduce_sum3A_29 : vector<800xf32> to vector<800x1xf32>
    %div3A = arith.constant 2.048000e+03 : f32
    %div3A_30 = vector.broadcast %div3A : f32 to vector<800x1xf32>
    %div3A_31 = arith.divf %broadcast_in_dim3A, %div3A_30 : vector<800x1xf32>
    %sub3A = vector.broadcast %div3A_31 : vector<800x1xf32> to vector<800x2048xf32>
    %sub3A_32 = arith.subf %add3A_28, %sub3A : vector<800x2048xf32>
    %mul3A_33 = arith.mulf %sub3A_32, %sub3A_32 : vector<800x2048xf32>
    %reduce_sum3A_34 = arith.constant dense<0.000000e+00> : vector<800xf32>
    %reduce_sum3A_35 = vector.multi_reduction <add>, %mul3A_33, %reduce_sum3A_34 [1] : vector<800x2048xf32> to vector<800xf32>
    %broadcast_in_dim3A_36 = vector.shape_cast %reduce_sum3A_35 : vector<800xf32> to vector<800x1xf32>
    %div3A_37 = arith.constant 2.048000e+03 : f32
    %div3A_38 = vector.broadcast %div3A_37 : f32 to vector<800x1xf32>
    %div3A_39 = arith.divf %broadcast_in_dim3A_36, %div3A_38 : vector<800x1xf32>
    %add3A_40 = arith.constant 9.99999974E-6 : f32
    %add3A_41 = vector.broadcast %add3A_40 : f32 to vector<800x1xf32>
    %add3A_42 = arith.addf %div3A_39, %add3A_41 : vector<800x1xf32>
    %rsqrt3A = math.rsqrt %add3A_42 : vector<800x1xf32>
    %mul3A_43 = vector.broadcast %rsqrt3A : vector<800x1xf32> to vector<800x2048xf32>
    %mul3A_44 = arith.mulf %sub3A_32, %mul3A_43 : vector<800x2048xf32>
    %get3A_45 = arith.constant 0 : index
    %get3A_46 = arith.constant 0 : index
    %get3A_47 = vector.load %arg6[%get3A_45, %get3A_46] : memref<1x2048xf32, #tpu.memory_space<vmem>>, vector<1x2048xf32>
    %mul3A_48 = vector.broadcast %get3A_47 : vector<1x2048xf32> to vector<800x2048xf32>
    %mul3A_49 = arith.mulf %mul3A_44, %mul3A_48 : vector<800x2048xf32>
    %get3A_50 = arith.constant 0 : index
    %get3A_51 = arith.constant 0 : index
    %get3A_52 = vector.load %arg7[%get3A_50, %get3A_51] : memref<1x2048xf32, #tpu.memory_space<vmem>>, vector<1x2048xf32>
    %add3A_53 = vector.broadcast %get3A_52 : vector<1x2048xf32> to vector<800x2048xf32>
    %add3A_54 = arith.addf %mul3A_49, %add3A_53 : vector<800x2048xf32>
    %reshape3A = vector.shape_cast %add3A_54 : vector<800x2048xf32> to vector<50x16x2048xf32>
    %swap3A = arith.constant 0 : index
    %swap3A_55 = arith.constant 0 : index
    %swap3A_56 = arith.constant 0 : index
    %swap3A_57 = vector.load %arg9[%swap3A, %swap3A_55, %swap3A_56] : memref<50x16x2048xf32, #tpu.memory_space<vmem>>, vector<50x16x2048xf32>
    tpu.vector_store %arg9[%swap3A, %swap3A_55, %swap3A_56], %reshape3A {strides = array<i32>} : memref<50x16x2048xf32, #tpu.memory_space<vmem>>, vector<50x16x2048xf32>,
    return
  }
  func.func @transform_0(%arg0: i32) -> (i32, i32) {
    %c0_i32 = arith.constant 0 : i32
    %c0_i32_0 = arith.constant 0 : i32
    return %arg0, %c0_i32 : i32, i32
  }
  func.func @transform_1(%arg0: i32) -> (i32, i32) {
    %c0_i32 = arith.constant 0 : i32
    %c0_i32_0 = arith.constant 0 : i32
    %c0_i32_1 = arith.constant 0 : i32
    return %c0_i32, %c0_i32_0 : i32, i32
  }
  func.func @transform_2(%arg0: i32) -> (i32, i32) {
    %c0_i32 = arith.constant 0 : i32
    %c0_i32_0 = arith.constant 0 : i32
    %c0_i32_1 = arith.constant 0 : i32
    return %c0_i32, %c0_i32_0 : i32, i32
  }
  func.func @transform_3(%arg0: i32) -> (i32, i32) {
    %c0_i32 = arith.constant 0 : i32
    %c0_i32_0 = arith.constant 0 : i32
    %c0_i32_1 = arith.constant 0 : i32
    return %c0_i32, %c0_i32_0 : i32, i32
  }
  func.func @transform_4(%arg0: i32) -> (i32, i32) {
    %c0_i32 = arith.constant 0 : i32
    %c0_i32_0 = arith.constant 0 : i32
    %c0_i32_1 = arith.constant 0 : i32
    return %c0_i32, %c0_i32_0 : i32, i32
  }
  func.func @transform_5(%arg0: i32) -> (i32, i32) {
    %c0_i32 = arith.constant 0 : i32
    %c0_i32_0 = arith.constant 0 : i32
    %c0_i32_1 = arith.constant 0 : i32
    return %c0_i32, %c0_i32_0 : i32, i32
  }
  func.func @transform_6(%arg0: i32) -> (i32, i32) {
    %c0_i32 = arith.constant 0 : i32
    %c0_i32_0 = arith.constant 0 : i32
    %c0_i32_1 = arith.constant 0 : i32
    return %c0_i32, %c0_i32_0 : i32, i32
  }
  func.func @transform_8(%arg0: i32) -> (i32, i32, i32) {
    %add3A = arith.constant 32 : i32
    %add3A_0 = arith.addi %arg0, %add3A : i32
    %c0_i32 = arith.constant 0 : i32
    %c0_i32_1 = arith.constant 0 : i32
    %c0_i32_2 = arith.constant 0 : i32
    return %c0_i32, %add3A_0, %c0_i32_1 : i32, i32, i32
  }
}

</mosaic_0001>

<sc_bundles>
// kernel: kernel.6.cloned.1.call-start
scs
__scs_entry_jumppad:
0x0: {  	(pc) =	sbr.rel $0x88, $3  }
0x1: {  	(tag) =	ssettag $0x0;
	lr =	simm.s32 $0x1  }
0x2: {  	[smem:$0x3F99] =	sst lr;
	_ =	strace $0xD0000000  }
0x3: {  	_ = 	snop  }
0x4: {  	_ = 	snop  }
0x5: {  	_ = 	snop  }
0x6: {  	_ = 	snop  }
0x7: {  	_ = 	snop  }
__scs_overlays_trampoline_lowered:
0x8: {  	[smem:$0x3FA8] =	sst s0  }
0x9: {  	[smem:$0x3FA9] =	sst s1  }
0xa: {  	[smem:$0x3FAA] =	sst s2  }
0xb: {  	[smem:$0x3FAB] =	sst s3  }
0xc: {  	[smem:$0x3FAC] =	sst s4  }
0xd: {  	[smem:$0x3FAD] =	sst s5  }
0xe: {  	[smem:$0x3FAE] =	sst s6  }
0xf: {  	[smem:$0x3FAF] =	sst s7  }
0x10: {  	[smem:$0x3FB0] =	sst s8  }
0x11: {  	[smem:$0x3FB1] =	sst s9;
	s0 =	simm.s32 @!p0 $0x0  }
0x12: {  	s1 =	sld [smem:$0x3F97];
	s0 =	simm.s32 @p0 $0x1  }
0x13: {  	[smem:$0x3FB2] =	sst s0;
	s0 =	simm.s32 @!p1 $0x0  }
0x14: {  	s2 =	sld [smem:$0x3F96];
	s0 =	simm.s32 @p1 $0x1  }
0x15: {  	[smem:$0x3FB3] =	sst s0;
	s0 =	simm.s32 @!p2 $0x0  }
0x16: {  	s3 =	sld [smem:$0x3FDB];
	s0 =	simm.s32 @p2 $0x1  }
0x17: {  	s4 =	simm.s32 $0x1BF5;
	[smem:$0x3FB5] =	sst s0  }
0x18: {  	s0 =	sld [smem:$0x3F98];
	_ =	swait.ge [sflag:s4], $0x0  }
0x19: {  	s7 =	sld [smem:$0x3F99]  }
0x1a: {  	s8 =	sadd.s32 $0xFFFFE003, lr  }
0x1b: {  	s9 =	sadd.s32 $0xFFFFFEF7, lr;
	s5 =	simm.s32 $0xFFFFFFFF;
	p2 =	slt.u32 s8, $0xFFFFF086  }
0x1c: {  	p1 =	slt.u32 s9, $0xF7A;
	s5 =	simm.s32 @!p2 $0x0  }
0x1d: {  	s5 =	simm.s32 @p1 $0x1;
	p0 =	seq.s32 s7, s2  }
0x1e: {  	s7 =	smul.u32 @!p0 $0xF7A, s2;
	p2 =	seq.s32 @!p0 s5, $0x0  }
0x1f: {  	s9 =	smul.u32 $0xF7A, s1;
	s8 =	simm.s32 @!p0 $0x1BF5;
	p2 =	por !p2, p0  }
0x20: {  	[sflag:s8] =	ssyncset.s32 @!p0 $0xFFFFF086;
	s6 =	sadd.s32 @!p0 s3, s7;
	s7 =	simm.s32 @!p0 $0x108  }
0x21: {  	s3 =	sadd.s32 s3, s9;
	s6 =	sadd.s32 @!p0 $0x88, s6;
	s7 =	simm.s32 @p2 $0x1082  }
0x22: {  	[simem:s7], [sflag:s8] =	dma.local @!p0 [hbm:s6], $0xF7A  }
0x23: {  	s9 =	sor.u32 $0xD0000000, s2;
	s6 =	simm.s32 $0x108;
	_ =	swait.ge @!p0 [sflag:s8], $0x0  }
0x24: {  	s3 =	sadd.s32 $0x88, s3;
	s6 =	simm.s32 @!p1 $0x1082;
	[sflag:s4] =	ssyncset.s32 $0xFFFFF086  }
0x25: {  	[simem:s6], [sflag:s4] =	dma.local [hbm:s3], $0xF7A  }
0x26: {  	[smem:$0x3F99] =	sst s1;
	(tag) =	ssettag s2;
	_ =	strace s9  }
0x27: {  	s1 =	sld [smem:$0x3FA9]  }
0x28: {  	s2 =	sld [smem:$0x3FAA]  }
0x29: {  	s4 =	sld [smem:$0x3FAC]  }
0x2a: {  	p0 =	seq.s32 s5, $0x0;
	s5 =	sld [smem:$0x3FAD]  }
0x2b: {  	s6 =	sld [smem:$0x3FAE]  }
0x2c: {  	s7 =	sld [smem:$0x3FAF]  }
0x2d: {  	s3 =	simm.s32 $0x108;
	s8 =	sld [smem:$0x3FB0]  }
0x2e: {  	s3 =	simm.s32 @!p0 $0x1082;
	s9 =	sld [smem:$0x3FB1]  }
0x2f: {  	lr =	sadd.s32 s0, s3;
	s0 =	sld [smem:$0x3FA8]  }
0x30: {  	s3 =	sld [smem:$0x3FAB]  }
0x31: {  	[smem:$0x3FB4] =	sst s10  }
0x32: {  	s10 =	sld [smem:$0x3FB2];
	_ =	sdelay $0x3  }
0x33: {  	p0 =	seq.s32 s10, $0x1;
	s10 =	sld [smem:$0x3FB4];
	_ =	sdelay $0x3  }
0x34: {  	[smem:$0x3FB4] =	sst s10  }
0x35: {  	s10 =	sld [smem:$0x3FB3];
	_ =	sdelay $0x3  }
0x36: {  	p1 =	seq.s32 s10, $0x1;
	s10 =	sld [smem:$0x3FB4];
	_ =	sdelay $0x3  }
0x37: {  	[smem:$0x3FB4] =	sst s10  }
0x38: {  	s10 =	sld [smem:$0x3FB5]  }
0x39: {  	_ = 	snop;
	(pc) =	sbr.ind lr, $3  }
0x3a: {  	_ = 	snop  }
0x3b: {  	_ = 	snop  }
0x3c: {  	p2 =	seq.s32 s10, $0x1;
	s10 =	sld [smem:$0x3FB4]  }
0x3d: {  	_ =	shalt  }
0x3e: {  	_ =	shalt  }
0x3f: {  	_ =	shalt  }
0x40: {  	_ =	shalt  }
0x41: {  	_ =	shalt  }
0x42: {  	_ =	shalt  }
0x43: {  	_ =	shalt  }
0x44: {  	_ =	shalt  }
0x45: {  	_ =	shalt  }
0x46: {  	_ =	shalt  }
0x47: {  	_ =	shalt  }
0x48: {  	_ =	shalt  }
0x49: {  	_ =	shalt  }
0x4a: {  	_ =	shalt  }
0x4b: {  	_ =	shalt  }
0x4c: {  	_ =	shalt  }
0x4d: {  	_ =	shalt  }
0x4e: {  	_ =	shalt  }
0x4f: {  	_ =	shalt  }
0x50: {  	_ =	shalt  }
0x51: {  	_ =	shalt  }
0x52: {  	_ =	shalt  }
0x53: {  	_ =	shalt  }
0x54: {  	_ =	shalt  }
0x55: {  	_ =	shalt  }
0x56: {  	_ =	shalt  }
0x57: {  	_ =	shalt  }
0x58: {  	_ =	shalt  }
0x59: {  	_ =	shalt  }
0x5a: {  	_ =	shalt  }
0x5b: {  	_ =	shalt  }
0x5c: {  	_ =	shalt  }
0x5d: {  	_ =	shalt  }
0x5e: {  	_ =	shalt  }
0x5f: {  	_ =	shalt  }
0x60: {  	_ =	shalt  }
0x61: {  	_ =	shalt  }
0x62: {  	_ =	shalt  }
0x63: {  	_ =	shalt  }
0x64: {  	_ =	shalt  }
0x65: {  	_ =	shalt  }
0x66: {  	_ =	shalt  }
0x67: {  	_ =	shalt  }
0x68: {  	_ =	shalt  }
0x69: {  	_ =	shalt  }
0x6a: {  	_ =	shalt  }
0x6b: {  	_ =	shalt  }
0x6c: {  	_ =	shalt  }
0x6d: {  	_ =	shalt  }
0x6e: {  	_ =	shalt  }
0x6f: {  	_ =	shalt  }
0x70: {  	_ =	shalt  }
0x71: {  	_ =	shalt  }
0x72: {  	_ =	shalt  }
0x73: {  	_ =	shalt  }
0x74: {  	_ =	shalt  }
0x75: {  	_ =	shalt  }
0x76: {  	_ =	shalt  }
0x77: {  	_ =	shalt  }
0x78: {  	_ =	shalt  }
0x79: {  	_ =	shalt  }
0x7a: {  	_ =	shalt  }
0x7b: {  	_ =	shalt  }
0x7c: {  	_ =	shalt  }
0x7d: {  	_ =	shalt  }
0x7e: {  	_ =	shalt  }
0x7f: {  	_ =	shalt  }
0x80: {  	_ =	shalt  }
0x81: {  	_ =	shalt  }
0x82: {  	_ =	shalt  }
0x83: {  	_ =	shalt  }
0x84: {  	_ =	shalt  }
0x85: {  	_ =	shalt  }
0x86: {  	_ =	shalt  }
0x87: {  	_ =	shalt  }
.Lfunc_end0:
.L_simem_size_0:
called_computation_lowered:
.L_overlay_start_0:
0x88: {  	s2 =	sld [smem:$0x3FD9]  }
0x89: {  	s3 =	sld [smem:$0x3FFE];
	_ =	sdelay $0x1  }
0x8a: {  	s1 =	srdreg.scid  }
0x8b: {  	s0 =	sand.u32 $0x1, s1  }
0x8c: {  	s17 =	sshll.u32 s0, $0xA;
	s2 =	sadd.s32 s3, s2  }
0x8d: {  	s2 =	sadd.s32 s2, s17  }
0x8e: {  	[smem:$0x3FC0] =	sst s2  }
0x8f: {  	_ = 	snop  }
0x90: {  	s2 =	sld [smem:$0x3FC8]  }
0x91: {  	s18 =	sld [smem:$0x3FD0];
	(tm) =	ssettm $0x1  }
0x92: {  	s4 =	sld [smem:$0x3FFB];
	_ =	sdelay $0x3  }
0x93: {  	_ =	strace s4  }
0x94: {  	s4 =	sld [smem:$0x3FFC];
	_ =	sdelay $0x3  }
0x95: {  	_ =	strace s4  }
0x96: {  	s4 =	sld [smem:$0x3FFD];
	_ =	sdelay $0x3  }
0x97: {  	_ =	strace s4  }
0x98: {  	_ =	strace $0x8FFFFFFF  }
0x99: {  	s19 =	sld [smem:$0x3FDB];
	_ =	sdelay $0x1  }
0x9a: {  	s5 =	simm.s32 $_scs_section_size  }
0x9b: {  	s6 =	simm.s32 $_size__tile_overlayer_lowered;
	s7 =	simm.s32 $_tile_overlayer_lowered  }
0x9c: {  	s22 =	simm.s32 $0x1BFF;
	s21 =	sshll.u32 s7, $0x1;
	s4 =	sadd.s32 s5, s19  }
0x9d: {  	s8 =	simm.s32 $0x0;
	s20 =	sshll.u32 s6, $0x1;
	s6 =	sadd.s32 s21, s4  }
0x9e: {  	[timem:s8], [sflag:s22] =	dma.local [hbm:s6], s20  }
0x9f: {  	_ =	swait.ge [sflag:s22], s20  }
0xa0: {  	s5 =	ssub.s32 $0x0, s20;
	[sflag:s22] =	ssyncset.done $0x0  }
0xa1: {  	[sflag:s22] =	ssyncadd.s32 s5;
	_ =	sdelay $0x1  }
0xa2: {  	s23 =	simm.s32 $0x1B8B  }
0xa3: {  	_ =	swait.ge [sflag:s23], $0x1  }
0xa4: {  	[sflag:s23] =	ssyncset.done $0x0  }
0xa5: {  	s25 =	simm.s32 $0x1B8E;
	s24 =	sld [smem:$0x3FFE];
	[sflag:s23] =	ssyncadd.s32 $0xFFFFFFFF  }
0xa6: {  	s26 =	simm.s32 $execute0_lowered;
	[smem:$0x3FD2] =	sst s25  }
0xa7: {  	s6 =	sshll.u32 s26, $0x1;
	_ =	strace $0x80000046;
	[dreg:$0x1] =	wrdreg $0xFFFFFFFF  }
0xa8: {  	s28 =	simm.s32 $_size_execute0_lowered;
	s4 =	sadd.s32 s4, s6;
	[dreg:$0x0] =	wrdreg $0x0  }
0xa9: {  	s6 =	sshll.u32 s28, $0x1;
	[dreg:$0x2] =	wrdreg s4  }
0xaa: {  	[dreg:$0x3] =	wrdreg s6  }
0xab: {  	[dreg:$0x4] =	wrdreg $0xC0  }
0xac: {  	_ =	task [dreg:s8], $0x5FFFF  }
0xad: {  	[dreg:$0x1] =	wrdreg $0xFFFFFFFF  }
0xae: {  	[dreg:$0x0] =	wrdreg $0x60  }
0xaf: {  	[dreg:$0x2] =	wrdreg s18  }
0xb0: {  	[dreg:$0x3] =	wrdreg s2  }
0xb1: {  	[dreg:$0x4] =	wrdreg s24  }
0xb2: {  	[dreg:$0x5] =	wrdreg $0x9  }
0xb3: {  	_ =	task.clear_ibuf [dreg:s8], $0x6FFFF;
	_ =	strace $0x90000046  }
0xb4: {  	s29 =	simm.s32 $0x9;
	_ =	strace $0x80000048  }
0xb5: {  	_ =	swait.ge [sflag:s29], $0x1  }
0xb6: {  	[sflag:s29] =	ssyncadd.s32 $0xFFFFFFFF  }
0xb7: {  	_ =	strace $0x90000048  }
0xb8: {  	_ =	sfence  }
0xb9: {  	s30 =	sld [smem:$0x0];
	_ =	sdelay $0x2  }
0xba: {  	s31 =	sshll.u32 s1, $0xD;
	s1 =	sshrl.u32 s1, $0x2  }
0xbb: {  	s3 =	sand.u32 $0x4000, s31;
	s1 =	sadd.s32 s1, s30  }
0xbc: {  	s0 =	sor.u32 s3, s0;
	s1 =	sshll.u32 s1, $0x11  }
0xbd: {  	s0 =	sor.u32 s1, s0  }
0xbe: {  	s0 =	sadd.s32 $0x8F2B, s0  }
0xbf: {  	[sflag:s0] =	ssyncadd.remote.s32 $0x1  }
0xc0: {  	_ =	sfence.sel $0xFFFF  }
0xc1: {  	[dreg:$0x0] =	wrdreg $0xFFFFFFFF;
	(pc) =	sbr.abs _section_cstart, $3  }
0xc2: {  	[dreg:$0x1] =	wrdreg $0xFFFFFFFF  }
0xc3: {  	_ =	task.clear_ibuf [dreg:s8], $0x2FFFF;
	_ =	strace $0x9FFFFFFF  }
0xc4: {  	(tm) =	ssettm $0x7FFFFFFF  }
0xc5: {  	_ =	shalt  }
tec
execute0_lowered:
.L_overlay_start_1:
0x0: {  	(tag) =	ssettag $0x1  }
0x1: {  	s1 =	srdreg.scid;
	s0 =	rddreg [dreg:$0x0]  }
0x2: {  	s2 =	stileid.u32;
	s5 =	rddreg [dreg:$0x2]  }
0x3: {  	s30 =	simm.s32 $0x5;
	s28 =	simm.s32 $0x6;
	s31 =	simm.s32 $0x5200  }
0x4: {  	s29 =	simm.s32 $0xAA00;
	s1 =	sand.u32 $0x1, s1;
	s3 =	sshll.u32 s2, $0x1  }
0x5: {  	s2 =	rddreg [dreg:$0x1];
	s4 =	sor.u32 s1, s3;
	s3 =	simm.s32 $0x0  }
0x6: {  	s5 =	sadd.s32 $0x1A00, s5;
	s6 =	smul.u32 $0x320, s4;
	[smem:$0x7FF] =	sst s3  }
0x7: {  	s1 =	ssub.s32 $0x2, s1;
	s4 =	smul.u32 $0x6400, s4;
	_ =	strace $0x80000047  }
0x8: {  	s7 =	sshrl.u32 s6, $0x3;
	s8 =	sadd.s32 $0x50, s6;
	s26 =	sadd.s32 $0xA0, s6  }
0x9: {  	s10 =	sadd.s32 $0xF0, s6;
	s4 =	sadd.s32 s5, s4;
	s13 =	sadd.s32 $0x140, s6  }
0xa: {  	s15 =	sadd.s32 $0x190, s6;
	s21 =	sadd.s32 $0x1E0, s6;
	s24 =	sadd.s32 $0x230, s6  }
0xb: {  	s7 =	sadd.s32 s0, s7;
	s9 =	sshrl.u32 s8, $0x3;
	s11 =	sshrl.u32 s26, $0x3  }
0xc: {  	[dreg:$0x8] =	wrdreg s4;
	s14 =	sshrl.u32 s13, $0x3;
	s8 =	sshll.u32 s8, $0x5  }
0xd: {  	s17 =	sshrl.u32 s15, $0x3;
	s19 =	sshll.u32 s26, $0x5;
	s22 =	sshrl.u32 s21, $0x3  }
0xe: {  	s23 =	sshll.u32 s10, $0x5;
	[dreg:$0x4] =	wrdreg s7;
	s25 =	sadd.s32 s0, s9  }
0xf: {  	s26 =	sshrl.u32 s24, $0x3;
	s7 =	sadd.s32 s0, s11;
	[dreg:$0x5] =	wrdreg s25  }
0x10: {  	s15 =	sshll.u32 s15, $0x5;
	s4 =	sadd.s32 s0, s14;
	[dreg:$0x6] =	wrdreg s7  }
0x11: {  	s11 =	sshrl.u32 s10, $0x3;
	s16 =	sadd.s32 s5, s8;
	[dreg:$0x9] =	wrdreg s4  }
0x12: {  	s18 =	sadd.s32 s0, s17;
	s20 =	sadd.s32 s5, s19;
	[dreg:$0xa] =	wrdreg s16  }
0x13: {  	s9 =	sadd.s32 s0, s26;
	s12 =	sadd.s32 s0, s11;
	[dreg:$0xb] =	wrdreg s18  }
0x14: {  	[dreg:$0xc] =	wrdreg s20;
	s4 =	sadd.s32 s0, s22;
	s25 =	sadd.s32 s5, s23  }
0x15: {  	s7 =	sshll.u32 s13, $0x5;
	[dreg:$0xf] =	wrdreg s9;
	s13 =	sadd.s32 $0x280, s6  }
0x16: {  	s6 =	sadd.s32 $0x2D0, s6;
	s16 =	sadd.s32 s5, s15;
	[dreg:$0x7] =	wrdreg s12  }
0x17: {  	s18 =	sshll.u32 s21, $0x5;
	s20 =	sshll.u32 s24, $0x5;
	[dreg:$0xd] =	wrdreg s4  }
0x18: {  	s9 =	simm.s32 $0xA;
	[dreg:$0xe] =	wrdreg s25;
	s12 =	sadd.s32 s5, s7  }
0x19: {  	s14 =	sshrl.u32 s13, $0x3;
	s17 =	sshrl.u32 s6, $0x3;
	[dreg:$0x12] =	wrdreg s16  }
0x1a: {  	s19 =	sadd.s32 s5, s18;
	s21 =	sadd.s32 s5, s20;
	s22 =	sshll.u32 s13, $0x5  }
0x1b: {  	s24 =	sshll.u32 s6, $0x5;
	s25 =	sshrl.u32 s1, $0x1;
	s6 =	simm.s32 $0xA200  }
0x1c: {  	s16 =	simm.s32 $0xBA00;
	s18 =	simm.s32 $0xC200;
	[dreg:$0x10] =	wrdreg s12  }
0x1d: {  	s20 =	simm.s32 $0xD200;
	s4 =	sadd.s32 s0, s14;
	[dreg:$0x14] =	wrdreg s19  }
0x1e: {  	s0 =	sadd.s32 s0, s17;
	[dreg:$0x15] =	wrdreg s21;
	s23 =	sadd.s32 s5, s22  }
0x1f: {  	s26 =	sadd.s32 s5, s24;
	s1 =	ssub.s32 s1, s25;
	s12 =	simm.s32 $0xD  }
0x20: {  	s17 =	simm.s32 $0x200;
	s19 =	simm.s32 $0xCA00;
	[dreg:$0x11] =	wrdreg s4  }
0x21: {  	s21 =	simm.s32 $0xDA00;
	s22 =	simm.s32 $0xE200;
	[dreg:$0x13] =	wrdreg s0  }
0x22: {  	v2 =	vlaneseq.u32;
	s24 =	simm.s32 $0x180;
	s25 =	simm.s32 $0xF200;
	[dreg:$0x16] =	wrdreg s23  }
0x23: {  	vm0 =	vmmov $0xffff;
	v1 =	vshrl.u32 v2, $0x3;
	s14 =	simm.s32 $0x12200;
	[dreg:$0x17] =	wrdreg s26;
	s4 =	smax.u32 s1, $0x1  }
0x24: {  	v0 =	vand.u32 $0x7, v2;
	v2 =	vor.u32 $0x8, v2;
	v1 =	vmul.u32 $0x8, v1;
	s0 =	simm.s32 $0x9;
	s23 =	simm.s32 $0xEA00;
	s26 =	simm.s32 $0xFA00  }
.LBB2_1:
0x25: {  	s15 =	rddreg [dreg:$0x4]  }
0x26: {  	[tilespmem:s3], [sflag:$0xD] =	stream.linear.gather [hbm4b:s15+s3], $0x50, $0x38;
	[tilespmem:$0x14200] =	vst v63  }
0x27: {  	_ =	swait.ge [sflag:s12], $0x50  }
0x28: {  	[sflag:s12] =	ssyncset.done $0x0  }
0x29: {  	[sflag:s12] =	ssyncadd.s32 $0xFFFFFFB0  }
0x2a: {  	v3 =	vld [tilespmem:$0x0];
	_ =	sdelay $0x4  }
0x2b: {  	v4 =	vshll.u32 v3, $0x1  }
0x2c: {  	v3 =	vand.u32 $0x7, v3;
	v4 =	vand.u32 $0xFFFFFFF0, v4  }
0x2d: {  	v3 =	vor.u32 v3, v4  }
0x2e: {  	v4 =	vperm.xlane v3, v0;
	_ =	sdelay $0x1  }
0x2f: {  	v3 =	vperm.xlane v3, v2;
	v4 =	vadd.s32 v1, v4;
	_ =	sdelay $0x1  }
0x30: {  	v3 =	vadd.s32 v1, v3;
	_ =	sdelay $0x2  }
0x31: {  	[tilespmem:s17], [sflag:$0x5] =	stream.indirect_vreg.gather [hbm4b:s2+s3], $0x80, v4, vm0, $0xb8;
	[tilespmem:$0x14200] =	vst v63  }
0x32: {  	s1 =	simm.s32 $0xA00  }
0x33: {  	[tilespmem:s1], [sflag:$0x5] =	stream.indirect_vreg.gather [hbm4b:s2+s3], $0x80, v3, vm0, $0xb8;
	[tilespmem:$0x14200] =	vst v63  }
0x34: {  	v3 =	vld [tilespmem:$0x10];
	_ =	sdelay $0x4  }
0x35: {  	v15 =	vshll.u32 v3, $0x1  }
0x36: {  	v3 =	vand.u32 $0x7, v3;
	v4 =	vand.u32 $0xFFFFFFF0, v15  }
0x37: {  	v3 =	vor.u32 v3, v4  }
0x38: {  	v4 =	vperm.xlane v3, v0;
	_ =	sdelay $0x1  }
0x39: {  	v3 =	vperm.xlane v3, v2;
	v4 =	vadd.s32 v1, v4;
	_ =	sdelay $0x1  }
0x3a: {  	v3 =	vadd.s32 v1, v3;
	_ =	sdelay $0x1  }
0x3b: {  	s15 =	simm.s32 $0x1200  }
0x3c: {  	[tilespmem:s15], [sflag:$0x5] =	stream.indirect_vreg.gather [hbm4b:s2+s3], $0x80, v4, vm0, $0xb8;
	[tilespmem:$0x14200] =	vst v63  }
0x3d: {  	s5 =	simm.s32 $0x1A00  }
0x3e: {  	[tilespmem:s5], [sflag:$0x5] =	stream.indirect_vreg.gather [hbm4b:s2+s3], $0x80, v3, vm0, $0xb8;
	[tilespmem:$0x14200] =	vst v63  }
0x3f: {  	v3 =	vld [tilespmem:$0x20];
	_ =	sdelay $0x4  }
0x40: {  	v16 =	vshll.u32 v3, $0x1  }
0x41: {  	v3 =	vand.u32 $0x7, v3;
	v4 =	vand.u32 $0xFFFFFFF0, v16  }
0x42: {  	v3 =	vor.u32 v3, v4  }
0x43: {  	v4 =	vperm.xlane v3, v0;
	_ =	sdelay $0x1  }
0x44: {  	v3 =	vperm.xlane v3, v2;
	v4 =	vadd.s32 v1, v4;
	_ =	sdelay $0x1  }
0x45: {  	v3 =	vadd.s32 v1, v3;
	_ =	sdelay $0x1  }
0x46: {  	s7 =	simm.s32 $0x2200  }
0x47: {  	[tilespmem:s7], [sflag:$0x5] =	stream.indirect_vreg.gather [hbm4b:s2+s3], $0x80, v4, vm0, $0xb8;
	[tilespmem:$0x14200] =	vst v63  }
0x48: {  	s11 =	simm.s32 $0x2A00  }
0x49: {  	[tilespmem:s11], [sflag:$0x5] =	stream.indirect_vreg.gather [hbm4b:s2+s3], $0x80, v3, vm0, $0xb8;
	[tilespmem:$0x14200] =	vst v63  }
0x4a: {  	v3 =	vld [tilespmem:$0x30];
	_ =	sdelay $0x4  }
0x4b: {  	v17 =	vshll.u32 v3, $0x1  }
0x4c: {  	v3 =	vand.u32 $0x7, v3;
	v4 =	vand.u32 $0xFFFFFFF0, v17  }
0x4d: {  	v3 =	vor.u32 v3, v4  }
0x4e: {  	v4 =	vperm.xlane v3, v0;
	_ =	sdelay $0x1  }
0x4f: {  	v3 =	vperm.xlane v3, v2;
	v4 =	vadd.s32 v1, v4;
	_ =	sdelay $0x1  }
0x50: {  	v3 =	vadd.s32 v1, v3;
	_ =	sdelay $0x1  }
0x51: {  	s13 =	simm.s32 $0x3200  }
0x52: {  	[tilespmem:s13], [sflag:$0x5] =	stream.indirect_vreg.gather [hbm4b:s2+s3], $0x80, v4, vm0, $0xb8;
	[tilespmem:$0x14200] =	vst v63  }
0x53: {  	s15 =	simm.s32 $0x3A00  }
0x54: {  	[tilespmem:s15], [sflag:$0x5] =	stream.indirect_vreg.gather [hbm4b:s2+s3], $0x80, v3, vm0, $0xb8;
	[tilespmem:$0x14200] =	vst v63  }
0x55: {  	v3 =	vld [tilespmem:$0x40];
	_ =	sdelay $0x4  }
0x56: {  	v18 =	vshll.u32 v3, $0x1  }
0x57: {  	v3 =	vand.u32 $0x7, v3;
	v4 =	vand.u32 $0xFFFFFFF0, v18  }
0x58: {  	v3 =	vor.u32 v3, v4  }
0x59: {  	v4 =	vperm.xlane v3, v0;
	_ =	sdelay $0x1  }
0x5a: {  	v3 =	vperm.xlane v3, v2;
	v4 =	vadd.s32 v1, v4;
	_ =	sdelay $0x1  }
0x5b: {  	v3 =	vadd.s32 v1, v3;
	_ =	sdelay $0x1  }
0x5c: {  	s5 =	simm.s32 $0x4200  }
0x5d: {  	[tilespmem:s5], [sflag:$0x5] =	stream.indirect_vreg.gather [hbm4b:s2+s3], $0x80, v4, vm0, $0xb8;
	[tilespmem:$0x14200] =	vst v63  }
0x5e: {  	s13 =	simm.s32 $0x4A00  }
0x5f: {  	[tilespmem:s13], [sflag:$0x5] =	stream.indirect_vreg.gather [hbm4b:s2+s3], $0x80, v3, vm0, $0xb8;
	[tilespmem:$0x14200] =	vst v63  }
0x60: {  	s7 =	rddreg [dreg:$0x5];
	s5 =	simm.s32 $0x80  }
0x61: {  	[tilespmem:s5], [sflag:$0xD] =	stream.linear.gather [hbm4b:s7+s3], $0x50, $0x38;
	[tilespmem:$0x14200] =	vst v63  }
0x62: {  	_ =	swait.ge [sflag:s12], $0x50  }
0x63: {  	[sflag:s12] =	ssyncset.done $0x0  }
0x64: {  	[sflag:s12] =	ssyncadd.s32 $0xFFFFFFB0  }
0x65: {  	v3 =	vld [tilespmem:$0x80];
	_ =	sdelay $0x4  }
0x66: {  	v19 =	vshll.u32 v3, $0x1  }
0x67: {  	v3 =	vand.u32 $0x7, v3;
	v4 =	vand.u32 $0xFFFFFFF0, v19  }
0x68: {  	v3 =	vor.u32 v3, v4  }
0x69: {  	v4 =	vperm.xlane v3, v0;
	_ =	sdelay $0x1  }
0x6a: {  	v3 =	vperm.xlane v3, v2;
	v4 =	vadd.s32 v1, v4;
	_ =	sdelay $0x1  }
0x6b: {  	v3 =	vadd.s32 v1, v3;
	_ =	sdelay $0x2  }
0x6c: {  	[tilespmem:s31], [sflag:$0x6] =	stream.indirect_vreg.gather [hbm4b:s2+s3], $0x80, v4, vm0, $0xb8;
	[tilespmem:$0x14200] =	vst v63  }
0x6d: {  	s7 =	simm.s32 $0x5A00  }
0x6e: {  	[tilespmem:s7], [sflag:$0x6] =	stream.indirect_vreg.gather [hbm4b:s2+s3], $0x80, v3, vm0, $0xb8;
	[tilespmem:$0x14200] =	vst v63  }
0x6f: {  	v3 =	vld [tilespmem:$0x90];
	_ =	sdelay $0x4  }
0x70: {  	v20 =	vshll.u32 v3, $0x1  }
0x71: {  	v3 =	vand.u32 $0x7, v3;
	v4 =	vand.u32 $0xFFFFFFF0, v20  }
0x72: {  	v3 =	vor.u32 v3, v4  }
0x73: {  	v4 =	vperm.xlane v3, v0;
	_ =	sdelay $0x1  }
0x74: {  	v3 =	vperm.xlane v3, v2;
	v4 =	vadd.s32 v1, v4;
	_ =	sdelay $0x1  }
0x75: {  	v3 =	vadd.s32 v1, v3;
	_ =	sdelay $0x1  }
0x76: {  	s13 =	simm.s32 $0x6200  }
0x77: {  	[tilespmem:s13], [sflag:$0x6] =	stream.indirect_vreg.gather [hbm4b:s2+s3], $0x80, v4, vm0, $0xb8;
	[tilespmem:$0x14200] =	vst v63  }
0x78: {  	s15 =	simm.s32 $0x6A00  }
0x79: {  	[tilespmem:s15], [sflag:$0x6] =	stream.indirect_vreg.gather [hbm4b:s2+s3], $0x80, v3, vm0, $0xb8;
	[tilespmem:$0x14200] =	vst v63  }
0x7a: {  	v3 =	vld [tilespmem:$0xA0];
	_ =	sdelay $0x4  }
0x7b: {  	v21 =	vshll.u32 v3, $0x1  }
0x7c: {  	v3 =	vand.u32 $0x7, v3;
	v4 =	vand.u32 $0xFFFFFFF0, v21  }
0x7d: {  	v3 =	vor.u32 v3, v4  }
0x7e: {  	v4 =	vperm.xlane v3, v0;
	_ =	sdelay $0x1  }
0x7f: {  	v3 =	vperm.xlane v3, v2;
	v4 =	vadd.s32 v1, v4;
	_ =	sdelay $0x1  }
0x80: {  	v3 =	vadd.s32 v1, v3;
	_ =	sdelay $0x1  }
0x81: {  	s5 =	simm.s32 $0x7200  }
0x82: {  	[tilespmem:s5], [sflag:$0x6] =	stream.indirect_vreg.gather [hbm4b:s2+s3], $0x80, v4, vm0, $0xb8;
	[tilespmem:$0x14200] =	vst v63  }
0x83: {  	s7 =	simm.s32 $0x7A00  }
0x84: {  	[tilespmem:s7], [sflag:$0x6] =	stream.indirect_vreg.gather [hbm4b:s2+s3], $0x80, v3, vm0, $0xb8;
	[tilespmem:$0x14200] =	vst v63  }
0x85: {  	v3 =	vld [tilespmem:$0xB0];
	_ =	sdelay $0x4  }
0x86: {  	v22 =	vshll.u32 v3, $0x1  }
0x87: {  	v3 =	vand.u32 $0x7, v3;
	v4 =	vand.u32 $0xFFFFFFF0, v22  }
0x88: {  	v3 =	vor.u32 v3, v4  }
0x89: {  	v4 =	vperm.xlane v3, v0;
	_ =	sdelay $0x1  }
0x8a: {  	v3 =	vperm.xlane v3, v2;
	v4 =	vadd.s32 v1, v4;
	_ =	sdelay $0x1  }
0x8b: {  	v3 =	vadd.s32 v1, v3;
	_ =	sdelay $0x1  }
0x8c: {  	s13 =	simm.s32 $0x8200  }
0x8d: {  	[tilespmem:s13], [sflag:$0x6] =	stream.indirect_vreg.gather [hbm4b:s2+s3], $0x80, v4, vm0, $0xb8;
	[tilespmem:$0x14200] =	vst v63  }
0x8e: {  	s15 =	simm.s32 $0x8A00  }
0x8f: {  	[tilespmem:s15], [sflag:$0x6] =	stream.indirect_vreg.gather [hbm4b:s2+s3], $0x80, v3, vm0, $0xb8;
	[tilespmem:$0x14200] =	vst v63  }
0x90: {  	v3 =	vld [tilespmem:$0xC0];
	_ =	sdelay $0x4  }
0x91: {  	v23 =	vshll.u32 v3, $0x1  }
0x92: {  	v3 =	vand.u32 $0x7, v3;
	v4 =	vand.u32 $0xFFFFFFF0, v23  }
0x93: {  	v3 =	vor.u32 v3, v4  }
0x94: {  	v4 =	vperm.xlane v3, v0;
	_ =	sdelay $0x1  }
0x95: {  	v3 =	vperm.xlane v3, v2;
	v4 =	vadd.s32 v1, v4;
	_ =	sdelay $0x1  }
0x96: {  	v3 =	vadd.s32 v1, v3;
	_ =	sdelay $0x1  }
0x97: {  	s5 =	simm.s32 $0x9200  }
0x98: {  	[tilespmem:s5], [sflag:$0x6] =	stream.indirect_vreg.gather [hbm4b:s2+s3], $0x80, v4, vm0, $0xb8;
	[tilespmem:$0x14200] =	vst v63  }
0x99: {  	s13 =	simm.s32 $0x9A00  }
0x9a: {  	[tilespmem:s13], [sflag:$0x6] =	stream.indirect_vreg.gather [hbm4b:s2+s3], $0x80, v3, vm0, $0xb8;
	[tilespmem:$0x14200] =	vst v63  }
0x9b: {  	s1 =	simm.s32 $0x100;
	s7 =	rddreg [dreg:$0x6]  }
0x9c: {  	[tilespmem:s1], [sflag:$0xD] =	stream.linear.gather [hbm4b:s7+s3], $0x50, $0x38;
	[tilespmem:$0x14200] =	vst v63  }
0x9d: {  	_ =	swait.ge [sflag:s12], $0x50  }
0x9e: {  	[sflag:s12] =	ssyncset.done $0x0  }
0x9f: {  	[sflag:s12] =	ssyncadd.s32 $0xFFFFFFB0  }
0xa0: {  	v3 =	vld [tilespmem:$0x100];
	_ =	sdelay $0x4  }
0xa1: {  	v24 =	vshll.u32 v3, $0x1  }
0xa2: {  	v3 =	vand.u32 $0x7, v3;
	v4 =	vand.u32 $0xFFFFFFF0, v24  }
0xa3: {  	v3 =	vor.u32 v3, v4  }
0xa4: {  	v4 =	vperm.xlane v3, v0;
	_ =	sdelay $0x1  }
0xa5: {  	v3 =	vperm.xlane v3, v2;
	v4 =	vadd.s32 v1, v4;
	_ =	sdelay $0x1  }
0xa6: {  	v3 =	vadd.s32 v1, v3;
	_ =	sdelay $0x2  }
0xa7: {  	[tilespmem:s6], [sflag:$0x7] =	stream.indirect_vreg.gather [hbm4b:s2+s3], $0x80, v4, vm0, $0xb8;
	[tilespmem:$0x14200] =	vst v63  }
0xa8: {  	_ = 	snop  }
0xa9: {  	[tilespmem:s29], [sflag:$0x7] =	stream.indirect_vreg.gather [hbm4b:s2+s3], $0x80, v3, vm0, $0xb8;
	[tilespmem:$0x14200] =	vst v63  }
0xaa: {  	v3 =	vld [tilespmem:$0x110];
	_ =	sdelay $0x4  }
0xab: {  	v25 =	vshll.u32 v3, $0x1  }
0xac: {  	v3 =	vand.u32 $0x7, v3;
	v4 =	vand.u32 $0xFFFFFFF0, v25  }
0xad: {  	v3 =	vor.u32 v3, v4  }
0xae: {  	v4 =	vperm.xlane v3, v0;
	_ =	sdelay $0x1  }
0xaf: {  	v3 =	vperm.xlane v3, v2;
	v4 =	vadd.s32 v1, v4;
	_ =	sdelay $0x1  }
0xb0: {  	v3 =	vadd.s32 v1, v3;
	_ =	sdelay $0x1  }
0xb1: {  	s13 =	simm.s32 $0xB200  }
0xb2: {  	[tilespmem:s13], [sflag:$0x7] =	stream.indirect_vreg.gather [hbm4b:s2+s3], $0x80, v4, vm0, $0xb8;
	[tilespmem:$0x14200] =	vst v63  }
0xb3: {  	_ = 	snop  }
0xb4: {  	[tilespmem:s16], [sflag:$0x7] =	stream.indirect_vreg.gather [hbm4b:s2+s3], $0x80, v3, vm0, $0xb8;
	[tilespmem:$0x14200] =	vst v63  }
0xb5: {  	v3 =	vld [tilespmem:$0x120];
	_ =	sdelay $0x4  }
0xb6: {  	v26 =	vshll.u32 v3, $0x1  }
0xb7: {  	v3 =	vand.u32 $0x7, v3;
	v4 =	vand.u32 $0xFFFFFFF0, v26  }
0xb8: {  	v3 =	vor.u32 v3, v4  }
0xb9: {  	v4 =	vperm.xlane v3, v0;
	_ =	sdelay $0x1  }
0xba: {  	v3 =	vperm.xlane v3, v2;
	v4 =	vadd.s32 v1, v4;
	_ =	sdelay $0x1  }
0xbb: {  	v3 =	vadd.s32 v1, v3;
	_ =	sdelay $0x2  }
0xbc: {  	[tilespmem:s18], [sflag:$0x7] =	stream.indirect_vreg.gather [hbm4b:s2+s3], $0x80, v4, vm0, $0xb8;
	[tilespmem:$0x14200] =	vst v63  }
0xbd: {  	_ = 	snop  }
0xbe: {  	[tilespmem:s19], [sflag:$0x7] =	stream.indirect_vreg.gather [hbm4b:s2+s3], $0x80, v3, vm0, $0xb8;
	[tilespmem:$0x14200] =	vst v63  }
0xbf: {  	v3 =	vld [tilespmem:$0x130];
	_ =	sdelay $0x4  }
0xc0: {  	v27 =	vshll.u32 v3, $0x1  }
0xc1: {  	v3 =	vand.u32 $0x7, v3;
	v4 =	vand.u32 $0xFFFFFFF0, v27  }
0xc2: {  	v3 =	vor.u32 v3, v4  }
0xc3: {  	v4 =	vperm.xlane v3, v0;
	_ =	sdelay $0x1  }
0xc4: {  	v3 =	vperm.xlane v3, v2;
	v4 =	vadd.s32 v1, v4;
	_ =	sdelay $0x1  }
0xc5: {  	v3 =	vadd.s32 v1, v3;
	_ =	sdelay $0x2  }
0xc6: {  	[tilespmem:s20], [sflag:$0x7] =	stream.indirect_vreg.gather [hbm4b:s2+s3], $0x80, v4, vm0, $0xb8;
	[tilespmem:$0x14200] =	vst v63  }
0xc7: {  	_ = 	snop  }
0xc8: {  	[tilespmem:s21], [sflag:$0x7] =	stream.indirect_vreg.gather [hbm4b:s2+s3], $0x80, v3, vm0, $0xb8;
	[tilespmem:$0x14200] =	vst v63  }
0xc9: {  	v3 =	vld [tilespmem:$0x140];
	_ =	sdelay $0x4  }
0xca: {  	v28 =	vshll.u32 v3, $0x1  }
0xcb: {  	v3 =	vand.u32 $0x7, v3;
	v4 =	vand.u32 $0xFFFFFFF0, v28  }
0xcc: {  	v3 =	vor.u32 v3, v4  }
0xcd: {  	v4 =	vperm.xlane v3, v0;
	_ =	sdelay $0x1  }
0xce: {  	v3 =	vperm.xlane v3, v2;
	v4 =	vadd.s32 v1, v4;
	_ =	sdelay $0x1  }
0xcf: {  	v3 =	vadd.s32 v1, v3;
	_ =	sdelay $0x2  }
0xd0: {  	[tilespmem:s22], [sflag:$0x7] =	stream.indirect_vreg.gather [hbm4b:s2+s3], $0x80, v4, vm0, $0xb8;
	[tilespmem:$0x14200] =	vst v63  }
0xd1: {  	_ = 	snop  }
0xd2: {  	[tilespmem:s23], [sflag:$0x7] =	stream.indirect_vreg.gather [hbm4b:s2+s3], $0x80, v3, vm0, $0xb8;
	[tilespmem:$0x14200] =	vst v63  }
0xd3: {  	s5 =	rddreg [dreg:$0x7]  }
0xd4: {  	[tilespmem:s24], [sflag:$0x4] =	stream.linear.gather [hbm4b:s5+s3], $0x50, $0x38;
	[tilespmem:$0x14200] =	vst v63  }
0xd5: {  	_ =	swait.ge [sflag:s30], $0x5000  }
0xd6: {  	[sflag:s30] =	ssyncset.done $0x0  }
0xd7: {  	s7 =	rddreg [dreg:$0x8];
	[sflag:s30] =	ssyncadd.s32 $0xFFFFB000  }
0xd8: {  	[hbm4b:s7+s3] =	stream.linear.scatter [tilespmem:s17], [sflag:$0x9], $0x5000, $0x38;
	[tilespmem:$0x14200] =	vst v63  }
0xd9: {  	s7 =	simm.s32 $0x4  }
0xda: {  	_ =	swait.ge [sflag:s7], $0x50  }
0xdb: {  	[sflag:s7] =	ssyncset.done $0x0  }
0xdc: {  	[sflag:s7] =	ssyncadd.s32 $0xFFFFFFB0  }
0xdd: {  	v3 =	vld [tilespmem:$0x180];
	_ =	sdelay $0x4  }
0xde: {  	v29 =	vshll.u32 v3, $0x1  }
0xdf: {  	v3 =	vand.u32 $0x7, v3;
	v4 =	vand.u32 $0xFFFFFFF0, v29  }
0xe0: {  	v3 =	vor.u32 v3, v4  }
0xe1: {  	v4 =	vperm.xlane v3, v0;
	_ =	sdelay $0x1  }
0xe2: {  	v3 =	vperm.xlane v3, v2;
	v4 =	vadd.s32 v1, v4;
	_ =	sdelay $0x1  }
0xe3: {  	v3 =	vadd.s32 v1, v3;
	_ =	sdelay $0x2  }
0xe4: {  	[tilespmem:s25], [sflag:$0x8] =	stream.indirect_vreg.gather [hbm4b:s2+s3], $0x80, v4, vm0, $0xb8;
	[tilespmem:$0x14200] =	vst v63  }
0xe5: {  	_ = 	snop  }
0xe6: {  	[tilespmem:s26], [sflag:$0x8] =	stream.indirect_vreg.gather [hbm4b:s2+s3], $0x80, v3, vm0, $0xb8;
	[tilespmem:$0x14200] =	vst v63  }
0xe7: {  	v3 =	vld [tilespmem:$0x190];
	_ =	sdelay $0x4  }
0xe8: {  	v30 =	vshll.u32 v3, $0x1  }
0xe9: {  	v3 =	vand.u32 $0x7, v3;
	v4 =	vand.u32 $0xFFFFFFF0, v30  }
0xea: {  	v3 =	vor.u32 v3, v4  }
0xeb: {  	v4 =	vperm.xlane v3, v0;
	_ =	sdelay $0x1  }
0xec: {  	v3 =	vperm.xlane v3, v2;
	v4 =	vadd.s32 v1, v4;
	_ =	sdelay $0x1  }
0xed: {  	v3 =	vadd.s32 v1, v3;
	_ =	sdelay $0x1  }
0xee: {  	s5 =	simm.s32 $0x10200  }
0xef: {  	[tilespmem:s5], [sflag:$0x8] =	stream.indirect_vreg.gather [hbm4b:s2+s3], $0x80, v4, vm0, $0xb8;
	[tilespmem:$0x14200] =	vst v63  }
0xf0: {  	s15 =	simm.s32 $0x10A00  }
0xf1: {  	[tilespmem:s15], [sflag:$0x8] =	stream.indirect_vreg.gather [hbm4b:s2+s3], $0x80, v3, vm0, $0xb8;
	[tilespmem:$0x14200] =	vst v63  }
0xf2: {  	v3 =	vld [tilespmem:$0x1A0];
	_ =	sdelay $0x4  }
0xf3: {  	v31 =	vshll.u32 v3, $0x1  }
0xf4: {  	v3 =	vand.u32 $0x7, v3;
	v4 =	vand.u32 $0xFFFFFFF0, v31  }
0xf5: {  	v3 =	vor.u32 v3, v4  }
0xf6: {  	v4 =	vperm.xlane v3, v0;
	_ =	sdelay $0x1  }
0xf7: {  	v3 =	vperm.xlane v3, v2;
	v4 =	vadd.s32 v1, v4;
	_ =	sdelay $0x1  }
0xf8: {  	v3 =	vadd.s32 v1, v3;
	_ =	sdelay $0x1  }
0xf9: {  	s15 =	simm.s32 $0x11200  }
0xfa: {  	[tilespmem:s15], [sflag:$0x8] =	stream.indirect_vreg.gather [hbm4b:s2+s3], $0x80, v4, vm0, $0xb8;
	[tilespmem:$0x14200] =	vst v63  }
0xfb: {  	s15 =	simm.s32 $0x11A00  }
0xfc: {  	[tilespmem:s15], [sflag:$0x8] =	stream.indirect_vreg.gather [hbm4b:s2+s3], $0x80, v3, vm0, $0xb8;
	[tilespmem:$0x14200] =	vst v63  }
0xfd: {  	v3 =	vld [tilespmem:$0x1B0];
	_ =	sdelay $0x4  }
0xfe: {  	v32 =	vshll.u32 v3, $0x1  }
0xff: {  	v3 =	vand.u32 $0x7, v3;
	v4 =	vand.u32 $0xFFFFFFF0, v32  }
0x100: {  	v3 =	vor.u32 v3, v4  }
0x101: {  	v4 =	vperm.xlane v3, v0;
	_ =	sdelay $0x1  }
0x102: {  	v3 =	vperm.xlane v3, v2;
	v4 =	vadd.s32 v1, v4;
	_ =	sdelay $0x1  }
0x103: {  	v3 =	vadd.s32 v1, v3;
	_ =	sdelay $0x2  }
0x104: {  	[tilespmem:s14], [sflag:$0x8] =	stream.indirect_vreg.gather [hbm4b:s2+s3], $0x80, v4, vm0, $0xb8;
	[tilespmem:$0x14200] =	vst v63  }
0x105: {  	s15 =	simm.s32 $0x12A00  }
0x106: {  	[tilespmem:s15], [sflag:$0x8] =	stream.indirect_vreg.gather [hbm4b:s2+s3], $0x80, v3, vm0, $0xb8;
	[tilespmem:$0x14200] =	vst v63  }
0x107: {  	v3 =	vld [tilespmem:$0x1C0];
	_ =	sdelay $0x4  }
0x108: {  	v33 =	vshll.u32 v3, $0x1  }
0x109: {  	v3 =	vand.u32 $0x7, v3;
	v4 =	vand.u32 $0xFFFFFFF0, v33  }
0x10a: {  	v3 =	vor.u32 v3, v4  }
0x10b: {  	v4 =	vperm.xlane v3, v0;
	_ =	sdelay $0x1  }
0x10c: {  	v3 =	vperm.xlane v3, v2;
	v4 =	vadd.s32 v1, v4;
	_ =	sdelay $0x1  }
0x10d: {  	v3 =	vadd.s32 v1, v3;
	_ =	sdelay $0x1  }
0x10e: {  	s15 =	simm.s32 $0x13200  }
0x10f: {  	[tilespmem:s15], [sflag:$0x8] =	stream.indirect_vreg.gather [hbm4b:s2+s3], $0x80, v4, vm0, $0xb8;
	[tilespmem:$0x14200] =	vst v63  }
0x110: {  	s5 =	simm.s32 $0x13A00  }
0x111: {  	[tilespmem:s5], [sflag:$0x8] =	stream.indirect_vreg.gather [hbm4b:s2+s3], $0x80, v3, vm0, $0xb8;
	[tilespmem:$0x14200] =	vst v63  }
0x112: {  	s15 =	rddreg [dreg:$0x9]  }
0x113: {  	[tilespmem:s3], [sflag:$0x1] =	stream.linear.gather [hbm4b:s15+s3], $0x50, $0x38;
	[tilespmem:$0x14200] =	vst v63  }
0x114: {  	_ =	swait.ge [sflag:s28], $0x5000  }
0x115: {  	[sflag:s28] =	ssyncset.done $0x0  }
0x116: {  	s5 =	rddreg [dreg:$0xa];
	[sflag:s28] =	ssyncadd.s32 $0xFFFFB000  }
0x117: {  	[hbm4b:s5+s3] =	stream.linear.scatter [tilespmem:s31], [sflag:$0xA], $0x5000, $0x38;
	[tilespmem:$0x14200] =	vst v63  }
0x118: {  	_ =	swait.ge [sflag:s0], $0x5000  }
0x119: {  	[sflag:s0] =	ssyncset.done $0x0  }
0x11a: {  	s5 =	simm.s32 $0x1;
	[sflag:s0] =	ssyncadd.s32 $0xFFFFB000  }
0x11b: {  	_ =	swait.ge [sflag:s5], $0x50  }
0x11c: {  	[sflag:s5] =	ssyncset.done $0x0  }
0x11d: {  	[sflag:s5] =	ssyncadd.s32 $0xFFFFFFB0  }
0x11e: {  	v3 =	vld [tilespmem:$0x0];
	_ =	sdelay $0x4  }
0x11f: {  	v34 =	vshll.u32 v3, $0x1  }
0x120: {  	v3 =	vand.u32 $0x7, v3;
	v4 =	vand.u32 $0xFFFFFFF0, v34  }
0x121: {  	v3 =	vor.u32 v3, v4  }
0x122: {  	v4 =	vperm.xlane v3, v0;
	_ =	sdelay $0x1  }
0x123: {  	v3 =	vperm.xlane v3, v2;
	v4 =	vadd.s32 v1, v4;
	_ =	sdelay $0x1  }
0x124: {  	v3 =	vadd.s32 v1, v3;
	_ =	sdelay $0x2  }
0x125: {  	[tilespmem:s17], [sflag:$0x5] =	stream.indirect_vreg.gather [hbm4b:s2+s3], $0x80, v4, vm0, $0xb8;
	[tilespmem:$0x14200] =	vst v63  }
0x126: {  	s8 =	simm.s32 $0xA00  }
0x127: {  	[tilespmem:s8], [sflag:$0x5] =	stream.indirect_vreg.gather [hbm4b:s2+s3], $0x80, v3, vm0, $0xb8;
	[tilespmem:$0x14200] =	vst v63  }
0x128: {  	v3 =	vld [tilespmem:$0x10];
	_ =	sdelay $0x4  }
0x129: {  	v35 =	vshll.u32 v3, $0x1  }
0x12a: {  	v3 =	vand.u32 $0x7, v3;
	v4 =	vand.u32 $0xFFFFFFF0, v35  }
0x12b: {  	v3 =	vor.u32 v3, v4  }
0x12c: {  	v4 =	vperm.xlane v3, v0;
	_ =	sdelay $0x1  }
0x12d: {  	v3 =	vperm.xlane v3, v2;
	v4 =	vadd.s32 v1, v4;
	_ =	sdelay $0x1  }
0x12e: {  	v3 =	vadd.s32 v1, v3;
	_ =	sdelay $0x1  }
0x12f: {  	s15 =	simm.s32 $0x1200  }
0x130: {  	[tilespmem:s15], [sflag:$0x5] =	stream.indirect_vreg.gather [hbm4b:s2+s3], $0x80, v4, vm0, $0xb8;
	[tilespmem:$0x14200] =	vst v63  }
0x131: {  	s10 =	simm.s32 $0x1A00  }
0x132: {  	[tilespmem:s10], [sflag:$0x5] =	stream.indirect_vreg.gather [hbm4b:s2+s3], $0x80, v3, vm0, $0xb8;
	[tilespmem:$0x14200] =	vst v63  }
0x133: {  	v3 =	vld [tilespmem:$0x20];
	_ =	sdelay $0x4  }
0x134: {  	v36 =	vshll.u32 v3, $0x1  }
0x135: {  	v3 =	vand.u32 $0x7, v3;
	v4 =	vand.u32 $0xFFFFFFF0, v36  }
0x136: {  	v3 =	vor.u32 v3, v4  }
0x137: {  	v4 =	vperm.xlane v3, v0;
	_ =	sdelay $0x1  }
0x138: {  	v3 =	vperm.xlane v3, v2;
	v4 =	vadd.s32 v1, v4;
	_ =	sdelay $0x1  }
0x139: {  	v3 =	vadd.s32 v1, v3;
	_ =	sdelay $0x1  }
0x13a: {  	s10 =	simm.s32 $0x2200  }
0x13b: {  	[tilespmem:s10], [sflag:$0x5] =	stream.indirect_vreg.gather [hbm4b:s2+s3], $0x80, v4, vm0, $0xb8;
	[tilespmem:$0x14200] =	vst v63  }
0x13c: {  	s11 =	simm.s32 $0x2A00  }
0x13d: {  	[tilespmem:s11], [sflag:$0x5] =	stream.indirect_vreg.gather [hbm4b:s2+s3], $0x80, v3, vm0, $0xb8;
	[tilespmem:$0x14200] =	vst v63  }
0x13e: {  	v3 =	vld [tilespmem:$0x30];
	_ =	sdelay $0x4  }
0x13f: {  	v37 =	vshll.u32 v3, $0x1  }
0x140: {  	v3 =	vand.u32 $0x7, v3;
	v4 =	vand.u32 $0xFFFFFFF0, v37  }
0x141: {  	v3 =	vor.u32 v3, v4  }
0x142: {  	v4 =	vperm.xlane v3, v0;
	_ =	sdelay $0x1  }
0x143: {  	v3 =	vperm.xlane v3, v2;
	v4 =	vadd.s32 v1, v4;
	_ =	sdelay $0x1  }
0x144: {  	v3 =	vadd.s32 v1, v3;
	_ =	sdelay $0x1  }
0x145: {  	s11 =	simm.s32 $0x3200  }
0x146: {  	[tilespmem:s11], [sflag:$0x5] =	stream.indirect_vreg.gather [hbm4b:s2+s3], $0x80, v4, vm0, $0xb8;
	[tilespmem:$0x14200] =	vst v63  }
0x147: {  	s15 =	simm.s32 $0x3A00  }
0x148: {  	[tilespmem:s15], [sflag:$0x5] =	stream.indirect_vreg.gather [hbm4b:s2+s3], $0x80, v3, vm0, $0xb8;
	[tilespmem:$0x14200] =	vst v63  }
0x149: {  	v3 =	vld [tilespmem:$0x40];
	_ =	sdelay $0x4  }
0x14a: {  	v38 =	vshll.u32 v3, $0x1  }
0x14b: {  	v3 =	vand.u32 $0x7, v3;
	v4 =	vand.u32 $0xFFFFFFF0, v38  }
0x14c: {  	v3 =	vor.u32 v3, v4  }
0x14d: {  	v4 =	vperm.xlane v3, v0;
	_ =	sdelay $0x1  }
0x14e: {  	v3 =	vperm.xlane v3, v2;
	v4 =	vadd.s32 v1, v4;
	_ =	sdelay $0x1  }
0x14f: {  	v3 =	vadd.s32 v1, v3;
	_ =	sdelay $0x1  }
0x150: {  	s10 =	simm.s32 $0x4200  }
0x151: {  	[tilespmem:s10], [sflag:$0x5] =	stream.indirect_vreg.gather [hbm4b:s2+s3], $0x80, v4, vm0, $0xb8;
	[tilespmem:$0x14200] =	vst v63  }
0x152: {  	s11 =	simm.s32 $0x4A00  }
0x153: {  	[tilespmem:s11], [sflag:$0x5] =	stream.indirect_vreg.gather [hbm4b:s2+s3], $0x80, v3, vm0, $0xb8;
	[tilespmem:$0x14200] =	vst v63  }
0x154: {  	s8 =	simm.s32 $0x7;
	s15 =	rddreg [dreg:$0xb];
	s10 =	simm.s32 $0x80  }
0x155: {  	[tilespmem:s10], [sflag:$0x2] =	stream.linear.gather [hbm4b:s15+s3], $0x50, $0x38;
	[tilespmem:$0x14200] =	vst v63  }
0x156: {  	_ =	swait.ge [sflag:s8], $0x5000  }
0x157: {  	[sflag:s8] =	ssyncset.done $0x0  }
0x158: {  	s11 =	rddreg [dreg:$0xc];
	[sflag:s8] =	ssyncadd.s32 $0xFFFFB000  }
0x159: {  	[hbm4b:s11+s3] =	stream.linear.scatter [tilespmem:s6], [sflag:$0xB], $0x5000, $0x38;
	[tilespmem:$0x14200] =	vst v63  }
0x15a: {  	_ =	swait.ge [sflag:s9], $0x5000  }
0x15b: {  	[sflag:s9] =	ssyncset.done $0x0  }
0x15c: {  	s10 =	simm.s32 $0x2;
	[sflag:s9] =	ssyncadd.s32 $0xFFFFB000  }
0x15d: {  	_ =	swait.ge [sflag:s10], $0x50  }
0x15e: {  	[sflag:s10] =	ssyncset.done $0x0  }
0x15f: {  	[sflag:s10] =	ssyncadd.s32 $0xFFFFFFB0  }
0x160: {  	v3 =	vld [tilespmem:$0x80];
	_ =	sdelay $0x4  }
0x161: {  	v39 =	vshll.u32 v3, $0x1  }
0x162: {  	v3 =	vand.u32 $0x7, v3;
	v4 =	vand.u32 $0xFFFFFFF0, v39  }
0x163: {  	v3 =	vor.u32 v3, v4  }
0x164: {  	v4 =	vperm.xlane v3, v0;
	_ =	sdelay $0x1  }
0x165: {  	v3 =	vperm.xlane v3, v2;
	v4 =	vadd.s32 v1, v4;
	_ =	sdelay $0x1  }
0x166: {  	v3 =	vadd.s32 v1, v3;
	_ =	sdelay $0x2  }
0x167: {  	[tilespmem:s31], [sflag:$0x6] =	stream.indirect_vreg.gather [hbm4b:s2+s3], $0x80, v4, vm0, $0xb8;
	[tilespmem:$0x14200] =	vst v63  }
0x168: {  	s15 =	simm.s32 $0x5A00  }
0x169: {  	[tilespmem:s15], [sflag:$0x6] =	stream.indirect_vreg.gather [hbm4b:s2+s3], $0x80, v3, vm0, $0xb8;
	[tilespmem:$0x14200] =	vst v63  }
0x16a: {  	v3 =	vld [tilespmem:$0x90];
	_ =	sdelay $0x4  }
0x16b: {  	v40 =	vshll.u32 v3, $0x1  }
0x16c: {  	v3 =	vand.u32 $0x7, v3;
	v4 =	vand.u32 $0xFFFFFFF0, v40  }
0x16d: {  	v3 =	vor.u32 v3, v4  }
0x16e: {  	v4 =	vperm.xlane v3, v0;
	_ =	sdelay $0x1  }
0x16f: {  	v3 =	vperm.xlane v3, v2;
	v4 =	vadd.s32 v1, v4;
	_ =	sdelay $0x1  }
0x170: {  	v3 =	vadd.s32 v1, v3;
	_ =	sdelay $0x1  }
0x171: {  	s15 =	simm.s32 $0x6200  }
0x172: {  	[tilespmem:s15], [sflag:$0x6] =	stream.indirect_vreg.gather [hbm4b:s2+s3], $0x80, v4, vm0, $0xb8;
	[tilespmem:$0x14200] =	vst v63  }
0x173: {  	s15 =	simm.s32 $0x6A00  }
0x174: {  	[tilespmem:s15], [sflag:$0x6] =	stream.indirect_vreg.gather [hbm4b:s2+s3], $0x80, v3, vm0, $0xb8;
	[tilespmem:$0x14200] =	vst v63  }
0x175: {  	v3 =	vld [tilespmem:$0xA0];
	_ =	sdelay $0x4  }
0x176: {  	v41 =	vshll.u32 v3, $0x1  }
0x177: {  	v3 =	vand.u32 $0x7, v3;
	v4 =	vand.u32 $0xFFFFFFF0, v41  }
0x178: {  	v3 =	vor.u32 v3, v4  }
0x179: {  	v4 =	vperm.xlane v3, v0;
	_ =	sdelay $0x1  }
0x17a: {  	v3 =	vperm.xlane v3, v2;
	v4 =	vadd.s32 v1, v4;
	_ =	sdelay $0x1  }
0x17b: {  	v3 =	vadd.s32 v1, v3;
	_ =	sdelay $0x1  }
0x17c: {  	s15 =	simm.s32 $0x7200  }
0x17d: {  	[tilespmem:s15], [sflag:$0x6] =	stream.indirect_vreg.gather [hbm4b:s2+s3], $0x80, v4, vm0, $0xb8;
	[tilespmem:$0x14200] =	vst v63  }
0x17e: {  	s15 =	simm.s32 $0x7A00  }
0x17f: {  	[tilespmem:s15], [sflag:$0x6] =	stream.indirect_vreg.gather [hbm4b:s2+s3], $0x80, v3, vm0, $0xb8;
	[tilespmem:$0x14200] =	vst v63  }
0x180: {  	v3 =	vld [tilespmem:$0xB0];
	_ =	sdelay $0x4  }
0x181: {  	v42 =	vshll.u32 v3, $0x1  }
0x182: {  	v3 =	vand.u32 $0x7, v3;
	v4 =	vand.u32 $0xFFFFFFF0, v42  }
0x183: {  	v3 =	vor.u32 v3, v4  }
0x184: {  	v4 =	vperm.xlane v3, v0;
	_ =	sdelay $0x1  }
0x185: {  	v3 =	vperm.xlane v3, v2;
	v4 =	vadd.s32 v1, v4;
	_ =	sdelay $0x1  }
0x186: {  	v3 =	vadd.s32 v1, v3;
	_ =	sdelay $0x1  }
0x187: {  	s15 =	simm.s32 $0x8200  }
0x188: {  	[tilespmem:s15], [sflag:$0x6] =	stream.indirect_vreg.gather [hbm4b:s2+s3], $0x80, v4, vm0, $0xb8;
	[tilespmem:$0x14200] =	vst v63  }
0x189: {  	s15 =	simm.s32 $0x8A00  }
0x18a: {  	[tilespmem:s15], [sflag:$0x6] =	stream.indirect_vreg.gather [hbm4b:s2+s3], $0x80, v3, vm0, $0xb8;
	[tilespmem:$0x14200] =	vst v63  }
0x18b: {  	v3 =	vld [tilespmem:$0xC0];
	_ =	sdelay $0x4  }
0x18c: {  	v43 =	vshll.u32 v3, $0x1  }
0x18d: {  	v3 =	vand.u32 $0x7, v3;
	v4 =	vand.u32 $0xFFFFFFF0, v43  }
0x18e: {  	v3 =	vor.u32 v3, v4  }
0x18f: {  	v4 =	vperm.xlane v3, v0;
	_ =	sdelay $0x1  }
0x190: {  	v3 =	vperm.xlane v3, v2;
	v4 =	vadd.s32 v1, v4;
	_ =	sdelay $0x1  }
0x191: {  	v3 =	vadd.s32 v1, v3;
	_ =	sdelay $0x1  }
0x192: {  	s15 =	simm.s32 $0x9200  }
0x193: {  	[tilespmem:s15], [sflag:$0x6] =	stream.indirect_vreg.gather [hbm4b:s2+s3], $0x80, v4, vm0, $0xb8;
	[tilespmem:$0x14200] =	vst v63  }
0x194: {  	s11 =	simm.s32 $0x9A00  }
0x195: {  	[tilespmem:s11], [sflag:$0x6] =	stream.indirect_vreg.gather [hbm4b:s2+s3], $0x80, v3, vm0, $0xb8;
	[tilespmem:$0x14200] =	vst v63  }
0x196: {  	s15 =	rddreg [dreg:$0xd]  }
0x197: {  	[tilespmem:s1], [sflag:$0x3] =	stream.linear.gather [hbm4b:s15+s3], $0x50, $0x38;
	[tilespmem:$0x14200] =	vst v63  }
0x198: {  	s1 =	simm.s32 $0x8  }
0x199: {  	_ =	swait.ge [sflag:s1], $0x5000  }
0x19a: {  	[sflag:s1] =	ssyncset.done $0x0  }
0x19b: {  	s11 =	rddreg [dreg:$0xe];
	[sflag:s1] =	ssyncadd.s32 $0xFFFFB000  }
0x19c: {  	[hbm4b:s11+s3] =	stream.linear.scatter [tilespmem:s25], [sflag:$0xC], $0x5000, $0x38;
	[tilespmem:$0x14200] =	vst v63  }
0x19d: {  	s11 =	simm.s32 $0xB  }
0x19e: {  	_ =	swait.ge [sflag:s11], $0x5000  }
0x19f: {  	[sflag:s11] =	ssyncset.done $0x0  }
0x1a0: {  	s15 =	simm.s32 $0x3;
	[sflag:s11] =	ssyncadd.s32 $0xFFFFB000  }
0x1a1: {  	_ =	swait.ge [sflag:s15], $0x50  }
0x1a2: {  	[sflag:s15] =	ssyncset.done $0x0  }
0x1a3: {  	[sflag:s15] =	ssyncadd.s32 $0xFFFFFFB0  }
0x1a4: {  	v3 =	vld [tilespmem:$0x100];
	_ =	sdelay $0x4  }
0x1a5: {  	v44 =	vshll.u32 v3, $0x1  }
0x1a6: {  	v3 =	vand.u32 $0x7, v3;
	v4 =	vand.u32 $0xFFFFFFF0, v44  }
0x1a7: {  	v3 =	vor.u32 v3, v4  }
0x1a8: {  	v4 =	vperm.xlane v3, v0;
	_ =	sdelay $0x1  }
0x1a9: {  	v3 =	vperm.xlane v3, v2;
	v4 =	vadd.s32 v1, v4;
	_ =	sdelay $0x1  }
0x1aa: {  	v3 =	vadd.s32 v1, v3;
	_ =	sdelay $0x2  }
0x1ab: {  	[tilespmem:s6], [sflag:$0x7] =	stream.indirect_vreg.gather [hbm4b:s2+s3], $0x80, v4, vm0, $0xb8;
	[tilespmem:$0x14200] =	vst v63  }
0x1ac: {  	_ = 	snop  }
0x1ad: {  	[tilespmem:s29], [sflag:$0x7] =	stream.indirect_vreg.gather [hbm4b:s2+s3], $0x80, v3, vm0, $0xb8;
	[tilespmem:$0x14200] =	vst v63  }
0x1ae: {  	v3 =	vld [tilespmem:$0x110];
	_ =	sdelay $0x4  }
0x1af: {  	v45 =	vshll.u32 v3, $0x1  }
0x1b0: {  	v3 =	vand.u32 $0x7, v3;
	v4 =	vand.u32 $0xFFFFFFF0, v45  }
0x1b1: {  	v3 =	vor.u32 v3, v4  }
0x1b2: {  	v4 =	vperm.xlane v3, v0;
	_ =	sdelay $0x1  }
0x1b3: {  	v3 =	vperm.xlane v3, v2;
	v4 =	vadd.s32 v1, v4;
	_ =	sdelay $0x1  }
0x1b4: {  	v3 =	vadd.s32 v1, v3;
	_ =	sdelay $0x2  }
0x1b5: {  	[tilespmem:s13], [sflag:$0x7] =	stream.indirect_vreg.gather [hbm4b:s2+s3], $0x80, v4, vm0, $0xb8;
	[tilespmem:$0x14200] =	vst v63  }
0x1b6: {  	_ = 	snop  }
0x1b7: {  	[tilespmem:s16], [sflag:$0x7] =	stream.indirect_vreg.gather [hbm4b:s2+s3], $0x80, v3, vm0, $0xb8;
	[tilespmem:$0x14200] =	vst v63  }
0x1b8: {  	v3 =	vld [tilespmem:$0x120];
	_ =	sdelay $0x4  }
0x1b9: {  	v46 =	vshll.u32 v3, $0x1  }
0x1ba: {  	v3 =	vand.u32 $0x7, v3;
	v4 =	vand.u32 $0xFFFFFFF0, v46  }
0x1bb: {  	v3 =	vor.u32 v3, v4  }
0x1bc: {  	v4 =	vperm.xlane v3, v0;
	_ =	sdelay $0x1  }
0x1bd: {  	v3 =	vperm.xlane v3, v2;
	v4 =	vadd.s32 v1, v4;
	_ =	sdelay $0x1  }
0x1be: {  	v3 =	vadd.s32 v1, v3;
	_ =	sdelay $0x2  }
0x1bf: {  	[tilespmem:s18], [sflag:$0x7] =	stream.indirect_vreg.gather [hbm4b:s2+s3], $0x80, v4, vm0, $0xb8;
	[tilespmem:$0x14200] =	vst v63  }
0x1c0: {  	_ = 	snop  }
0x1c1: {  	[tilespmem:s19], [sflag:$0x7] =	stream.indirect_vreg.gather [hbm4b:s2+s3], $0x80, v3, vm0, $0xb8;
	[tilespmem:$0x14200] =	vst v63  }
0x1c2: {  	v3 =	vld [tilespmem:$0x130];
	_ =	sdelay $0x4  }
0x1c3: {  	v47 =	vshll.u32 v3, $0x1  }
0x1c4: {  	v3 =	vand.u32 $0x7, v3;
	v4 =	vand.u32 $0xFFFFFFF0, v47  }
0x1c5: {  	v3 =	vor.u32 v3, v4  }
0x1c6: {  	v4 =	vperm.xlane v3, v0;
	_ =	sdelay $0x1  }
0x1c7: {  	v3 =	vperm.xlane v3, v2;
	v4 =	vadd.s32 v1, v4;
	_ =	sdelay $0x1  }
0x1c8: {  	v3 =	vadd.s32 v1, v3;
	_ =	sdelay $0x2  }
0x1c9: {  	[tilespmem:s20], [sflag:$0x7] =	stream.indirect_vreg.gather [hbm4b:s2+s3], $0x80, v4, vm0, $0xb8;
	[tilespmem:$0x14200] =	vst v63  }
0x1ca: {  	_ = 	snop  }
0x1cb: {  	[tilespmem:s21], [sflag:$0x7] =	stream.indirect_vreg.gather [hbm4b:s2+s3], $0x80, v3, vm0, $0xb8;
	[tilespmem:$0x14200] =	vst v63  }
0x1cc: {  	v3 =	vld [tilespmem:$0x140];
	_ =	sdelay $0x4  }
0x1cd: {  	v48 =	vshll.u32 v3, $0x1  }
0x1ce: {  	v3 =	vand.u32 $0x7, v3;
	v4 =	vand.u32 $0xFFFFFFF0, v48  }
0x1cf: {  	v3 =	vor.u32 v3, v4  }
0x1d0: {  	v4 =	vperm.xlane v3, v0;
	_ =	sdelay $0x1  }
0x1d1: {  	v3 =	vperm.xlane v3, v2;
	v4 =	vadd.s32 v1, v4;
	_ =	sdelay $0x1  }
0x1d2: {  	v3 =	vadd.s32 v1, v3;
	_ =	sdelay $0x2  }
0x1d3: {  	[tilespmem:s22], [sflag:$0x7] =	stream.indirect_vreg.gather [hbm4b:s2+s3], $0x80, v4, vm0, $0xb8;
	[tilespmem:$0x14200] =	vst v63  }
0x1d4: {  	_ = 	snop  }
0x1d5: {  	[tilespmem:s23], [sflag:$0x7] =	stream.indirect_vreg.gather [hbm4b:s2+s3], $0x80, v3, vm0, $0xb8;
	[tilespmem:$0x14200] =	vst v63  }
0x1d6: {  	s13 =	rddreg [dreg:$0xf]  }
0x1d7: {  	[tilespmem:s24], [sflag:$0x4] =	stream.linear.gather [hbm4b:s13+s3], $0x50, $0x38;
	[tilespmem:$0x14200] =	vst v63  }
0x1d8: {  	_ =	swait.ge [sflag:s30], $0x5000  }
0x1d9: {  	[sflag:s30] =	ssyncset.done $0x0  }
0x1da: {  	s13 =	rddreg [dreg:$0x10];
	[sflag:s30] =	ssyncadd.s32 $0xFFFFB000  }
0x1db: {  	[hbm4b:s13+s3] =	stream.linear.scatter [tilespmem:s17], [sflag:$0x9], $0x5000, $0x38;
	[tilespmem:$0x14200] =	vst v63  }
0x1dc: {  	s13 =	simm.s32 $0xC  }
0x1dd: {  	_ =	swait.ge [sflag:s13], $0x5000  }
0x1de: {  	[sflag:s13] =	ssyncset.done $0x0  }
0x1df: {  	[sflag:s13] =	ssyncadd.s32 $0xFFFFB000  }
0x1e0: {  	_ =	swait.ge [sflag:s7], $0x50  }
0x1e1: {  	[sflag:s7] =	ssyncset.done $0x0  }
0x1e2: {  	[sflag:s7] =	ssyncadd.s32 $0xFFFFFFB0  }
0x1e3: {  	v3 =	vld [tilespmem:$0x180];
	_ =	sdelay $0x4  }
0x1e4: {  	v49 =	vshll.u32 v3, $0x1  }
0x1e5: {  	v3 =	vand.u32 $0x7, v3;
	v4 =	vand.u32 $0xFFFFFFF0, v49  }
0x1e6: {  	v3 =	vor.u32 v3, v4  }
0x1e7: {  	v4 =	vperm.xlane v3, v0;
	_ =	sdelay $0x1  }
0x1e8: {  	v3 =	vperm.xlane v3, v2;
	v4 =	vadd.s32 v1, v4;
	_ =	sdelay $0x1  }
0x1e9: {  	v3 =	vadd.s32 v1, v3;
	_ =	sdelay $0x2  }
0x1ea: {  	[tilespmem:s25], [sflag:$0x8] =	stream.indirect_vreg.gather [hbm4b:s2+s3], $0x80, v4, vm0, $0xb8;
	[tilespmem:$0x14200] =	vst v63  }
0x1eb: {  	_ = 	snop  }
0x1ec: {  	[tilespmem:s26], [sflag:$0x8] =	stream.indirect_vreg.gather [hbm4b:s2+s3], $0x80, v3, vm0, $0xb8;
	[tilespmem:$0x14200] =	vst v63  }
0x1ed: {  	v3 =	vld [tilespmem:$0x190];
	_ =	sdelay $0x4  }
0x1ee: {  	v50 =	vshll.u32 v3, $0x1  }
0x1ef: {  	v3 =	vand.u32 $0x7, v3;
	v4 =	vand.u32 $0xFFFFFFF0, v50  }
0x1f0: {  	v3 =	vor.u32 v3, v4  }
0x1f1: {  	v4 =	vperm.xlane v3, v0;
	_ =	sdelay $0x1  }
0x1f2: {  	v3 =	vperm.xlane v3, v2;
	v4 =	vadd.s32 v1, v4;
	_ =	sdelay $0x1  }
0x1f3: {  	v3 =	vadd.s32 v1, v3;
	_ =	sdelay $0x1  }
0x1f4: {  	s15 =	simm.s32 $0x10200  }
0x1f5: {  	[tilespmem:s15], [sflag:$0x8] =	stream.indirect_vreg.gather [hbm4b:s2+s3], $0x80, v4, vm0, $0xb8;
	[tilespmem:$0x14200] =	vst v63  }
0x1f6: {  	s15 =	simm.s32 $0x10A00  }
0x1f7: {  	[tilespmem:s15], [sflag:$0x8] =	stream.indirect_vreg.gather [hbm4b:s2+s3], $0x80, v3, vm0, $0xb8;
	[tilespmem:$0x14200] =	vst v63  }
0x1f8: {  	v3 =	vld [tilespmem:$0x1A0];
	_ =	sdelay $0x4  }
0x1f9: {  	v51 =	vshll.u32 v3, $0x1  }
0x1fa: {  	v3 =	vand.u32 $0x7, v3;
	v4 =	vand.u32 $0xFFFFFFF0, v51  }
0x1fb: {  	v3 =	vor.u32 v3, v4  }
0x1fc: {  	v4 =	vperm.xlane v3, v0;
	_ =	sdelay $0x1  }
0x1fd: {  	v3 =	vperm.xlane v3, v2;
	v4 =	vadd.s32 v1, v4;
	_ =	sdelay $0x1  }
0x1fe: {  	v3 =	vadd.s32 v1, v3;
	_ =	sdelay $0x1  }
0x1ff: {  	s15 =	simm.s32 $0x11200  }
0x200: {  	[tilespmem:s15], [sflag:$0x8] =	stream.indirect_vreg.gather [hbm4b:s2+s3], $0x80, v4, vm0, $0xb8;
	[tilespmem:$0x14200] =	vst v63  }
0x201: {  	s15 =	simm.s32 $0x11A00  }
0x202: {  	[tilespmem:s15], [sflag:$0x8] =	stream.indirect_vreg.gather [hbm4b:s2+s3], $0x80, v3, vm0, $0xb8;
	[tilespmem:$0x14200] =	vst v63  }
0x203: {  	v3 =	vld [tilespmem:$0x1B0];
	_ =	sdelay $0x4  }
0x204: {  	v52 =	vshll.u32 v3, $0x1  }
0x205: {  	v3 =	vand.u32 $0x7, v3;
	v4 =	vand.u32 $0xFFFFFFF0, v52  }
0x206: {  	v3 =	vor.u32 v3, v4  }
0x207: {  	v4 =	vperm.xlane v3, v0;
	_ =	sdelay $0x1  }
0x208: {  	v3 =	vperm.xlane v3, v2;
	v4 =	vadd.s32 v1, v4;
	_ =	sdelay $0x1  }
0x209: {  	v3 =	vadd.s32 v1, v3;
	_ =	sdelay $0x2  }
0x20a: {  	[tilespmem:s14], [sflag:$0x8] =	stream.indirect_vreg.gather [hbm4b:s2+s3], $0x80, v4, vm0, $0xb8;
	[tilespmem:$0x14200] =	vst v63  }
0x20b: {  	s15 =	simm.s32 $0x12A00  }
0x20c: {  	[tilespmem:s15], [sflag:$0x8] =	stream.indirect_vreg.gather [hbm4b:s2+s3], $0x80, v3, vm0, $0xb8;
	[tilespmem:$0x14200] =	vst v63  }
0x20d: {  	v3 =	vld [tilespmem:$0x1C0];
	_ =	sdelay $0x4  }
0x20e: {  	v53 =	vshll.u32 v3, $0x1  }
0x20f: {  	v3 =	vand.u32 $0x7, v3;
	v4 =	vand.u32 $0xFFFFFFF0, v53  }
0x210: {  	v3 =	vor.u32 v3, v4  }
0x211: {  	v4 =	vperm.xlane v3, v0;
	_ =	sdelay $0x1  }
0x212: {  	v3 =	vperm.xlane v3, v2;
	v4 =	vadd.s32 v1, v4;
	_ =	sdelay $0x1  }
0x213: {  	v3 =	vadd.s32 v1, v3;
	_ =	sdelay $0x1  }
0x214: {  	s15 =	simm.s32 $0x13200  }
0x215: {  	[tilespmem:s15], [sflag:$0x8] =	stream.indirect_vreg.gather [hbm4b:s2+s3], $0x80, v4, vm0, $0xb8;
	[tilespmem:$0x14200] =	vst v63  }
0x216: {  	s7 =	simm.s32 $0x13A00  }
0x217: {  	[tilespmem:s7], [sflag:$0x8] =	stream.indirect_vreg.gather [hbm4b:s2+s3], $0x80, v3, vm0, $0xb8;
	[tilespmem:$0x14200] =	vst v63  }
0x218: {  	s15 =	rddreg [dreg:$0x11]  }
0x219: {  	[tilespmem:s3], [sflag:$0x1] =	stream.linear.gather [hbm4b:s15+s3], $0x50, $0x38;
	[tilespmem:$0x14200] =	vst v63  }
0x21a: {  	_ =	swait.ge [sflag:s28], $0x5000  }
0x21b: {  	[sflag:s28] =	ssyncset.done $0x0  }
0x21c: {  	s7 =	rddreg [dreg:$0x12];
	[sflag:s28] =	ssyncadd.s32 $0xFFFFB000  }
0x21d: {  	[hbm4b:s7+s3] =	stream.linear.scatter [tilespmem:s31], [sflag:$0xA], $0x5000, $0x38;
	[tilespmem:$0x14200] =	vst v63  }
0x21e: {  	_ =	swait.ge [sflag:s0], $0x5000  }
0x21f: {  	[sflag:s0] =	ssyncset.done $0x0  }
0x220: {  	[sflag:s0] =	ssyncadd.s32 $0xFFFFB000  }
0x221: {  	_ =	swait.ge [sflag:s5], $0x50  }
0x222: {  	[sflag:s5] =	ssyncset.done $0x0  }
0x223: {  	[sflag:s5] =	ssyncadd.s32 $0xFFFFFFB0  }
0x224: {  	v3 =	vld [tilespmem:$0x0];
	_ =	sdelay $0x4  }
0x225: {  	v54 =	vshll.u32 v3, $0x1  }
0x226: {  	v3 =	vand.u32 $0x7, v3;
	v4 =	vand.u32 $0xFFFFFFF0, v54  }
0x227: {  	v3 =	vor.u32 v3, v4  }
0x228: {  	v4 =	vperm.xlane v3, v0;
	_ =	sdelay $0x1  }
0x229: {  	v3 =	vperm.xlane v3, v2;
	v4 =	vadd.s32 v1, v4;
	_ =	sdelay $0x1  }
0x22a: {  	v3 =	vadd.s32 v1, v3;
	_ =	sdelay $0x2  }
0x22b: {  	[tilespmem:s17], [sflag:$0x5] =	stream.indirect_vreg.gather [hbm4b:s2+s3], $0x80, v4, vm0, $0xb8;
	[tilespmem:$0x14200] =	vst v63  }
0x22c: {  	s7 =	simm.s32 $0xA00  }
0x22d: {  	[tilespmem:s7], [sflag:$0x5] =	stream.indirect_vreg.gather [hbm4b:s2+s3], $0x80, v3, vm0, $0xb8;
	[tilespmem:$0x14200] =	vst v63  }
0x22e: {  	v3 =	vld [tilespmem:$0x10];
	_ =	sdelay $0x4  }
0x22f: {  	v55 =	vshll.u32 v3, $0x1  }
0x230: {  	v3 =	vand.u32 $0x7, v3;
	v4 =	vand.u32 $0xFFFFFFF0, v55  }
0x231: {  	v3 =	vor.u32 v3, v4  }
0x232: {  	v4 =	vperm.xlane v3, v0;
	_ =	sdelay $0x1  }
0x233: {  	v3 =	vperm.xlane v3, v2;
	v4 =	vadd.s32 v1, v4;
	_ =	sdelay $0x1  }
0x234: {  	v3 =	vadd.s32 v1, v3;
	_ =	sdelay $0x1  }
0x235: {  	s15 =	simm.s32 $0x1200  }
0x236: {  	[tilespmem:s15], [sflag:$0x5] =	stream.indirect_vreg.gather [hbm4b:s2+s3], $0x80, v4, vm0, $0xb8;
	[tilespmem:$0x14200] =	vst v63  }
0x237: {  	s7 =	simm.s32 $0x1A00  }
0x238: {  	[tilespmem:s7], [sflag:$0x5] =	stream.indirect_vreg.gather [hbm4b:s2+s3], $0x80, v3, vm0, $0xb8;
	[tilespmem:$0x14200] =	vst v63  }
0x239: {  	v3 =	vld [tilespmem:$0x20];
	_ =	sdelay $0x4  }
0x23a: {  	v56 =	vshll.u32 v3, $0x1  }
0x23b: {  	v3 =	vand.u32 $0x7, v3;
	v4 =	vand.u32 $0xFFFFFFF0, v56  }
0x23c: {  	v3 =	vor.u32 v3, v4  }
0x23d: {  	v4 =	vperm.xlane v3, v0;
	_ =	sdelay $0x1  }
0x23e: {  	v3 =	vperm.xlane v3, v2;
	v4 =	vadd.s32 v1, v4;
	_ =	sdelay $0x1  }
0x23f: {  	v3 =	vadd.s32 v1, v3;
	_ =	sdelay $0x1  }
0x240: {  	s15 =	simm.s32 $0x2200  }
0x241: {  	[tilespmem:s15], [sflag:$0x5] =	stream.indirect_vreg.gather [hbm4b:s2+s3], $0x80, v4, vm0, $0xb8;
	[tilespmem:$0x14200] =	vst v63  }
0x242: {  	s7 =	simm.s32 $0x2A00  }
0x243: {  	[tilespmem:s7], [sflag:$0x5] =	stream.indirect_vreg.gather [hbm4b:s2+s3], $0x80, v3, vm0, $0xb8;
	[tilespmem:$0x14200] =	vst v63  }
0x244: {  	v3 =	vld [tilespmem:$0x30];
	_ =	sdelay $0x4  }
0x245: {  	v57 =	vshll.u32 v3, $0x1  }
0x246: {  	v3 =	vand.u32 $0x7, v3;
	v4 =	vand.u32 $0xFFFFFFF0, v57  }
0x247: {  	v3 =	vor.u32 v3, v4  }
0x248: {  	v4 =	vperm.xlane v3, v0;
	_ =	sdelay $0x1  }
0x249: {  	v3 =	vperm.xlane v3, v2;
	v4 =	vadd.s32 v1, v4;
	_ =	sdelay $0x1  }
0x24a: {  	v3 =	vadd.s32 v1, v3;
	_ =	sdelay $0x1  }
0x24b: {  	s15 =	simm.s32 $0x3200  }
0x24c: {  	[tilespmem:s15], [sflag:$0x5] =	stream.indirect_vreg.gather [hbm4b:s2+s3], $0x80, v4, vm0, $0xb8;
	[tilespmem:$0x14200] =	vst v63  }
0x24d: {  	s7 =	simm.s32 $0x3A00  }
0x24e: {  	[tilespmem:s7], [sflag:$0x5] =	stream.indirect_vreg.gather [hbm4b:s2+s3], $0x80, v3, vm0, $0xb8;
	[tilespmem:$0x14200] =	vst v63  }
0x24f: {  	v3 =	vld [tilespmem:$0x40];
	_ =	sdelay $0x4  }
0x250: {  	v58 =	vshll.u32 v3, $0x1  }
0x251: {  	v3 =	vand.u32 $0x7, v3;
	v4 =	vand.u32 $0xFFFFFFF0, v58  }
0x252: {  	v3 =	vor.u32 v3, v4  }
0x253: {  	v4 =	vperm.xlane v3, v0;
	_ =	sdelay $0x1  }
0x254: {  	v3 =	vperm.xlane v3, v2;
	v4 =	vadd.s32 v1, v4;
	_ =	sdelay $0x1  }
0x255: {  	v3 =	vadd.s32 v1, v3;
	_ =	sdelay $0x1  }
0x256: {  	s15 =	simm.s32 $0x4200  }
0x257: {  	[tilespmem:s15], [sflag:$0x5] =	stream.indirect_vreg.gather [hbm4b:s2+s3], $0x80, v4, vm0, $0xb8;
	[tilespmem:$0x14200] =	vst v63  }
0x258: {  	s7 =	simm.s32 $0x4A00  }
0x259: {  	[tilespmem:s7], [sflag:$0x5] =	stream.indirect_vreg.gather [hbm4b:s2+s3], $0x80, v3, vm0, $0xb8;
	[tilespmem:$0x14200] =	vst v63  }
0x25a: {  	s15 =	rddreg [dreg:$0x13];
	s7 =	simm.s32 $0x80  }
0x25b: {  	[tilespmem:s7], [sflag:$0x2] =	stream.linear.gather [hbm4b:s15+s3], $0x50, $0x38;
	[tilespmem:$0x14200] =	vst v63  }
0x25c: {  	_ =	swait.ge [sflag:s8], $0x5000  }
0x25d: {  	[sflag:s8] =	ssyncset.done $0x0  }
0x25e: {  	s7 =	rddreg [dreg:$0x14];
	[sflag:s8] =	ssyncadd.s32 $0xFFFFB000  }
0x25f: {  	[hbm4b:s7+s3] =	stream.linear.scatter [tilespmem:s6], [sflag:$0xB], $0x5000, $0x38;
	[tilespmem:$0x14200] =	vst v63  }
0x260: {  	_ =	swait.ge [sflag:s9], $0x5000  }
0x261: {  	[sflag:s9] =	ssyncset.done $0x0  }
0x262: {  	[sflag:s9] =	ssyncadd.s32 $0xFFFFB000  }
0x263: {  	_ =	swait.ge [sflag:s10], $0x50  }
0x264: {  	[sflag:s10] =	ssyncset.done $0x0  }
0x265: {  	[sflag:s10] =	ssyncadd.s32 $0xFFFFFFB0  }
0x266: {  	v3 =	vld [tilespmem:$0x80];
	_ =	sdelay $0x4  }
0x267: {  	v59 =	vshll.u32 v3, $0x1  }
0x268: {  	v3 =	vand.u32 $0x7, v3;
	v4 =	vand.u32 $0xFFFFFFF0, v59  }
0x269: {  	v3 =	vor.u32 v3, v4  }
0x26a: {  	v4 =	vperm.xlane v3, v0;
	_ =	sdelay $0x1  }
0x26b: {  	v3 =	vperm.xlane v3, v2;
	v4 =	vadd.s32 v1, v4;
	_ =	sdelay $0x1  }
0x26c: {  	v3 =	vadd.s32 v1, v3;
	_ =	sdelay $0x2  }
0x26d: {  	[tilespmem:s31], [sflag:$0x6] =	stream.indirect_vreg.gather [hbm4b:s2+s3], $0x80, v4, vm0, $0xb8;
	[tilespmem:$0x14200] =	vst v63  }
0x26e: {  	s15 =	simm.s32 $0x5A00  }
0x26f: {  	[tilespmem:s15], [sflag:$0x6] =	stream.indirect_vreg.gather [hbm4b:s2+s3], $0x80, v3, vm0, $0xb8;
	[tilespmem:$0x14200] =	vst v63  }
0x270: {  	v3 =	vld [tilespmem:$0x90];
	_ =	sdelay $0x4  }
0x271: {  	v60 =	vshll.u32 v3, $0x1  }
0x272: {  	v3 =	vand.u32 $0x7, v3;
	v4 =	vand.u32 $0xFFFFFFF0, v60  }
0x273: {  	v3 =	vor.u32 v3, v4  }
0x274: {  	v4 =	vperm.xlane v3, v0;
	_ =	sdelay $0x1  }
0x275: {  	v3 =	vperm.xlane v3, v2;
	v4 =	vadd.s32 v1, v4;
	_ =	sdelay $0x1  }
0x276: {  	v3 =	vadd.s32 v1, v3;
	_ =	sdelay $0x1  }
0x277: {  	s7 =	simm.s32 $0x6200  }
0x278: {  	[tilespmem:s7], [sflag:$0x6] =	stream.indirect_vreg.gather [hbm4b:s2+s3], $0x80, v4, vm0, $0xb8;
	[tilespmem:$0x14200] =	vst v63  }
0x279: {  	s8 =	simm.s32 $0x6A00  }
0x27a: {  	[tilespmem:s8], [sflag:$0x6] =	stream.indirect_vreg.gather [hbm4b:s2+s3], $0x80, v3, vm0, $0xb8;
	[tilespmem:$0x14200] =	vst v63  }
0x27b: {  	v3 =	vld [tilespmem:$0xA0];
	_ =	sdelay $0x4  }
0x27c: {  	v61 =	vshll.u32 v3, $0x1  }
0x27d: {  	v3 =	vand.u32 $0x7, v3;
	v4 =	vand.u32 $0xFFFFFFF0, v61  }
0x27e: {  	v3 =	vor.u32 v3, v4  }
0x27f: {  	v4 =	vperm.xlane v3, v0;
	_ =	sdelay $0x1  }
0x280: {  	v3 =	vperm.xlane v3, v2;
	v4 =	vadd.s32 v1, v4;
	_ =	sdelay $0x1  }
0x281: {  	v3 =	vadd.s32 v1, v3;
	_ =	sdelay $0x1  }
0x282: {  	s10 =	simm.s32 $0x7200  }
0x283: {  	[tilespmem:s10], [sflag:$0x6] =	stream.indirect_vreg.gather [hbm4b:s2+s3], $0x80, v4, vm0, $0xb8;
	[tilespmem:$0x14200] =	vst v63  }
0x284: {  	s15 =	simm.s32 $0x7A00  }
0x285: {  	[tilespmem:s15], [sflag:$0x6] =	stream.indirect_vreg.gather [hbm4b:s2+s3], $0x80, v3, vm0, $0xb8;
	[tilespmem:$0x14200] =	vst v63  }
0x286: {  	v3 =	vld [tilespmem:$0xB0];
	_ =	sdelay $0x4  }
0x287: {  	v62 =	vshll.u32 v3, $0x1  }
0x288: {  	v3 =	vand.u32 $0x7, v3;
	v4 =	vand.u32 $0xFFFFFFF0, v62  }
0x289: {  	v3 =	vor.u32 v3, v4  }
0x28a: {  	v4 =	vperm.xlane v3, v0;
	_ =	sdelay $0x1  }
0x28b: {  	v3 =	vperm.xlane v3, v2;
	v4 =	vadd.s32 v1, v4;
	_ =	sdelay $0x1  }
0x28c: {  	v3 =	vadd.s32 v1, v3;
	_ =	sdelay $0x1  }
0x28d: {  	s7 =	simm.s32 $0x8200  }
0x28e: {  	[tilespmem:s7], [sflag:$0x6] =	stream.indirect_vreg.gather [hbm4b:s2+s3], $0x80, v4, vm0, $0xb8;
	[tilespmem:$0x14200] =	vst v63  }
0x28f: {  	s8 =	simm.s32 $0x8A00  }
0x290: {  	[tilespmem:s8], [sflag:$0x6] =	stream.indirect_vreg.gather [hbm4b:s2+s3], $0x80, v3, vm0, $0xb8;
	[tilespmem:$0x14200] =	vst v63  }
0x291: {  	v3 =	vld [tilespmem:$0xC0];
	_ =	sdelay $0x4  }
0x292: {  	v63 =	vshll.u32 v3, $0x1  }
0x293: {  	v3 =	vand.u32 $0x7, v3;
	v4 =	vand.u32 $0xFFFFFFF0, v63  }
0x294: {  	v3 =	vor.u32 v3, v4  }
0x295: {  	v4 =	vperm.xlane v3, v0;
	_ =	sdelay $0x1  }
0x296: {  	v3 =	vperm.xlane v3, v2;
	v4 =	vadd.s32 v1, v4;
	_ =	sdelay $0x1  }
0x297: {  	v3 =	vadd.s32 v1, v3;
	_ =	sdelay $0x1  }
0x298: {  	s10 =	simm.s32 $0x9200  }
0x299: {  	[tilespmem:s10], [sflag:$0x6] =	stream.indirect_vreg.gather [hbm4b:s2+s3], $0x80, v4, vm0, $0xb8;
	[tilespmem:$0x14200] =	vst v63  }
0x29a: {  	s15 =	simm.s32 $0x9A00  }
0x29b: {  	[tilespmem:s15], [sflag:$0x6] =	stream.indirect_vreg.gather [hbm4b:s2+s3], $0x80, v3, vm0, $0xb8;
	[tilespmem:$0x14200] =	vst v63  }
0x29c: {  	_ =	swait.ge [sflag:s1], $0x5000  }
0x29d: {  	[sflag:s1] =	ssyncset.done $0x0  }
0x29e: {  	s7 =	rddreg [dreg:$0x15];
	[sflag:s1] =	ssyncadd.s32 $0xFFFFB000  }
0x29f: {  	[hbm4b:s7+s3] =	stream.linear.scatter [tilespmem:s25], [sflag:$0xC], $0x5000, $0x38;
	[tilespmem:$0x14200] =	vst v63  }
0x2a0: {  	_ =	swait.ge [sflag:s30], $0x5000  }
0x2a1: {  	[sflag:s30] =	ssyncset.done $0x0  }
0x2a2: {  	s8 =	rddreg [dreg:$0x16];
	[sflag:s30] =	ssyncadd.s32 $0xFFFFB000  }
0x2a3: {  	[hbm4b:s8+s3] =	stream.linear.scatter [tilespmem:s17], [sflag:$0x9], $0x5000, $0x38;
	[tilespmem:$0x14200] =	vst v63  }
0x2a4: {  	_ =	swait.ge [sflag:s28], $0x5000  }
0x2a5: {  	[sflag:s28] =	ssyncset.done $0x0  }
0x2a6: {  	s10 =	rddreg [dreg:$0x17];
	[sflag:s28] =	ssyncadd.s32 $0xFFFFB000  }
0x2a7: {  	[hbm4b:s10+s3] =	stream.linear.scatter [tilespmem:s31], [sflag:$0xA], $0x5000, $0x38;
	[tilespmem:$0x14200] =	vst v63  }
0x2a8: {  	_ =	swait.ge [sflag:s0], $0x5000  }
0x2a9: {  	[sflag:s0] =	ssyncset.done $0x0  }
0x2aa: {  	[sflag:s0] =	ssyncadd.s32 $0xFFFFB000  }
0x2ab: {  	_ =	swait.ge [sflag:s9], $0x5000  }
0x2ac: {  	[sflag:s9] =	ssyncset.done $0x0  }
0x2ad: {  	[sflag:s9] =	ssyncadd.s32 $0xFFFFB000  }
0x2ae: {  	p0 =	sne.s32 s4, $0x1;
	_ =	swait.ge [sflag:s11], $0x5000  }
.Ltmp0:
0x2af: {  	[sflag:s11] =	ssyncset.done $0x0;
	(pc) =	sbr.rel @p0 .LBB2_1-.Ltmp0, $4  }
0x2b0: {  	[sflag:s11] =	ssyncadd.s32 $0xFFFFB000  }
0x2b1: {  	_ =	swait.ge [sflag:s13], $0x5000  }
0x2b2: {  	[sflag:s13] =	ssyncset.done $0x0  }
0x2b3: {  	s4 =	sadd.s32 $0xFFFFFFFF, s4;
	[sflag:s13] =	ssyncadd.s32 $0xFFFFB000  }
0x2b4: {  	_ =	sfence.sel $0x180000  }
0x2b5: {  	[bflag:$0x0] =	sbarrier.arrive $0xFFFF  }
0x2b6: {  	_ =	strace $0x90000047  }
0x2b7: {  	s0 =	stileid.u32;
	[bflag:$0x2] =	sbarrier.arrive $0xFFFF  }
0x2b8: {  	p0 =	sne.s32 s0, $0x0;
	s0 =	rddreg [dreg:$0x3]  }
0x2b9: {  	s0 =	sadd.s32 @!p0 $0x100000, s0  }
0x2ba: {  	[sflag:s0] =	ssyncadd.tile.s32 @!p0 $0x1;
	_ =	shalt  }
.Lfunc_end2:
_tile_overlayer_lowered:
.L_overlay_start_2:
0x2bb: {  	(tag) =	ssettag $0x2  }
0x2bc: {  	s0 =	rddreg [dreg:$0x0];
	s2 =	stileid.u32  }
0x2bd: {  	s1 =	rddreg [dreg:$0x1];
	p0 =	sne.s32 s2, $0x0  }
0x2be: {  	s3 =	rddreg [dreg:$0x2];
	[bflag:$0x3] =	sbarrier.arrive $0xFFFF;
	s2 =	simm.s32 @!p0 $0x1C0D  }
0x2bf: {  	[timem:s3], [sflag:s2] =	dma.local @!p0 [hbm:s0], s1  }
0x2c0: {  	s0 =	simm.s32 @!p0 $0xD  }
0x2c1: {  	_ =	swait.ge @!p0 [sflag:s0], s1  }
0x2c2: {  	s1 =	ssub.s32 @!p0 $0x0, s1;
	[sflag:s0] =	ssyncset.done @!p0 $0x0  }
0x2c3: {  	[sflag:s0] =	ssyncadd.s32 @!p0 s1  }
0x2c4: {  	[bflag:$0x3] =	sbarrier.arrive $0xFFFF  }
0x2c5: {  	_ =	shalt  }

// kernel: kernel.9.cloned.1.call-start
scs
__scs_entry_jumppad:
0x0: {  	(pc) =	sbr.rel $0x88, $3  }
0x1: {  	(tag) =	ssettag $0x0;
	lr =	simm.s32 $0x1  }
0x2: {  	[smem:$0x3F99] =	sst lr;
	_ =	strace $0xD0000000  }
0x3: {  	_ = 	snop  }
0x4: {  	_ = 	snop  }
0x5: {  	_ = 	snop  }
0x6: {  	_ = 	snop  }
0x7: {  	_ = 	snop  }
__scs_overlays_trampoline_lowered:
0x8: {  	[smem:$0x3FA8] =	sst s0  }
0x9: {  	[smem:$0x3FA9] =	sst s1  }
0xa: {  	[smem:$0x3FAA] =	sst s2  }
0xb: {  	[smem:$0x3FAB] =	sst s3  }
0xc: {  	[smem:$0x3FAC] =	sst s4  }
0xd: {  	[smem:$0x3FAD] =	sst s5  }
0xe: {  	[smem:$0x3FAE] =	sst s6  }
0xf: {  	[smem:$0x3FAF] =	sst s7  }
0x10: {  	[smem:$0x3FB0] =	sst s8  }
0x11: {  	[smem:$0x3FB1] =	sst s9;
	s0 =	simm.s32 @!p0 $0x0  }
0x12: {  	s1 =	sld [smem:$0x3F97];
	s0 =	simm.s32 @p0 $0x1  }
0x13: {  	[smem:$0x3FB2] =	sst s0;
	s0 =	simm.s32 @!p1 $0x0  }
0x14: {  	s2 =	sld [smem:$0x3F96];
	s0 =	simm.s32 @p1 $0x1  }
0x15: {  	[smem:$0x3FB3] =	sst s0;
	s0 =	simm.s32 @!p2 $0x0  }
0x16: {  	s3 =	sld [smem:$0x3FDB];
	s0 =	simm.s32 @p2 $0x1  }
0x17: {  	s4 =	simm.s32 $0x1BF5;
	[smem:$0x3FB5] =	sst s0  }
0x18: {  	s0 =	sld [smem:$0x3F98];
	_ =	swait.ge [sflag:s4], $0x0  }
0x19: {  	s7 =	sld [smem:$0x3F99]  }
0x1a: {  	s8 =	sadd.s32 $0xFFFFE003, lr  }
0x1b: {  	s9 =	sadd.s32 $0xFFFFFEF7, lr;
	s5 =	simm.s32 $0xFFFFFFFF;
	p2 =	slt.u32 s8, $0xFFFFF086  }
0x1c: {  	p1 =	slt.u32 s9, $0xF7A;
	s5 =	simm.s32 @!p2 $0x0  }
0x1d: {  	s5 =	simm.s32 @p1 $0x1;
	p0 =	seq.s32 s7, s2  }
0x1e: {  	s7 =	smul.u32 @!p0 $0xF7A, s2;
	p2 =	seq.s32 @!p0 s5, $0x0  }
0x1f: {  	s9 =	smul.u32 $0xF7A, s1;
	s8 =	simm.s32 @!p0 $0x1BF5;
	p2 =	por !p2, p0  }
0x20: {  	[sflag:s8] =	ssyncset.s32 @!p0 $0xFFFFF086;
	s6 =	sadd.s32 @!p0 s3, s7;
	s7 =	simm.s32 @!p0 $0x108  }
0x21: {  	s3 =	sadd.s32 s3, s9;
	s6 =	sadd.s32 @!p0 $0x88, s6;
	s7 =	simm.s32 @p2 $0x1082  }
0x22: {  	[simem:s7], [sflag:s8] =	dma.local @!p0 [hbm:s6], $0xF7A  }
0x23: {  	s9 =	sor.u32 $0xD0000000, s2;
	s6 =	simm.s32 $0x108;
	_ =	swait.ge @!p0 [sflag:s8], $0x0  }
0x24: {  	s3 =	sadd.s32 $0x88, s3;
	s6 =	simm.s32 @!p1 $0x1082;
	[sflag:s4] =	ssyncset.s32 $0xFFFFF086  }
0x25: {  	[simem:s6], [sflag:s4] =	dma.local [hbm:s3], $0xF7A  }
0x26: {  	[smem:$0x3F99] =	sst s1;
	(tag) =	ssettag s2;
	_ =	strace s9  }
0x27: {  	s1 =	sld [smem:$0x3FA9]  }
0x28: {  	s2 =	sld [smem:$0x3FAA]  }
0x29: {  	s4 =	sld [smem:$0x3FAC]  }
0x2a: {  	p0 =	seq.s32 s5, $0x0;
	s5 =	sld [smem:$0x3FAD]  }
0x2b: {  	s6 =	sld [smem:$0x3FAE]  }
0x2c: {  	s7 =	sld [smem:$0x3FAF]  }
0x2d: {  	s3 =	simm.s32 $0x108;
	s8 =	sld [smem:$0x3FB0]  }
0x2e: {  	s3 =	simm.s32 @!p0 $0x1082;
	s9 =	sld [smem:$0x3FB1]  }
0x2f: {  	lr =	sadd.s32 s0, s3;
	s0 =	sld [smem:$0x3FA8]  }
0x30: {  	s3 =	sld [smem:$0x3FAB]  }
0x31: {  	[smem:$0x3FB4] =	sst s10  }
0x32: {  	s10 =	sld [smem:$0x3FB2];
	_ =	sdelay $0x3  }
0x33: {  	p0 =	seq.s32 s10, $0x1;
	s10 =	sld [smem:$0x3FB4];
	_ =	sdelay $0x3  }
0x34: {  	[smem:$0x3FB4] =	sst s10  }
0x35: {  	s10 =	sld [smem:$0x3FB3];
	_ =	sdelay $0x3  }
0x36: {  	p1 =	seq.s32 s10, $0x1;
	s10 =	sld [smem:$0x3FB4];
	_ =	sdelay $0x3  }
0x37: {  	[smem:$0x3FB4] =	sst s10  }
0x38: {  	s10 =	sld [smem:$0x3FB5]  }
0x39: {  	_ = 	snop;
	(pc) =	sbr.ind lr, $3  }
0x3a: {  	_ = 	snop  }
0x3b: {  	_ = 	snop  }
0x3c: {  	p2 =	seq.s32 s10, $0x1;
	s10 =	sld [smem:$0x3FB4]  }
0x3d: {  	_ =	shalt  }
0x3e: {  	_ =	shalt  }
0x3f: {  	_ =	shalt  }
0x40: {  	_ =	shalt  }
0x41: {  	_ =	shalt  }
0x42: {  	_ =	shalt  }
0x43: {  	_ =	shalt  }
0x44: {  	_ =	shalt  }
0x45: {  	_ =	shalt  }
0x46: {  	_ =	shalt  }
0x47: {  	_ =	shalt  }
0x48: {  	_ =	shalt  }
0x49: {  	_ =	shalt  }
0x4a: {  	_ =	shalt  }
0x4b: {  	_ =	shalt  }
0x4c: {  	_ =	shalt  }
0x4d: {  	_ =	shalt  }
0x4e: {  	_ =	shalt  }
0x4f: {  	_ =	shalt  }
0x50: {  	_ =	shalt  }
0x51: {  	_ =	shalt  }
0x52: {  	_ =	shalt  }
0x53: {  	_ =	shalt  }
0x54: {  	_ =	shalt  }
0x55: {  	_ =	shalt  }
0x56: {  	_ =	shalt  }
0x57: {  	_ =	shalt  }
0x58: {  	_ =	shalt  }
0x59: {  	_ =	shalt  }
0x5a: {  	_ =	shalt  }
0x5b: {  	_ =	shalt  }
0x5c: {  	_ =	shalt  }
0x5d: {  	_ =	shalt  }
0x5e: {  	_ =	shalt  }
0x5f: {  	_ =	shalt  }
0x60: {  	_ =	shalt  }
0x61: {  	_ =	shalt  }
0x62: {  	_ =	shalt  }
0x63: {  	_ =	shalt  }
0x64: {  	_ =	shalt  }
0x65: {  	_ =	shalt  }
0x66: {  	_ =	shalt  }
0x67: {  	_ =	shalt  }
0x68: {  	_ =	shalt  }
0x69: {  	_ =	shalt  }
0x6a: {  	_ =	shalt  }
0x6b: {  	_ =	shalt  }
0x6c: {  	_ =	shalt  }
0x6d: {  	_ =	shalt  }
0x6e: {  	_ =	shalt  }
0x6f: {  	_ =	shalt  }
0x70: {  	_ =	shalt  }
0x71: {  	_ =	shalt  }
0x72: {  	_ =	shalt  }
0x73: {  	_ =	shalt  }
0x74: {  	_ =	shalt  }
0x75: {  	_ =	shalt  }
0x76: {  	_ =	shalt  }
0x77: {  	_ =	shalt  }
0x78: {  	_ =	shalt  }
0x79: {  	_ =	shalt  }
0x7a: {  	_ =	shalt  }
0x7b: {  	_ =	shalt  }
0x7c: {  	_ =	shalt  }
0x7d: {  	_ =	shalt  }
0x7e: {  	_ =	shalt  }
0x7f: {  	_ =	shalt  }
0x80: {  	_ =	shalt  }
0x81: {  	_ =	shalt  }
0x82: {  	_ =	shalt  }
0x83: {  	_ =	shalt  }
0x84: {  	_ =	shalt  }
0x85: {  	_ =	shalt  }
0x86: {  	_ =	shalt  }
0x87: {  	_ =	shalt  }
.Lfunc_end0:
.L_simem_size_0:
called_computation.1_lowered:
.L_overlay_start_0:
0x88: {  	s2 =	sld [smem:$0x3FD9]  }
0x89: {  	s3 =	sld [smem:$0x3FFE];
	_ =	sdelay $0x1  }
0x8a: {  	s1 =	srdreg.scid  }
0x8b: {  	s0 =	sand.u32 $0x1, s1  }
0x8c: {  	s17 =	sshll.u32 s0, $0xA;
	s2 =	sadd.s32 s3, s2  }
0x8d: {  	s2 =	sadd.s32 s2, s17  }
0x8e: {  	[smem:$0x3FC0] =	sst s2  }
0x8f: {  	_ = 	snop  }
0x90: {  	s18 =	sld [smem:$0x3FC8];
	(tm) =	ssettm $0x1  }
0x91: {  	s19 =	sld [smem:$0x3FFB];
	_ =	sdelay $0x3  }
0x92: {  	_ =	strace s19  }
0x93: {  	s2 =	sld [smem:$0x3FFC];
	_ =	sdelay $0x3  }
0x94: {  	_ =	strace s2  }
0x95: {  	s2 =	sld [smem:$0x3FFD];
	_ =	sdelay $0x3  }
0x96: {  	_ =	strace s2  }
0x97: {  	_ =	strace $0x8FFFFFFF  }
0x98: {  	s20 =	sld [smem:$0x3FDB];
	_ =	sdelay $0x1  }
0x99: {  	s4 =	simm.s32 $_scs_section_size  }
0x9a: {  	s5 =	simm.s32 $_size__tile_overlayer_lowered;
	s6 =	simm.s32 $_tile_overlayer_lowered  }
0x9b: {  	s7 =	simm.s32 $0x1BFF;
	s21 =	sshll.u32 s6, $0x1;
	s4 =	sadd.s32 s4, s20  }
0x9c: {  	s22 =	simm.s32 $0x0;
	s5 =	sshll.u32 s5, $0x1;
	s6 =	sadd.s32 s21, s4  }
0x9d: {  	[timem:s22], [sflag:s7] =	dma.local [hbm:s6], s5  }
0x9e: {  	_ =	swait.ge [sflag:s7], s5  }
0x9f: {  	s5 =	ssub.s32 $0x0, s5;
	[sflag:s7] =	ssyncset.done $0x0  }
0xa0: {  	[sflag:s7] =	ssyncadd.s32 s5;
	_ =	sdelay $0x1  }
0xa1: {  	s23 =	simm.s32 $0x1B8B  }
0xa2: {  	_ =	swait.ge [sflag:s23], $0x1  }
0xa3: {  	[sflag:s23] =	ssyncset.done $0x0  }
0xa4: {  	[sflag:s23] =	ssyncadd.s32 $0xFFFFFFFF  }
0xa5: {  	s5 =	sld [smem:$0x0]  }
0xa6: {  	s6 =	sand.u32 $0xFFFFFFFE, s1  }
0xa7: {  	p0 =	sne.s32 s1, s6  }
0xa8: {  	s6 =	sshll.u32 @p0 s6, $0xE  }
0xa9: {  	s6 =	sadd.s32 @p0 $0x11B8D, s6;
	s7 =	sshll.u32 @p0 s5, $0x11  }
0xaa: {  	s6 =	sor.u32 @p0 s7, s6  }
0xab: {  	[sflag:s6] =	ssyncadd.remote.s32 @p0 $0x1;
	_ =	sdelay $0x1  }
0xac: {  	s6 =	simm.s32 @p0 $0x1B8D  }
0xad: {  	_ =	swait.eq @p0 [sflag:s6], $0x1  }
0xae: {  	[sflag:s6] =	ssyncadd.s32 @p0 $0xFFFFFFFF  }
0xaf: {  	s7 =	sshll.u32 @!p0 s1, $0xE  }
0xb0: {  	s7 =	sor.u32 @!p0 $0x4000, s7;
	s6 =	simm.s32 @!p0 $0x1B8D  }
0xb1: {  	s5 =	sshll.u32 @!p0 s5, $0x11;
	s7 =	sadd.s32 @!p0 $0x11B8D, s7;
	_ =	swait.eq @!p0 [sflag:s6], $0x1  }
0xb2: {  	s5 =	sor.u32 @!p0 s5, s7;
	[sflag:s6] =	ssyncadd.s32 @!p0 $0xFFFFFFFF  }
0xb3: {  	s25 =	simm.s32 $0x1B8E;
	s24 =	sld [smem:$0x3FFE];
	[sflag:s5] =	ssyncadd.remote.s32 @!p0 $0x1  }
0xb4: {  	s26 =	simm.s32 $execute0_lowered;
	[smem:$0x3FD2] =	sst s25  }
0xb5: {  	s6 =	sshll.u32 s26, $0x1;
	_ =	strace $0x80000049;
	[dreg:$0x1] =	wrdreg $0xFFFFFFFF  }
0xb6: {  	s28 =	simm.s32 $_size_execute0_lowered;
	s4 =	sadd.s32 s4, s6;
	[dreg:$0x0] =	wrdreg $0x0  }
0xb7: {  	s6 =	sshll.u32 s28, $0x1;
	[dreg:$0x2] =	wrdreg s4  }
0xb8: {  	[dreg:$0x3] =	wrdreg s6  }
0xb9: {  	[dreg:$0x4] =	wrdreg $0xC0  }
0xba: {  	_ =	task [dreg:s22], $0x5FFFF  }
0xbb: {  	[dreg:$0x1] =	wrdreg $0xFFFFFFFF  }
0xbc: {  	[dreg:$0x0] =	wrdreg $0x60  }
0xbd: {  	[dreg:$0x2] =	wrdreg s24  }
0xbe: {  	[dreg:$0x3] =	wrdreg s18  }
0xbf: {  	[dreg:$0x4] =	wrdreg $0xA  }
0xc0: {  	_ =	task.clear_ibuf [dreg:s22], $0x5FFFF;
	_ =	strace $0x90000049  }
0xc1: {  	s29 =	simm.s32 $0xA;
	_ =	strace $0x8000004B  }
0xc2: {  	_ =	swait.ge [sflag:s29], $0x1  }
0xc3: {  	[sflag:s29] =	ssyncadd.s32 $0xFFFFFFFF  }
0xc4: {  	_ =	strace $0x9000004B  }
0xc5: {  	_ =	sfence  }
0xc6: {  	s30 =	sld [smem:$0x0];
	_ =	sdelay $0x2  }
0xc7: {  	s31 =	sshll.u32 s1, $0xD;
	s1 =	sshrl.u32 s1, $0x2  }
0xc8: {  	s4 =	sand.u32 $0x4000, s31;
	s1 =	sadd.s32 s1, s30  }
0xc9: {  	s0 =	sor.u32 s4, s0;
	s1 =	sshll.u32 s1, $0x11  }
0xca: {  	s0 =	sor.u32 s1, s0  }
0xcb: {  	s0 =	sadd.s32 $0x8F2B, s0  }
0xcc: {  	[sflag:s0] =	ssyncadd.remote.s32 $0x1  }
0xcd: {  	_ =	sfence.sel $0xFFFF  }
0xce: {  	[dreg:$0x0] =	wrdreg $0xFFFFFFFF;
	(pc) =	sbr.abs _section_cstart, $3  }
0xcf: {  	[dreg:$0x1] =	wrdreg $0xFFFFFFFF  }
0xd0: {  	_ =	task.clear_ibuf [dreg:s22], $0x2FFFF;
	_ =	strace $0x9FFFFFFF  }
0xd1: {  	(tm) =	ssettm $0x7FFFFFFF  }
tec
execute0_lowered:
.L_overlay_start_1:
0x0: {  	(tag) =	ssettag $0x1  }
0x1: {  	s0 =	srdreg.scid  }
0x2: {  	s2 =	stileid.u32;
	s1 =	rddreg [dreg:$0x0];
	s30 =	simm.s32 $0x5  }
0x3: {  	s28 =	simm.s32 $0x6;
	s31 =	simm.s32 $0x5200;
	s29 =	simm.s32 $0xAA00  }
0x4: {  	s0 =	sand.u32 $0x1, s0;
	s3 =	sshll.u32 s2, $0x1;
	s2 =	rddreg [dreg:$0x1]  }
0x5: {  	s6 =	sadd.s32 $0xC9A00, s1;
	s4 =	sor.u32 s0, s3;
	s3 =	simm.s32 $0x0  }
0x6: {  	s1 =	sadd.s32 $0xCA800, s1;
	s5 =	smul.u32 $0x320, s4;
	[smem:$0x7FF] =	sst s3  }
0x7: {  	s0 =	ssub.s32 $0x2, s0;
	s4 =	smul.u32 $0x6400, s4;
	_ =	strace $0x8000004A  }
0x8: {  	s7 =	sshrl.u32 s5, $0x3;
	s8 =	sadd.s32 $0x50, s5;
	s26 =	sadd.s32 $0xA0, s5  }
0x9: {  	s10 =	sadd.s32 $0xF0, s5;
	s4 =	sadd.s32 s1, s4;
	s14 =	sadd.s32 $0x140, s5  }
0xa: {  	s21 =	sadd.s32 $0x1E0, s5;
	s24 =	sadd.s32 $0x230, s5;
	s7 =	sadd.s32 s6, s7  }
0xb: {  	s9 =	sshrl.u32 s8, $0x3;
	s12 =	sshrl.u32 s26, $0x3;
	s11 =	sshrl.u32 s10, $0x3  }
0xc: {  	[dreg:$0x7] =	wrdreg s4;
	s15 =	sshrl.u32 s14, $0x3;
	s8 =	sshll.u32 s8, $0x5  }
0xd: {  	s19 =	sshll.u32 s26, $0x5;
	s22 =	sshrl.u32 s21, $0x3;
	s23 =	sshll.u32 s10, $0x5  }
0xe: {  	s26 =	sshrl.u32 s24, $0x3;
	[dreg:$0x3] =	wrdreg s7;
	s25 =	sadd.s32 s6, s9  }
0xf: {  	s7 =	sadd.s32 s6, s12;
	s13 =	sadd.s32 s6, s11;
	[dreg:$0x4] =	wrdreg s25  }
0x10: {  	s4 =	sadd.s32 s6, s15;
	s11 =	sadd.s32 $0x190, s5;
	[dreg:$0x5] =	wrdreg s7  }
0x11: {  	s16 =	sadd.s32 s1, s8;
	s20 =	sadd.s32 s1, s19;
	[dreg:$0x6] =	wrdreg s13  }
0x12: {  	s12 =	sadd.s32 s6, s26;
	s26 =	sshrl.u32 s0, $0x1;
	[dreg:$0x8] =	wrdreg s4  }
0x13: {  	s9 =	simm.s32 $0xA;
	s17 =	sshrl.u32 s11, $0x3;
	[dreg:$0x9] =	wrdreg s16  }
0x14: {  	[dreg:$0xb] =	wrdreg s20;
	s4 =	sadd.s32 s6, s22;
	s25 =	sadd.s32 s1, s23  }
0x15: {  	s7 =	sshll.u32 s14, $0x5;
	[dreg:$0xe] =	wrdreg s12;
	s14 =	sadd.s32 $0x280, s5  }
0x16: {  	s16 =	sshll.u32 s11, $0x5;
	s5 =	sadd.s32 $0x2D0, s5;
	s20 =	sshll.u32 s21, $0x5  }
0x17: {  	s22 =	sshll.u32 s24, $0x5;
	s0 =	ssub.s32 s0, s26;
	s12 =	simm.s32 $0xD  }
0x18: {  	s26 =	simm.s32 $0xFA00;
	s18 =	sadd.s32 s6, s17;
	[dreg:$0xc] =	wrdreg s4  }
0x19: {  	[dreg:$0xd] =	wrdreg s25;
	s13 =	sadd.s32 s1, s7;
	s15 =	sshrl.u32 s14, $0x3  }
0x1a: {  	s17 =	sadd.s32 s1, s16;
	s21 =	sadd.s32 s1, s20;
	[dreg:$0xa] =	wrdreg s18  }
0x1b: {  	s23 =	sadd.s32 s1, s22;
	s24 =	sshll.u32 s14, $0x5;
	[dreg:$0xf] =	wrdreg s13  }
0x1c: {  	s16 =	simm.s32 $0xBA00;
	s20 =	simm.s32 $0xD200;
	[dreg:$0x11] =	wrdreg s17  }
0x1d: {  	s22 =	simm.s32 $0xE200;
	s14 =	simm.s32 $0x12200;
	[dreg:$0x13] =	wrdreg s21  }
0x1e: {  	s4 =	sadd.s32 s6, s15;
	s18 =	sshrl.u32 s5, $0x3;
	[dreg:$0x14] =	wrdreg s23  }
0x1f: {  	s25 =	sadd.s32 s1, s24;
	s5 =	sshll.u32 s5, $0x5;
	s17 =	simm.s32 $0x200  }
0x20: {  	s21 =	simm.s32 $0xDA00;
	s23 =	simm.s32 $0xEA00;
	[dreg:$0x10] =	wrdreg s4  }
0x21: {  	s24 =	simm.s32 $0x180;
	s19 =	sadd.s32 s6, s18;
	[dreg:$0x15] =	wrdreg s25  }
0x22: {  	v2 =	vlaneseq.u32;
	s1 =	sadd.s32 s1, s5;
	s4 =	smax.u32 s0, $0x1;
	s0 =	simm.s32 $0x9  }
0x23: {  	vm0 =	vmmov $0xffff;
	v1 =	vshrl.u32 v2, $0x3;
	s6 =	simm.s32 $0xA200;
	s18 =	simm.s32 $0xC200;
	[dreg:$0x12] =	wrdreg s19  }
0x24: {  	v0 =	vand.u32 $0x7, v2;
	v2 =	vor.u32 $0x8, v2;
	v1 =	vmul.u32 $0x8, v1;
	s25 =	simm.s32 $0xF200;
	[dreg:$0x16] =	wrdreg s1;
	s19 =	simm.s32 $0xCA00  }
.LBB2_1:
0x25: {  	s15 =	rddreg [dreg:$0x3]  }
0x26: {  	[tilespmem:s3], [sflag:$0xD] =	stream.linear.gather [hbm4b:s15+s3], $0x50, $0x38;
	[tilespmem:$0x14200] =	vst v63  }
0x27: {  	_ =	swait.ge [sflag:s12], $0x50  }
0x28: {  	[sflag:s12] =	ssyncset.done $0x0  }
0x29: {  	[sflag:s12] =	ssyncadd.s32 $0xFFFFFFB0  }
0x2a: {  	v3 =	vld [tilespmem:$0x0];
	_ =	sdelay $0x4  }
0x2b: {  	v4 =	vshll.u32 v3, $0x1  }
0x2c: {  	v3 =	vand.u32 $0x7, v3;
	v4 =	vand.u32 $0xFFFFFFF0, v4  }
0x2d: {  	v3 =	vor.u32 v3, v4  }
0x2e: {  	v4 =	vperm.xlane v3, v0;
	_ =	sdelay $0x1  }
0x2f: {  	v3 =	vperm.xlane v3, v2;
	v4 =	vadd.s32 v1, v4;
	_ =	sdelay $0x1  }
0x30: {  	v3 =	vadd.s32 v1, v3;
	_ =	sdelay $0x2  }
0x31: {  	[tilespmem:s17], [sflag:$0x5] =	stream.indirect_vreg.gather [hbm4b:s2+s3], $0x80, v4, vm0, $0xb8;
	[tilespmem:$0x14200] =	vst v63  }
0x32: {  	s1 =	simm.s32 $0xA00  }
0x33: {  	[tilespmem:s1], [sflag:$0x5] =	stream.indirect_vreg.gather [hbm4b:s2+s3], $0x80, v3, vm0, $0xb8;
	[tilespmem:$0x14200] =	vst v63  }
0x34: {  	v3 =	vld [tilespmem:$0x10];
	_ =	sdelay $0x4  }
0x35: {  	v15 =	vshll.u32 v3, $0x1  }
0x36: {  	v3 =	vand.u32 $0x7, v3;
	v4 =	vand.u32 $0xFFFFFFF0, v15  }
0x37: {  	v3 =	vor.u32 v3, v4  }
0x38: {  	v4 =	vperm.xlane v3, v0;
	_ =	sdelay $0x1  }
0x39: {  	v3 =	vperm.xlane v3, v2;
	v4 =	vadd.s32 v1, v4;
	_ =	sdelay $0x1  }
0x3a: {  	v3 =	vadd.s32 v1, v3;
	_ =	sdelay $0x1  }
0x3b: {  	s15 =	simm.s32 $0x1200  }
0x3c: {  	[tilespmem:s15], [sflag:$0x5] =	stream.indirect_vreg.gather [hbm4b:s2+s3], $0x80, v4, vm0, $0xb8;
	[tilespmem:$0x14200] =	vst v63  }
0x3d: {  	s5 =	simm.s32 $0x1A00  }
0x3e: {  	[tilespmem:s5], [sflag:$0x5] =	stream.indirect_vreg.gather [hbm4b:s2+s3], $0x80, v3, vm0, $0xb8;
	[tilespmem:$0x14200] =	vst v63  }
0x3f: {  	v3 =	vld [tilespmem:$0x20];
	_ =	sdelay $0x4  }
0x40: {  	v16 =	vshll.u32 v3, $0x1  }
0x41: {  	v3 =	vand.u32 $0x7, v3;
	v4 =	vand.u32 $0xFFFFFFF0, v16  }
0x42: {  	v3 =	vor.u32 v3, v4  }
0x43: {  	v4 =	vperm.xlane v3, v0;
	_ =	sdelay $0x1  }
0x44: {  	v3 =	vperm.xlane v3, v2;
	v4 =	vadd.s32 v1, v4;
	_ =	sdelay $0x1  }
0x45: {  	v3 =	vadd.s32 v1, v3;
	_ =	sdelay $0x1  }
0x46: {  	s7 =	simm.s32 $0x2200  }
0x47: {  	[tilespmem:s7], [sflag:$0x5] =	stream.indirect_vreg.gather [hbm4b:s2+s3], $0x80, v4, vm0, $0xb8;
	[tilespmem:$0x14200] =	vst v63  }
0x48: {  	s11 =	simm.s32 $0x2A00  }
0x49: {  	[tilespmem:s11], [sflag:$0x5] =	stream.indirect_vreg.gather [hbm4b:s2+s3], $0x80, v3, vm0, $0xb8;
	[tilespmem:$0x14200] =	vst v63  }
0x4a: {  	v3 =	vld [tilespmem:$0x30];
	_ =	sdelay $0x4  }
0x4b: {  	v17 =	vshll.u32 v3, $0x1  }
0x4c: {  	v3 =	vand.u32 $0x7, v3;
	v4 =	vand.u32 $0xFFFFFFF0, v17  }
0x4d: {  	v3 =	vor.u32 v3, v4  }
0x4e: {  	v4 =	vperm.xlane v3, v0;
	_ =	sdelay $0x1  }
0x4f: {  	v3 =	vperm.xlane v3, v2;
	v4 =	vadd.s32 v1, v4;
	_ =	sdelay $0x1  }
0x50: {  	v3 =	vadd.s32 v1, v3;
	_ =	sdelay $0x1  }
0x51: {  	s13 =	simm.s32 $0x3200  }
0x52: {  	[tilespmem:s13], [sflag:$0x5] =	stream.indirect_vreg.gather [hbm4b:s2+s3], $0x80, v4, vm0, $0xb8;
	[tilespmem:$0x14200] =	vst v63  }
0x53: {  	s15 =	simm.s32 $0x3A00  }
0x54: {  	[tilespmem:s15], [sflag:$0x5] =	stream.indirect_vreg.gather [hbm4b:s2+s3], $0x80, v3, vm0, $0xb8;
	[tilespmem:$0x14200] =	vst v63  }
0x55: {  	v3 =	vld [tilespmem:$0x40];
	_ =	sdelay $0x4  }
0x56: {  	v18 =	vshll.u32 v3, $0x1  }
0x57: {  	v3 =	vand.u32 $0x7, v3;
	v4 =	vand.u32 $0xFFFFFFF0, v18  }
0x58: {  	v3 =	vor.u32 v3, v4  }
0x59: {  	v4 =	vperm.xlane v3, v0;
	_ =	sdelay $0x1  }
0x5a: {  	v3 =	vperm.xlane v3, v2;
	v4 =	vadd.s32 v1, v4;
	_ =	sdelay $0x1  }
0x5b: {  	v3 =	vadd.s32 v1, v3;
	_ =	sdelay $0x1  }
0x5c: {  	s5 =	simm.s32 $0x4200  }
0x5d: {  	[tilespmem:s5], [sflag:$0x5] =	stream.indirect_vreg.gather [hbm4b:s2+s3], $0x80, v4, vm0, $0xb8;
	[tilespmem:$0x14200] =	vst v63  }
0x5e: {  	s13 =	simm.s32 $0x4A00  }
0x5f: {  	[tilespmem:s13], [sflag:$0x5] =	stream.indirect_vreg.gather [hbm4b:s2+s3], $0x80, v3, vm0, $0xb8;
	[tilespmem:$0x14200] =	vst v63  }
0x60: {  	s7 =	rddreg [dreg:$0x4];
	s5 =	simm.s32 $0x80  }
0x61: {  	[tilespmem:s5], [sflag:$0xD] =	stream.linear.gather [hbm4b:s7+s3], $0x50, $0x38;
	[tilespmem:$0x14200] =	vst v63  }
0x62: {  	_ =	swait.ge [sflag:s12], $0x50  }
0x63: {  	[sflag:s12] =	ssyncset.done $0x0  }
0x64: {  	[sflag:s12] =	ssyncadd.s32 $0xFFFFFFB0  }
0x65: {  	v3 =	vld [tilespmem:$0x80];
	_ =	sdelay $0x4  }
0x66: {  	v19 =	vshll.u32 v3, $0x1  }
0x67: {  	v3 =	vand.u32 $0x7, v3;
	v4 =	vand.u32 $0xFFFFFFF0, v19  }
0x68: {  	v3 =	vor.u32 v3, v4  }
0x69: {  	v4 =	vperm.xlane v3, v0;
	_ =	sdelay $0x1  }
0x6a: {  	v3 =	vperm.xlane v3, v2;
	v4 =	vadd.s32 v1, v4;
	_ =	sdelay $0x1  }
0x6b: {  	v3 =	vadd.s32 v1, v3;
	_ =	sdelay $0x2  }
0x6c: {  	[tilespmem:s31], [sflag:$0x6] =	stream.indirect_vreg.gather [hbm4b:s2+s3], $0x80, v4, vm0, $0xb8;
	[tilespmem:$0x14200] =	vst v63  }
0x6d: {  	s7 =	simm.s32 $0x5A00  }
0x6e: {  	[tilespmem:s7], [sflag:$0x6] =	stream.indirect_vreg.gather [hbm4b:s2+s3], $0x80, v3, vm0, $0xb8;
	[tilespmem:$0x14200] =	vst v63  }
0x6f: {  	v3 =	vld [tilespmem:$0x90];
	_ =	sdelay $0x4  }
0x70: {  	v20 =	vshll.u32 v3, $0x1  }
0x71: {  	v3 =	vand.u32 $0x7, v3;
	v4 =	vand.u32 $0xFFFFFFF0, v20  }
0x72: {  	v3 =	vor.u32 v3, v4  }
0x73: {  	v4 =	vperm.xlane v3, v0;
	_ =	sdelay $0x1  }
0x74: {  	v3 =	vperm.xlane v3, v2;
	v4 =	vadd.s32 v1, v4;
	_ =	sdelay $0x1  }
0x75: {  	v3 =	vadd.s32 v1, v3;
	_ =	sdelay $0x1  }
0x76: {  	s13 =	simm.s32 $0x6200  }
0x77: {  	[tilespmem:s13], [sflag:$0x6] =	stream.indirect_vreg.gather [hbm4b:s2+s3], $0x80, v4, vm0, $0xb8;
	[tilespmem:$0x14200] =	vst v63  }
0x78: {  	s15 =	simm.s32 $0x6A00  }
0x79: {  	[tilespmem:s15], [sflag:$0x6] =	stream.indirect_vreg.gather [hbm4b:s2+s3], $0x80, v3, vm0, $0xb8;
	[tilespmem:$0x14200] =	vst v63  }
0x7a: {  	v3 =	vld [tilespmem:$0xA0];
	_ =	sdelay $0x4  }
0x7b: {  	v21 =	vshll.u32 v3, $0x1  }
0x7c: {  	v3 =	vand.u32 $0x7, v3;
	v4 =	vand.u32 $0xFFFFFFF0, v21  }
0x7d: {  	v3 =	vor.u32 v3, v4  }
0x7e: {  	v4 =	vperm.xlane v3, v0;
	_ =	sdelay $0x1  }
0x7f: {  	v3 =	vperm.xlane v3, v2;
	v4 =	vadd.s32 v1, v4;
	_ =	sdelay $0x1  }
0x80: {  	v3 =	vadd.s32 v1, v3;
	_ =	sdelay $0x1  }
0x81: {  	s5 =	simm.s32 $0x7200  }
0x82: {  	[tilespmem:s5], [sflag:$0x6] =	stream.indirect_vreg.gather [hbm4b:s2+s3], $0x80, v4, vm0, $0xb8;
	[tilespmem:$0x14200] =	vst v63  }
0x83: {  	s7 =	simm.s32 $0x7A00  }
0x84: {  	[tilespmem:s7], [sflag:$0x6] =	stream.indirect_vreg.gather [hbm4b:s2+s3], $0x80, v3, vm0, $0xb8;
	[tilespmem:$0x14200] =	vst v63  }
0x85: {  	v3 =	vld [tilespmem:$0xB0];
	_ =	sdelay $0x4  }
0x86: {  	v22 =	vshll.u32 v3, $0x1  }
0x87: {  	v3 =	vand.u32 $0x7, v3;
	v4 =	vand.u32 $0xFFFFFFF0, v22  }
0x88: {  	v3 =	vor.u32 v3, v4  }
0x89: {  	v4 =	vperm.xlane v3, v0;
	_ =	sdelay $0x1  }
0x8a: {  	v3 =	vperm.xlane v3, v2;
	v4 =	vadd.s32 v1, v4;
	_ =	sdelay $0x1  }
0x8b: {  	v3 =	vadd.s32 v1, v3;
	_ =	sdelay $0x1  }
0x8c: {  	s13 =	simm.s32 $0x8200  }
0x8d: {  	[tilespmem:s13], [sflag:$0x6] =	stream.indirect_vreg.gather [hbm4b:s2+s3], $0x80, v4, vm0, $0xb8;
	[tilespmem:$0x14200] =	vst v63  }
0x8e: {  	s15 =	simm.s32 $0x8A00  }
0x8f: {  	[tilespmem:s15], [sflag:$0x6] =	stream.indirect_vreg.gather [hbm4b:s2+s3], $0x80, v3, vm0, $0xb8;
	[tilespmem:$0x14200] =	vst v63  }
0x90: {  	v3 =	vld [tilespmem:$0xC0];
	_ =	sdelay $0x4  }
0x91: {  	v23 =	vshll.u32 v3, $0x1  }
0x92: {  	v3 =	vand.u32 $0x7, v3;
	v4 =	vand.u32 $0xFFFFFFF0, v23  }
0x93: {  	v3 =	vor.u32 v3, v4  }
0x94: {  	v4 =	vperm.xlane v3, v0;
	_ =	sdelay $0x1  }
0x95: {  	v3 =	vperm.xlane v3, v2;
	v4 =	vadd.s32 v1, v4;
	_ =	sdelay $0x1  }
0x96: {  	v3 =	vadd.s32 v1, v3;
	_ =	sdelay $0x1  }
0x97: {  	s5 =	simm.s32 $0x9200  }
0x98: {  	[tilespmem:s5], [sflag:$0x6] =	stream.indirect_vreg.gather [hbm4b:s2+s3], $0x80, v4, vm0, $0xb8;
	[tilespmem:$0x14200] =	vst v63  }
0x99: {  	s13 =	simm.s32 $0x9A00  }
0x9a: {  	[tilespmem:s13], [sflag:$0x6] =	stream.indirect_vreg.gather [hbm4b:s2+s3], $0x80, v3, vm0, $0xb8;
	[tilespmem:$0x14200] =	vst v63  }
0x9b: {  	s1 =	simm.s32 $0x100;
	s7 =	rddreg [dreg:$0x5]  }
0x9c: {  	[tilespmem:s1], [sflag:$0xD] =	stream.linear.gather [hbm4b:s7+s3], $0x50, $0x38;
	[tilespmem:$0x14200] =	vst v63  }
0x9d: {  	_ =	swait.ge [sflag:s12], $0x50  }
0x9e: {  	[sflag:s12] =	ssyncset.done $0x0  }
0x9f: {  	[sflag:s12] =	ssyncadd.s32 $0xFFFFFFB0  }
0xa0: {  	v3 =	vld [tilespmem:$0x100];
	_ =	sdelay $0x4  }
0xa1: {  	v24 =	vshll.u32 v3, $0x1  }
0xa2: {  	v3 =	vand.u32 $0x7, v3;
	v4 =	vand.u32 $0xFFFFFFF0, v24  }
0xa3: {  	v3 =	vor.u32 v3, v4  }
0xa4: {  	v4 =	vperm.xlane v3, v0;
	_ =	sdelay $0x1  }
0xa5: {  	v3 =	vperm.xlane v3, v2;
	v4 =	vadd.s32 v1, v4;
	_ =	sdelay $0x1  }
0xa6: {  	v3 =	vadd.s32 v1, v3;
	_ =	sdelay $0x2  }
0xa7: {  	[tilespmem:s6], [sflag:$0x7] =	stream.indirect_vreg.gather [hbm4b:s2+s3], $0x80, v4, vm0, $0xb8;
	[tilespmem:$0x14200] =	vst v63  }
0xa8: {  	_ = 	snop  }
0xa9: {  	[tilespmem:s29], [sflag:$0x7] =	stream.indirect_vreg.gather [hbm4b:s2+s3], $0x80, v3, vm0, $0xb8;
	[tilespmem:$0x14200] =	vst v63  }
0xaa: {  	v3 =	vld [tilespmem:$0x110];
	_ =	sdelay $0x4  }
0xab: {  	v25 =	vshll.u32 v3, $0x1  }
0xac: {  	v3 =	vand.u32 $0x7, v3;
	v4 =	vand.u32 $0xFFFFFFF0, v25  }
0xad: {  	v3 =	vor.u32 v3, v4  }
0xae: {  	v4 =	vperm.xlane v3, v0;
	_ =	sdelay $0x1  }
0xaf: {  	v3 =	vperm.xlane v3, v2;
	v4 =	vadd.s32 v1, v4;
	_ =	sdelay $0x1  }
0xb0: {  	v3 =	vadd.s32 v1, v3;
	_ =	sdelay $0x1  }
0xb1: {  	s13 =	simm.s32 $0xB200  }
0xb2: {  	[tilespmem:s13], [sflag:$0x7] =	stream.indirect_vreg.gather [hbm4b:s2+s3], $0x80, v4, vm0, $0xb8;
	[tilespmem:$0x14200] =	vst v63  }
0xb3: {  	_ = 	snop  }
0xb4: {  	[tilespmem:s16], [sflag:$0x7] =	stream.indirect_vreg.gather [hbm4b:s2+s3], $0x80, v3, vm0, $0xb8;
	[tilespmem:$0x14200] =	vst v63  }
0xb5: {  	v3 =	vld [tilespmem:$0x120];
	_ =	sdelay $0x4  }
0xb6: {  	v26 =	vshll.u32 v3, $0x1  }
0xb7: {  	v3 =	vand.u32 $0x7, v3;
	v4 =	vand.u32 $0xFFFFFFF0, v26  }
0xb8: {  	v3 =	vor.u32 v3, v4  }
0xb9: {  	v4 =	vperm.xlane v3, v0;
	_ =	sdelay $0x1  }
0xba: {  	v3 =	vperm.xlane v3, v2;
	v4 =	vadd.s32 v1, v4;
	_ =	sdelay $0x1  }
0xbb: {  	v3 =	vadd.s32 v1, v3;
	_ =	sdelay $0x2  }
0xbc: {  	[tilespmem:s18], [sflag:$0x7] =	stream.indirect_vreg.gather [hbm4b:s2+s3], $0x80, v4, vm0, $0xb8;
	[tilespmem:$0x14200] =	vst v63  }
0xbd: {  	_ = 	snop  }
0xbe: {  	[tilespmem:s19], [sflag:$0x7] =	stream.indirect_vreg.gather [hbm4b:s2+s3], $0x80, v3, vm0, $0xb8;
	[tilespmem:$0x14200] =	vst v63  }
0xbf: {  	v3 =	vld [tilespmem:$0x130];
	_ =	sdelay $0x4  }
0xc0: {  	v27 =	vshll.u32 v3, $0x1  }
0xc1: {  	v3 =	vand.u32 $0x7, v3;
	v4 =	vand.u32 $0xFFFFFFF0, v27  }
0xc2: {  	v3 =	vor.u32 v3, v4  }
0xc3: {  	v4 =	vperm.xlane v3, v0;
	_ =	sdelay $0x1  }
0xc4: {  	v3 =	vperm.xlane v3, v2;
	v4 =	vadd.s32 v1, v4;
	_ =	sdelay $0x1  }
0xc5: {  	v3 =	vadd.s32 v1, v3;
	_ =	sdelay $0x2  }
0xc6: {  	[tilespmem:s20], [sflag:$0x7] =	stream.indirect_vreg.gather [hbm4b:s2+s3], $0x80, v4, vm0, $0xb8;
	[tilespmem:$0x14200] =	vst v63  }
0xc7: {  	_ = 	snop  }
0xc8: {  	[tilespmem:s21], [sflag:$0x7] =	stream.indirect_vreg.gather [hbm4b:s2+s3], $0x80, v3, vm0, $0xb8;
	[tilespmem:$0x14200] =	vst v63  }
0xc9: {  	v3 =	vld [tilespmem:$0x140];
	_ =	sdelay $0x4  }
0xca: {  	v28 =	vshll.u32 v3, $0x1  }
0xcb: {  	v3 =	vand.u32 $0x7, v3;
	v4 =	vand.u32 $0xFFFFFFF0, v28  }
0xcc: {  	v3 =	vor.u32 v3, v4  }
0xcd: {  	v4 =	vperm.xlane v3, v0;
	_ =	sdelay $0x1  }
0xce: {  	v3 =	vperm.xlane v3, v2;
	v4 =	vadd.s32 v1, v4;
	_ =	sdelay $0x1  }
0xcf: {  	v3 =	vadd.s32 v1, v3;
	_ =	sdelay $0x2  }
0xd0: {  	[tilespmem:s22], [sflag:$0x7] =	stream.indirect_vreg.gather [hbm4b:s2+s3], $0x80, v4, vm0, $0xb8;
	[tilespmem:$0x14200] =	vst v63  }
0xd1: {  	_ = 	snop  }
0xd2: {  	[tilespmem:s23], [sflag:$0x7] =	stream.indirect_vreg.gather [hbm4b:s2+s3], $0x80, v3, vm0, $0xb8;
	[tilespmem:$0x14200] =	vst v63  }
0xd3: {  	s5 =	rddreg [dreg:$0x6]  }
0xd4: {  	[tilespmem:s24], [sflag:$0x4] =	stream.linear.gather [hbm4b:s5+s3], $0x50, $0x38;
	[tilespmem:$0x14200] =	vst v63  }
0xd5: {  	_ =	swait.ge [sflag:s30], $0x5000  }
0xd6: {  	[sflag:s30] =	ssyncset.done $0x0  }
0xd7: {  	s7 =	rddreg [dreg:$0x7];
	[sflag:s30] =	ssyncadd.s32 $0xFFFFB000  }
0xd8: {  	[hbm4b:s7+s3] =	stream.linear.scatter [tilespmem:s17], [sflag:$0x9], $0x5000, $0x38;
	[tilespmem:$0x14200] =	vst v63  }
0xd9: {  	s7 =	simm.s32 $0x4  }
0xda: {  	_ =	swait.ge [sflag:s7], $0x50  }
0xdb: {  	[sflag:s7] =	ssyncset.done $0x0  }
0xdc: {  	[sflag:s7] =	ssyncadd.s32 $0xFFFFFFB0  }
0xdd: {  	v3 =	vld [tilespmem:$0x180];
	_ =	sdelay $0x4  }
0xde: {  	v29 =	vshll.u32 v3, $0x1  }
0xdf: {  	v3 =	vand.u32 $0x7, v3;
	v4 =	vand.u32 $0xFFFFFFF0, v29  }
0xe0: {  	v3 =	vor.u32 v3, v4  }
0xe1: {  	v4 =	vperm.xlane v3, v0;
	_ =	sdelay $0x1  }
0xe2: {  	v3 =	vperm.xlane v3, v2;
	v4 =	vadd.s32 v1, v4;
	_ =	sdelay $0x1  }
0xe3: {  	v3 =	vadd.s32 v1, v3;
	_ =	sdelay $0x2  }
0xe4: {  	[tilespmem:s25], [sflag:$0x8] =	stream.indirect_vreg.gather [hbm4b:s2+s3], $0x80, v4, vm0, $0xb8;
	[tilespmem:$0x14200] =	vst v63  }
0xe5: {  	_ = 	snop  }
0xe6: {  	[tilespmem:s26], [sflag:$0x8] =	stream.indirect_vreg.gather [hbm4b:s2+s3], $0x80, v3, vm0, $0xb8;
	[tilespmem:$0x14200] =	vst v63  }
0xe7: {  	v3 =	vld [tilespmem:$0x190];
	_ =	sdelay $0x4  }
0xe8: {  	v30 =	vshll.u32 v3, $0x1  }
0xe9: {  	v3 =	vand.u32 $0x7, v3;
	v4 =	vand.u32 $0xFFFFFFF0, v30  }
0xea: {  	v3 =	vor.u32 v3, v4  }
0xeb: {  	v4 =	vperm.xlane v3, v0;
	_ =	sdelay $0x1  }
0xec: {  	v3 =	vperm.xlane v3, v2;
	v4 =	vadd.s32 v1, v4;
	_ =	sdelay $0x1  }
0xed: {  	v3 =	vadd.s32 v1, v3;
	_ =	sdelay $0x1  }
0xee: {  	s5 =	simm.s32 $0x10200  }
0xef: {  	[tilespmem:s5], [sflag:$0x8] =	stream.indirect_vreg.gather [hbm4b:s2+s3], $0x80, v4, vm0, $0xb8;
	[tilespmem:$0x14200] =	vst v63  }
0xf0: {  	s15 =	simm.s32 $0x10A00  }
0xf1: {  	[tilespmem:s15], [sflag:$0x8] =	stream.indirect_vreg.gather [hbm4b:s2+s3], $0x80, v3, vm0, $0xb8;
	[tilespmem:$0x14200] =	vst v63  }
0xf2: {  	v3 =	vld [tilespmem:$0x1A0];
	_ =	sdelay $0x4  }
0xf3: {  	v31 =	vshll.u32 v3, $0x1  }
0xf4: {  	v3 =	vand.u32 $0x7, v3;
	v4 =	vand.u32 $0xFFFFFFF0, v31  }
0xf5: {  	v3 =	vor.u32 v3, v4  }
0xf6: {  	v4 =	vperm.xlane v3, v0;
	_ =	sdelay $0x1  }
0xf7: {  	v3 =	vperm.xlane v3, v2;
	v4 =	vadd.s32 v1, v4;
	_ =	sdelay $0x1  }
0xf8: {  	v3 =	vadd.s32 v1, v3;
	_ =	sdelay $0x1  }
0xf9: {  	s15 =	simm.s32 $0x11200  }
0xfa: {  	[tilespmem:s15], [sflag:$0x8] =	stream.indirect_vreg.gather [hbm4b:s2+s3], $0x80, v4, vm0, $0xb8;
	[tilespmem:$0x14200] =	vst v63  }
0xfb: {  	s15 =	simm.s32 $0x11A00  }
0xfc: {  	[tilespmem:s15], [sflag:$0x8] =	stream.indirect_vreg.gather [hbm4b:s2+s3], $0x80, v3, vm0, $0xb8;
	[tilespmem:$0x14200] =	vst v63  }
0xfd: {  	v3 =	vld [tilespmem:$0x1B0];
	_ =	sdelay $0x4  }
0xfe: {  	v32 =	vshll.u32 v3, $0x1  }
0xff: {  	v3 =	vand.u32 $0x7, v3;
	v4 =	vand.u32 $0xFFFFFFF0, v32  }
0x100: {  	v3 =	vor.u32 v3, v4  }
0x101: {  	v4 =	vperm.xlane v3, v0;
	_ =	sdelay $0x1  }
0x102: {  	v3 =	vperm.xlane v3, v2;
	v4 =	vadd.s32 v1, v4;
	_ =	sdelay $0x1  }
0x103: {  	v3 =	vadd.s32 v1, v3;
	_ =	sdelay $0x2  }
0x104: {  	[tilespmem:s14], [sflag:$0x8] =	stream.indirect_vreg.gather [hbm4b:s2+s3], $0x80, v4, vm0, $0xb8;
	[tilespmem:$0x14200] =	vst v63  }
0x105: {  	s15 =	simm.s32 $0x12A00  }
0x106: {  	[tilespmem:s15], [sflag:$0x8] =	stream.indirect_vreg.gather [hbm4b:s2+s3], $0x80, v3, vm0, $0xb8;
	[tilespmem:$0x14200] =	vst v63  }
0x107: {  	v3 =	vld [tilespmem:$0x1C0];
	_ =	sdelay $0x4  }
0x108: {  	v33 =	vshll.u32 v3, $0x1  }
0x109: {  	v3 =	vand.u32 $0x7, v3;
	v4 =	vand.u32 $0xFFFFFFF0, v33  }
0x10a: {  	v3 =	vor.u32 v3, v4  }
0x10b: {  	v4 =	vperm.xlane v3, v0;
	_ =	sdelay $0x1  }
0x10c: {  	v3 =	vperm.xlane v3, v2;
	v4 =	vadd.s32 v1, v4;
	_ =	sdelay $0x1  }
0x10d: {  	v3 =	vadd.s32 v1, v3;
	_ =	sdelay $0x1  }
0x10e: {  	s15 =	simm.s32 $0x13200  }
0x10f: {  	[tilespmem:s15], [sflag:$0x8] =	stream.indirect_vreg.gather [hbm4b:s2+s3], $0x80, v4, vm0, $0xb8;
	[tilespmem:$0x14200] =	vst v63  }
0x110: {  	s5 =	simm.s32 $0x13A00  }
0x111: {  	[tilespmem:s5], [sflag:$0x8] =	stream.indirect_vreg.gather [hbm4b:s2+s3], $0x80, v3, vm0, $0xb8;
	[tilespmem:$0x14200] =	vst v63  }
0x112: {  	s15 =	rddreg [dreg:$0x8]  }
0x113: {  	[tilespmem:s3], [sflag:$0x1] =	stream.linear.gather [hbm4b:s15+s3], $0x50, $0x38;
	[tilespmem:$0x14200] =	vst v63  }
0x114: {  	_ =	swait.ge [sflag:s28], $0x5000  }
0x115: {  	[sflag:s28] =	ssyncset.done $0x0  }
0x116: {  	s5 =	rddreg [dreg:$0x9];
	[sflag:s28] =	ssyncadd.s32 $0xFFFFB000  }
0x117: {  	[hbm4b:s5+s3] =	stream.linear.scatter [tilespmem:s31], [sflag:$0xA], $0x5000, $0x38;
	[tilespmem:$0x14200] =	vst v63  }
0x118: {  	_ =	swait.ge [sflag:s0], $0x5000  }
0x119: {  	[sflag:s0] =	ssyncset.done $0x0  }
0x11a: {  	s5 =	simm.s32 $0x1;
	[sflag:s0] =	ssyncadd.s32 $0xFFFFB000  }
0x11b: {  	_ =	swait.ge [sflag:s5], $0x50  }
0x11c: {  	[sflag:s5] =	ssyncset.done $0x0  }
0x11d: {  	[sflag:s5] =	ssyncadd.s32 $0xFFFFFFB0  }
0x11e: {  	v3 =	vld [tilespmem:$0x0];
	_ =	sdelay $0x4  }
0x11f: {  	v34 =	vshll.u32 v3, $0x1  }
0x120: {  	v3 =	vand.u32 $0x7, v3;
	v4 =	vand.u32 $0xFFFFFFF0, v34  }
0x121: {  	v3 =	vor.u32 v3, v4  }
0x122: {  	v4 =	vperm.xlane v3, v0;
	_ =	sdelay $0x1  }
0x123: {  	v3 =	vperm.xlane v3, v2;
	v4 =	vadd.s32 v1, v4;
	_ =	sdelay $0x1  }
0x124: {  	v3 =	vadd.s32 v1, v3;
	_ =	sdelay $0x2  }
0x125: {  	[tilespmem:s17], [sflag:$0x5] =	stream.indirect_vreg.gather [hbm4b:s2+s3], $0x80, v4, vm0, $0xb8;
	[tilespmem:$0x14200] =	vst v63  }
0x126: {  	s8 =	simm.s32 $0xA00  }
0x127: {  	[tilespmem:s8], [sflag:$0x5] =	stream.indirect_vreg.gather [hbm4b:s2+s3], $0x80, v3, vm0, $0xb8;
	[tilespmem:$0x14200] =	vst v63  }
0x128: {  	v3 =	vld [tilespmem:$0x10];
	_ =	sdelay $0x4  }
0x129: {  	v35 =	vshll.u32 v3, $0x1  }
0x12a: {  	v3 =	vand.u32 $0x7, v3;
	v4 =	vand.u32 $0xFFFFFFF0, v35  }
0x12b: {  	v3 =	vor.u32 v3, v4  }
0x12c: {  	v4 =	vperm.xlane v3, v0;
	_ =	sdelay $0x1  }
0x12d: {  	v3 =	vperm.xlane v3, v2;
	v4 =	vadd.s32 v1, v4;
	_ =	sdelay $0x1  }
0x12e: {  	v3 =	vadd.s32 v1, v3;
	_ =	sdelay $0x1  }
0x12f: {  	s15 =	simm.s32 $0x1200  }
0x130: {  	[tilespmem:s15], [sflag:$0x5] =	stream.indirect_vreg.gather [hbm4b:s2+s3], $0x80, v4, vm0, $0xb8;
	[tilespmem:$0x14200] =	vst v63  }
0x131: {  	s10 =	simm.s32 $0x1A00  }
0x132: {  	[tilespmem:s10], [sflag:$0x5] =	stream.indirect_vreg.gather [hbm4b:s2+s3], $0x80, v3, vm0, $0xb8;
	[tilespmem:$0x14200] =	vst v63  }
0x133: {  	v3 =	vld [tilespmem:$0x20];
	_ =	sdelay $0x4  }
0x134: {  	v36 =	vshll.u32 v3, $0x1  }
0x135: {  	v3 =	vand.u32 $0x7, v3;
	v4 =	vand.u32 $0xFFFFFFF0, v36  }
0x136: {  	v3 =	vor.u32 v3, v4  }
0x137: {  	v4 =	vperm.xlane v3, v0;
	_ =	sdelay $0x1  }
0x138: {  	v3 =	vperm.xlane v3, v2;
	v4 =	vadd.s32 v1, v4;
	_ =	sdelay $0x1  }
0x139: {  	v3 =	vadd.s32 v1, v3;
	_ =	sdelay $0x1  }
0x13a: {  	s10 =	simm.s32 $0x2200  }
0x13b: {  	[tilespmem:s10], [sflag:$0x5] =	stream.indirect_vreg.gather [hbm4b:s2+s3], $0x80, v4, vm0, $0xb8;
	[tilespmem:$0x14200] =	vst v63  }
0x13c: {  	s11 =	simm.s32 $0x2A00  }
0x13d: {  	[tilespmem:s11], [sflag:$0x5] =	stream.indirect_vreg.gather [hbm4b:s2+s3], $0x80, v3, vm0, $0xb8;
	[tilespmem:$0x14200] =	vst v63  }
0x13e: {  	v3 =	vld [tilespmem:$0x30];
	_ =	sdelay $0x4  }
0x13f: {  	v37 =	vshll.u32 v3, $0x1  }
0x140: {  	v3 =	vand.u32 $0x7, v3;
	v4 =	vand.u32 $0xFFFFFFF0, v37  }
0x141: {  	v3 =	vor.u32 v3, v4  }
0x142: {  	v4 =	vperm.xlane v3, v0;
	_ =	sdelay $0x1  }
0x143: {  	v3 =	vperm.xlane v3, v2;
	v4 =	vadd.s32 v1, v4;
	_ =	sdelay $0x1  }
0x144: {  	v3 =	vadd.s32 v1, v3;
	_ =	sdelay $0x1  }
0x145: {  	s11 =	simm.s32 $0x3200  }
0x146: {  	[tilespmem:s11], [sflag:$0x5] =	stream.indirect_vreg.gather [hbm4b:s2+s3], $0x80, v4, vm0, $0xb8;
	[tilespmem:$0x14200] =	vst v63  }
0x147: {  	s15 =	simm.s32 $0x3A00  }
0x148: {  	[tilespmem:s15], [sflag:$0x5] =	stream.indirect_vreg.gather [hbm4b:s2+s3], $0x80, v3, vm0, $0xb8;
	[tilespmem:$0x14200] =	vst v63  }
0x149: {  	v3 =	vld [tilespmem:$0x40];
	_ =	sdelay $0x4  }
0x14a: {  	v38 =	vshll.u32 v3, $0x1  }
0x14b: {  	v3 =	vand.u32 $0x7, v3;
	v4 =	vand.u32 $0xFFFFFFF0, v38  }
0x14c: {  	v3 =	vor.u32 v3, v4  }
0x14d: {  	v4 =	vperm.xlane v3, v0;
	_ =	sdelay $0x1  }
0x14e: {  	v3 =	vperm.xlane v3, v2;
	v4 =	vadd.s32 v1, v4;
	_ =	sdelay $0x1  }
0x14f: {  	v3 =	vadd.s32 v1, v3;
	_ =	sdelay $0x1  }
0x150: {  	s10 =	simm.s32 $0x4200  }
0x151: {  	[tilespmem:s10], [sflag:$0x5] =	stream.indirect_vreg.gather [hbm4b:s2+s3], $0x80, v4, vm0, $0xb8;
	[tilespmem:$0x14200] =	vst v63  }
0x152: {  	s11 =	simm.s32 $0x4A00  }
0x153: {  	[tilespmem:s11], [sflag:$0x5] =	stream.indirect_vreg.gather [hbm4b:s2+s3], $0x80, v3, vm0, $0xb8;
	[tilespmem:$0x14200] =	vst v63  }
0x154: {  	s8 =	simm.s32 $0x7;
	s15 =	rddreg [dreg:$0xa];
	s10 =	simm.s32 $0x80  }
0x155: {  	[tilespmem:s10], [sflag:$0x2] =	stream.linear.gather [hbm4b:s15+s3], $0x50, $0x38;
	[tilespmem:$0x14200] =	vst v63  }
0x156: {  	_ =	swait.ge [sflag:s8], $0x5000  }
0x157: {  	[sflag:s8] =	ssyncset.done $0x0  }
0x158: {  	s11 =	rddreg [dreg:$0xb];
	[sflag:s8] =	ssyncadd.s32 $0xFFFFB000  }
0x159: {  	[hbm4b:s11+s3] =	stream.linear.scatter [tilespmem:s6], [sflag:$0xB], $0x5000, $0x38;
	[tilespmem:$0x14200] =	vst v63  }
0x15a: {  	_ =	swait.ge [sflag:s9], $0x5000  }
0x15b: {  	[sflag:s9] =	ssyncset.done $0x0  }
0x15c: {  	s10 =	simm.s32 $0x2;
	[sflag:s9] =	ssyncadd.s32 $0xFFFFB000  }
0x15d: {  	_ =	swait.ge [sflag:s10], $0x50  }
0x15e: {  	[sflag:s10] =	ssyncset.done $0x0  }
0x15f: {  	[sflag:s10] =	ssyncadd.s32 $0xFFFFFFB0  }
0x160: {  	v3 =	vld [tilespmem:$0x80];
	_ =	sdelay $0x4  }
0x161: {  	v39 =	vshll.u32 v3, $0x1  }
0x162: {  	v3 =	vand.u32 $0x7, v3;
	v4 =	vand.u32 $0xFFFFFFF0, v39  }
0x163: {  	v3 =	vor.u32 v3, v4  }
0x164: {  	v4 =	vperm.xlane v3, v0;
	_ =	sdelay $0x1  }
0x165: {  	v3 =	vperm.xlane v3, v2;
	v4 =	vadd.s32 v1, v4;
	_ =	sdelay $0x1  }
0x166: {  	v3 =	vadd.s32 v1, v3;
	_ =	sdelay $0x2  }
0x167: {  	[tilespmem:s31], [sflag:$0x6] =	stream.indirect_vreg.gather [hbm4b:s2+s3], $0x80, v4, vm0, $0xb8;
	[tilespmem:$0x14200] =	vst v63  }
0x168: {  	s15 =	simm.s32 $0x5A00  }
0x169: {  	[tilespmem:s15], [sflag:$0x6] =	stream.indirect_vreg.gather [hbm4b:s2+s3], $0x80, v3, vm0, $0xb8;
	[tilespmem:$0x14200] =	vst v63  }
0x16a: {  	v3 =	vld [tilespmem:$0x90];
	_ =	sdelay $0x4  }
0x16b: {  	v40 =	vshll.u32 v3, $0x1  }
0x16c: {  	v3 =	vand.u32 $0x7, v3;
	v4 =	vand.u32 $0xFFFFFFF0, v40  }
0x16d: {  	v3 =	vor.u32 v3, v4  }
0x16e: {  	v4 =	vperm.xlane v3, v0;
	_ =	sdelay $0x1  }
0x16f: {  	v3 =	vperm.xlane v3, v2;
	v4 =	vadd.s32 v1, v4;
	_ =	sdelay $0x1  }
0x170: {  	v3 =	vadd.s32 v1, v3;
	_ =	sdelay $0x1  }
0x171: {  	s15 =	simm.s32 $0x6200  }
0x172: {  	[tilespmem:s15], [sflag:$0x6] =	stream.indirect_vreg.gather [hbm4b:s2+s3], $0x80, v4, vm0, $0xb8;
	[tilespmem:$0x14200] =	vst v63  }
0x173: {  	s15 =	simm.s32 $0x6A00  }
0x174: {  	[tilespmem:s15], [sflag:$0x6] =	stream.indirect_vreg.gather [hbm4b:s2+s3], $0x80, v3, vm0, $0xb8;
	[tilespmem:$0x14200] =	vst v63  }
0x175: {  	v3 =	vld [tilespmem:$0xA0];
	_ =	sdelay $0x4  }
0x176: {  	v41 =	vshll.u32 v3, $0x1  }
0x177: {  	v3 =	vand.u32 $0x7, v3;
	v4 =	vand.u32 $0xFFFFFFF0, v41  }
0x178: {  	v3 =	vor.u32 v3, v4  }
0x179: {  	v4 =	vperm.xlane v3, v0;
	_ =	sdelay $0x1  }
0x17a: {  	v3 =	vperm.xlane v3, v2;
	v4 =	vadd.s32 v1, v4;
	_ =	sdelay $0x1  }
0x17b: {  	v3 =	vadd.s32 v1, v3;
	_ =	sdelay $0x1  }
0x17c: {  	s15 =	simm.s32 $0x7200  }
0x17d: {  	[tilespmem:s15], [sflag:$0x6] =	stream.indirect_vreg.gather [hbm4b:s2+s3], $0x80, v4, vm0, $0xb8;
	[tilespmem:$0x14200] =	vst v63  }
0x17e: {  	s15 =	simm.s32 $0x7A00  }
0x17f: {  	[tilespmem:s15], [sflag:$0x6] =	stream.indirect_vreg.gather [hbm4b:s2+s3], $0x80, v3, vm0, $0xb8;
	[tilespmem:$0x14200] =	vst v63  }
0x180: {  	v3 =	vld [tilespmem:$0xB0];
	_ =	sdelay $0x4  }
0x181: {  	v42 =	vshll.u32 v3, $0x1  }
0x182: {  	v3 =	vand.u32 $0x7, v3;
	v4 =	vand.u32 $0xFFFFFFF0, v42  }
0x183: {  	v3 =	vor.u32 v3, v4  }
0x184: {  	v4 =	vperm.xlane v3, v0;
	_ =	sdelay $0x1  }
0x185: {  	v3 =	vperm.xlane v3, v2;
	v4 =	vadd.s32 v1, v4;
	_ =	sdelay $0x1  }
0x186: {  	v3 =	vadd.s32 v1, v3;
	_ =	sdelay $0x1  }
0x187: {  	s15 =	simm.s32 $0x8200  }
0x188: {  	[tilespmem:s15], [sflag:$0x6] =	stream.indirect_vreg.gather [hbm4b:s2+s3], $0x80, v4, vm0, $0xb8;
	[tilespmem:$0x14200] =	vst v63  }
0x189: {  	s15 =	simm.s32 $0x8A00  }
0x18a: {  	[tilespmem:s15], [sflag:$0x6] =	stream.indirect_vreg.gather [hbm4b:s2+s3], $0x80, v3, vm0, $0xb8;
	[tilespmem:$0x14200] =	vst v63  }
0x18b: {  	v3 =	vld [tilespmem:$0xC0];
	_ =	sdelay $0x4  }
0x18c: {  	v43 =	vshll.u32 v3, $0x1  }
0x18d: {  	v3 =	vand.u32 $0x7, v3;
	v4 =	vand.u32 $0xFFFFFFF0, v43  }
0x18e: {  	v3 =	vor.u32 v3, v4  }
0x18f: {  	v4 =	vperm.xlane v3, v0;
	_ =	sdelay $0x1  }
0x190: {  	v3 =	vperm.xlane v3, v2;
	v4 =	vadd.s32 v1, v4;
	_ =	sdelay $0x1  }
0x191: {  	v3 =	vadd.s32 v1, v3;
	_ =	sdelay $0x1  }
0x192: {  	s15 =	simm.s32 $0x9200  }
0x193: {  	[tilespmem:s15], [sflag:$0x6] =	stream.indirect_vreg.gather [hbm4b:s2+s3], $0x80, v4, vm0, $0xb8;
	[tilespmem:$0x14200] =	vst v63  }
0x194: {  	s11 =	simm.s32 $0x9A00  }
0x195: {  	[tilespmem:s11], [sflag:$0x6] =	stream.indirect_vreg.gather [hbm4b:s2+s3], $0x80, v3, vm0, $0xb8;
	[tilespmem:$0x14200] =	vst v63  }
0x196: {  	s15 =	rddreg [dreg:$0xc]  }
0x197: {  	[tilespmem:s1], [sflag:$0x3] =	stream.linear.gather [hbm4b:s15+s3], $0x50, $0x38;
	[tilespmem:$0x14200] =	vst v63  }
0x198: {  	s1 =	simm.s32 $0x8  }
0x199: {  	_ =	swait.ge [sflag:s1], $0x5000  }
0x19a: {  	[sflag:s1] =	ssyncset.done $0x0  }
0x19b: {  	s11 =	rddreg [dreg:$0xd];
	[sflag:s1] =	ssyncadd.s32 $0xFFFFB000  }
0x19c: {  	[hbm4b:s11+s3] =	stream.linear.scatter [tilespmem:s25], [sflag:$0xC], $0x5000, $0x38;
	[tilespmem:$0x14200] =	vst v63  }
0x19d: {  	s11 =	simm.s32 $0xB  }
0x19e: {  	_ =	swait.ge [sflag:s11], $0x5000  }
0x19f: {  	[sflag:s11] =	ssyncset.done $0x0  }
0x1a0: {  	s15 =	simm.s32 $0x3;
	[sflag:s11] =	ssyncadd.s32 $0xFFFFB000  }
0x1a1: {  	_ =	swait.ge [sflag:s15], $0x50  }
0x1a2: {  	[sflag:s15] =	ssyncset.done $0x0  }
0x1a3: {  	[sflag:s15] =	ssyncadd.s32 $0xFFFFFFB0  }
0x1a4: {  	v3 =	vld [tilespmem:$0x100];
	_ =	sdelay $0x4  }
0x1a5: {  	v44 =	vshll.u32 v3, $0x1  }
0x1a6: {  	v3 =	vand.u32 $0x7, v3;
	v4 =	vand.u32 $0xFFFFFFF0, v44  }
0x1a7: {  	v3 =	vor.u32 v3, v4  }
0x1a8: {  	v4 =	vperm.xlane v3, v0;
	_ =	sdelay $0x1  }
0x1a9: {  	v3 =	vperm.xlane v3, v2;
	v4 =	vadd.s32 v1, v4;
	_ =	sdelay $0x1  }
0x1aa: {  	v3 =	vadd.s32 v1, v3;
	_ =	sdelay $0x2  }
0x1ab: {  	[tilespmem:s6], [sflag:$0x7] =	stream.indirect_vreg.gather [hbm4b:s2+s3], $0x80, v4, vm0, $0xb8;
	[tilespmem:$0x14200] =	vst v63  }
0x1ac: {  	_ = 	snop  }
0x1ad: {  	[tilespmem:s29], [sflag:$0x7] =	stream.indirect_vreg.gather [hbm4b:s2+s3], $0x80, v3, vm0, $0xb8;
	[tilespmem:$0x14200] =	vst v63  }
0x1ae: {  	v3 =	vld [tilespmem:$0x110];
	_ =	sdelay $0x4  }
0x1af: {  	v45 =	vshll.u32 v3, $0x1  }
0x1b0: {  	v3 =	vand.u32 $0x7, v3;
	v4 =	vand.u32 $0xFFFFFFF0, v45  }
0x1b1: {  	v3 =	vor.u32 v3, v4  }
0x1b2: {  	v4 =	vperm.xlane v3, v0;
	_ =	sdelay $0x1  }
0x1b3: {  	v3 =	vperm.xlane v3, v2;
	v4 =	vadd.s32 v1, v4;
	_ =	sdelay $0x1  }
0x1b4: {  	v3 =	vadd.s32 v1, v3;
	_ =	sdelay $0x2  }
0x1b5: {  	[tilespmem:s13], [sflag:$0x7] =	stream.indirect_vreg.gather [hbm4b:s2+s3], $0x80, v4, vm0, $0xb8;
	[tilespmem:$0x14200] =	vst v63  }
0x1b6: {  	_ = 	snop  }
0x1b7: {  	[tilespmem:s16], [sflag:$0x7] =	stream.indirect_vreg.gather [hbm4b:s2+s3], $0x80, v3, vm0, $0xb8;
	[tilespmem:$0x14200] =	vst v63  }
0x1b8: {  	v3 =	vld [tilespmem:$0x120];
	_ =	sdelay $0x4  }
0x1b9: {  	v46 =	vshll.u32 v3, $0x1  }
0x1ba: {  	v3 =	vand.u32 $0x7, v3;
	v4 =	vand.u32 $0xFFFFFFF0, v46  }
0x1bb: {  	v3 =	vor.u32 v3, v4  }
0x1bc: {  	v4 =	vperm.xlane v3, v0;
	_ =	sdelay $0x1  }
0x1bd: {  	v3 =	vperm.xlane v3, v2;
	v4 =	vadd.s32 v1, v4;
	_ =	sdelay $0x1  }
0x1be: {  	v3 =	vadd.s32 v1, v3;
	_ =	sdelay $0x2  }
0x1bf: {  	[tilespmem:s18], [sflag:$0x7] =	stream.indirect_vreg.gather [hbm4b:s2+s3], $0x80, v4, vm0, $0xb8;
	[tilespmem:$0x14200] =	vst v63  }
0x1c0: {  	_ = 	snop  }
0x1c1: {  	[tilespmem:s19], [sflag:$0x7] =	stream.indirect_vreg.gather [hbm4b:s2+s3], $0x80, v3, vm0, $0xb8;
	[tilespmem:$0x14200] =	vst v63  }
0x1c2: {  	v3 =	vld [tilespmem:$0x130];
	_ =	sdelay $0x4  }
0x1c3: {  	v47 =	vshll.u32 v3, $0x1  }
0x1c4: {  	v3 =	vand.u32 $0x7, v3;
	v4 =	vand.u32 $0xFFFFFFF0, v47  }
0x1c5: {  	v3 =	vor.u32 v3, v4  }
0x1c6: {  	v4 =	vperm.xlane v3, v0;
	_ =	sdelay $0x1  }
0x1c7: {  	v3 =	vperm.xlane v3, v2;
	v4 =	vadd.s32 v1, v4;
	_ =	sdelay $0x1  }
0x1c8: {  	v3 =	vadd.s32 v1, v3;
	_ =	sdelay $0x2  }
0x1c9: {  	[tilespmem:s20], [sflag:$0x7] =	stream.indirect_vreg.gather [hbm4b:s2+s3], $0x80, v4, vm0, $0xb8;
	[tilespmem:$0x14200] =	vst v63  }
0x1ca: {  	_ = 	snop  }
0x1cb: {  	[tilespmem:s21], [sflag:$0x7] =	stream.indirect_vreg.gather [hbm4b:s2+s3], $0x80, v3, vm0, $0xb8;
	[tilespmem:$0x14200] =	vst v63  }
0x1cc: {  	v3 =	vld [tilespmem:$0x140];
	_ =	sdelay $0x4  }
0x1cd: {  	v48 =	vshll.u32 v3, $0x1  }
0x1ce: {  	v3 =	vand.u32 $0x7, v3;
	v4 =	vand.u32 $0xFFFFFFF0, v48  }
0x1cf: {  	v3 =	vor.u32 v3, v4  }
0x1d0: {  	v4 =	vperm.xlane v3, v0;
	_ =	sdelay $0x1  }
0x1d1: {  	v3 =	vperm.xlane v3, v2;
	v4 =	vadd.s32 v1, v4;
	_ =	sdelay $0x1  }
0x1d2: {  	v3 =	vadd.s32 v1, v3;
	_ =	sdelay $0x2  }
0x1d3: {  	[tilespmem:s22], [sflag:$0x7] =	stream.indirect_vreg.gather [hbm4b:s2+s3], $0x80, v4, vm0, $0xb8;
	[tilespmem:$0x14200] =	vst v63  }
0x1d4: {  	_ = 	snop  }
0x1d5: {  	[tilespmem:s23], [sflag:$0x7] =	stream.indirect_vreg.gather [hbm4b:s2+s3], $0x80, v3, vm0, $0xb8;
	[tilespmem:$0x14200] =	vst v63  }
0x1d6: {  	s13 =	rddreg [dreg:$0xe]  }
0x1d7: {  	[tilespmem:s24], [sflag:$0x4] =	stream.linear.gather [hbm4b:s13+s3], $0x50, $0x38;
	[tilespmem:$0x14200] =	vst v63  }
0x1d8: {  	_ =	swait.ge [sflag:s30], $0x5000  }
0x1d9: {  	[sflag:s30] =	ssyncset.done $0x0  }
0x1da: {  	s13 =	rddreg [dreg:$0xf];
	[sflag:s30] =	ssyncadd.s32 $0xFFFFB000  }
0x1db: {  	[hbm4b:s13+s3] =	stream.linear.scatter [tilespmem:s17], [sflag:$0x9], $0x5000, $0x38;
	[tilespmem:$0x14200] =	vst v63  }
0x1dc: {  	s13 =	simm.s32 $0xC  }
0x1dd: {  	_ =	swait.ge [sflag:s13], $0x5000  }
0x1de: {  	[sflag:s13] =	ssyncset.done $0x0  }
0x1df: {  	[sflag:s13] =	ssyncadd.s32 $0xFFFFB000  }
0x1e0: {  	_ =	swait.ge [sflag:s7], $0x50  }
0x1e1: {  	[sflag:s7] =	ssyncset.done $0x0  }
0x1e2: {  	[sflag:s7] =	ssyncadd.s32 $0xFFFFFFB0  }
0x1e3: {  	v3 =	vld [tilespmem:$0x180];
	_ =	sdelay $0x4  }
0x1e4: {  	v49 =	vshll.u32 v3, $0x1  }
0x1e5: {  	v3 =	vand.u32 $0x7, v3;
	v4 =	vand.u32 $0xFFFFFFF0, v49  }
0x1e6: {  	v3 =	vor.u32 v3, v4  }
0x1e7: {  	v4 =	vperm.xlane v3, v0;
	_ =	sdelay $0x1  }
0x1e8: {  	v3 =	vperm.xlane v3, v2;
	v4 =	vadd.s32 v1, v4;
	_ =	sdelay $0x1  }
0x1e9: {  	v3 =	vadd.s32 v1, v3;
	_ =	sdelay $0x2  }
0x1ea: {  	[tilespmem:s25], [sflag:$0x8] =	stream.indirect_vreg.gather [hbm4b:s2+s3], $0x80, v4, vm0, $0xb8;
	[tilespmem:$0x14200] =	vst v63  }
0x1eb: {  	_ = 	snop  }
0x1ec: {  	[tilespmem:s26], [sflag:$0x8] =	stream.indirect_vreg.gather [hbm4b:s2+s3], $0x80, v3, vm0, $0xb8;
	[tilespmem:$0x14200] =	vst v63  }
0x1ed: {  	v3 =	vld [tilespmem:$0x190];
	_ =	sdelay $0x4  }
0x1ee: {  	v50 =	vshll.u32 v3, $0x1  }
0x1ef: {  	v3 =	vand.u32 $0x7, v3;
	v4 =	vand.u32 $0xFFFFFFF0, v50  }
0x1f0: {  	v3 =	vor.u32 v3, v4  }
0x1f1: {  	v4 =	vperm.xlane v3, v0;
	_ =	sdelay $0x1  }
0x1f2: {  	v3 =	vperm.xlane v3, v2;
	v4 =	vadd.s32 v1, v4;
	_ =	sdelay $0x1  }
0x1f3: {  	v3 =	vadd.s32 v1, v3;
	_ =	sdelay $0x1  }
0x1f4: {  	s15 =	simm.s32 $0x10200  }
0x1f5: {  	[tilespmem:s15], [sflag:$0x8] =	stream.indirect_vreg.gather [hbm4b:s2+s3], $0x80, v4, vm0, $0xb8;
	[tilespmem:$0x14200] =	vst v63  }
0x1f6: {  	s15 =	simm.s32 $0x10A00  }
0x1f7: {  	[tilespmem:s15], [sflag:$0x8] =	stream.indirect_vreg.gather [hbm4b:s2+s3], $0x80, v3, vm0, $0xb8;
	[tilespmem:$0x14200] =	vst v63  }
0x1f8: {  	v3 =	vld [tilespmem:$0x1A0];
	_ =	sdelay $0x4  }
0x1f9: {  	v51 =	vshll.u32 v3, $0x1  }
0x1fa: {  	v3 =	vand.u32 $0x7, v3;
	v4 =	vand.u32 $0xFFFFFFF0, v51  }
0x1fb: {  	v3 =	vor.u32 v3, v4  }
0x1fc: {  	v4 =	vperm.xlane v3, v0;
	_ =	sdelay $0x1  }
0x1fd: {  	v3 =	vperm.xlane v3, v2;
	v4 =	vadd.s32 v1, v4;
	_ =	sdelay $0x1  }
0x1fe: {  	v3 =	vadd.s32 v1, v3;
	_ =	sdelay $0x1  }
0x1ff: {  	s15 =	simm.s32 $0x11200  }
0x200: {  	[tilespmem:s15], [sflag:$0x8] =	stream.indirect_vreg.gather [hbm4b:s2+s3], $0x80, v4, vm0, $0xb8;
	[tilespmem:$0x14200] =	vst v63  }
0x201: {  	s15 =	simm.s32 $0x11A00  }
0x202: {  	[tilespmem:s15], [sflag:$0x8] =	stream.indirect_vreg.gather [hbm4b:s2+s3], $0x80, v3, vm0, $0xb8;
	[tilespmem:$0x14200] =	vst v63  }
0x203: {  	v3 =	vld [tilespmem:$0x1B0];
	_ =	sdelay $0x4  }
0x204: {  	v52 =	vshll.u32 v3, $0x1  }
0x205: {  	v3 =	vand.u32 $0x7, v3;
	v4 =	vand.u32 $0xFFFFFFF0, v52  }
0x206: {  	v3 =	vor.u32 v3, v4  }
0x207: {  	v4 =	vperm.xlane v3, v0;
	_ =	sdelay $0x1  }
0x208: {  	v3 =	vperm.xlane v3, v2;
	v4 =	vadd.s32 v1, v4;
	_ =	sdelay $0x1  }
0x209: {  	v3 =	vadd.s32 v1, v3;
	_ =	sdelay $0x2  }
0x20a: {  	[tilespmem:s14], [sflag:$0x8] =	stream.indirect_vreg.gather [hbm4b:s2+s3], $0x80, v4, vm0, $0xb8;
	[tilespmem:$0x14200] =	vst v63  }
0x20b: {  	s15 =	simm.s32 $0x12A00  }
0x20c: {  	[tilespmem:s15], [sflag:$0x8] =	stream.indirect_vreg.gather [hbm4b:s2+s3], $0x80, v3, vm0, $0xb8;
	[tilespmem:$0x14200] =	vst v63  }
0x20d: {  	v3 =	vld [tilespmem:$0x1C0];
	_ =	sdelay $0x4  }
0x20e: {  	v53 =	vshll.u32 v3, $0x1  }
0x20f: {  	v3 =	vand.u32 $0x7, v3;
	v4 =	vand.u32 $0xFFFFFFF0, v53  }
0x210: {  	v3 =	vor.u32 v3, v4  }
0x211: {  	v4 =	vperm.xlane v3, v0;
	_ =	sdelay $0x1  }
0x212: {  	v3 =	vperm.xlane v3, v2;
	v4 =	vadd.s32 v1, v4;
	_ =	sdelay $0x1  }
0x213: {  	v3 =	vadd.s32 v1, v3;
	_ =	sdelay $0x1  }
0x214: {  	s15 =	simm.s32 $0x13200  }
0x215: {  	[tilespmem:s15], [sflag:$0x8] =	stream.indirect_vreg.gather [hbm4b:s2+s3], $0x80, v4, vm0, $0xb8;
	[tilespmem:$0x14200] =	vst v63  }
0x216: {  	s7 =	simm.s32 $0x13A00  }
0x217: {  	[tilespmem:s7], [sflag:$0x8] =	stream.indirect_vreg.gather [hbm4b:s2+s3], $0x80, v3, vm0, $0xb8;
	[tilespmem:$0x14200] =	vst v63  }
0x218: {  	s15 =	rddreg [dreg:$0x10]  }
0x219: {  	[tilespmem:s3], [sflag:$0x1] =	stream.linear.gather [hbm4b:s15+s3], $0x50, $0x38;
	[tilespmem:$0x14200] =	vst v63  }
0x21a: {  	_ =	swait.ge [sflag:s28], $0x5000  }
0x21b: {  	[sflag:s28] =	ssyncset.done $0x0  }
0x21c: {  	s7 =	rddreg [dreg:$0x11];
	[sflag:s28] =	ssyncadd.s32 $0xFFFFB000  }
0x21d: {  	[hbm4b:s7+s3] =	stream.linear.scatter [tilespmem:s31], [sflag:$0xA], $0x5000, $0x38;
	[tilespmem:$0x14200] =	vst v63  }
0x21e: {  	_ =	swait.ge [sflag:s0], $0x5000  }
0x21f: {  	[sflag:s0] =	ssyncset.done $0x0  }
0x220: {  	[sflag:s0] =	ssyncadd.s32 $0xFFFFB000  }
0x221: {  	_ =	swait.ge [sflag:s5], $0x50  }
0x222: {  	[sflag:s5] =	ssyncset.done $0x0  }
0x223: {  	[sflag:s5] =	ssyncadd.s32 $0xFFFFFFB0  }
0x224: {  	v3 =	vld [tilespmem:$0x0];
	_ =	sdelay $0x4  }
0x225: {  	v54 =	vshll.u32 v3, $0x1  }
0x226: {  	v3 =	vand.u32 $0x7, v3;
	v4 =	vand.u32 $0xFFFFFFF0, v54  }
0x227: {  	v3 =	vor.u32 v3, v4  }
0x228: {  	v4 =	vperm.xlane v3, v0;
	_ =	sdelay $0x1  }
0x229: {  	v3 =	vperm.xlane v3, v2;
	v4 =	vadd.s32 v1, v4;
	_ =	sdelay $0x1  }
0x22a: {  	v3 =	vadd.s32 v1, v3;
	_ =	sdelay $0x2  }
0x22b: {  	[tilespmem:s17], [sflag:$0x5] =	stream.indirect_vreg.gather [hbm4b:s2+s3], $0x80, v4, vm0, $0xb8;
	[tilespmem:$0x14200] =	vst v63  }
0x22c: {  	s7 =	simm.s32 $0xA00  }
0x22d: {  	[tilespmem:s7], [sflag:$0x5] =	stream.indirect_vreg.gather [hbm4b:s2+s3], $0x80, v3, vm0, $0xb8;
	[tilespmem:$0x14200] =	vst v63  }
0x22e: {  	v3 =	vld [tilespmem:$0x10];
	_ =	sdelay $0x4  }
0x22f: {  	v55 =	vshll.u32 v3, $0x1  }
0x230: {  	v3 =	vand.u32 $0x7, v3;
	v4 =	vand.u32 $0xFFFFFFF0, v55  }
0x231: {  	v3 =	vor.u32 v3, v4  }
0x232: {  	v4 =	vperm.xlane v3, v0;
	_ =	sdelay $0x1  }
0x233: {  	v3 =	vperm.xlane v3, v2;
	v4 =	vadd.s32 v1, v4;
	_ =	sdelay $0x1  }
0x234: {  	v3 =	vadd.s32 v1, v3;
	_ =	sdelay $0x1  }
0x235: {  	s15 =	simm.s32 $0x1200  }
0x236: {  	[tilespmem:s15], [sflag:$0x5] =	stream.indirect_vreg.gather [hbm4b:s2+s3], $0x80, v4, vm0, $0xb8;
	[tilespmem:$0x14200] =	vst v63  }
0x237: {  	s7 =	simm.s32 $0x1A00  }
0x238: {  	[tilespmem:s7], [sflag:$0x5] =	stream.indirect_vreg.gather [hbm4b:s2+s3], $0x80, v3, vm0, $0xb8;
	[tilespmem:$0x14200] =	vst v63  }
0x239: {  	v3 =	vld [tilespmem:$0x20];
	_ =	sdelay $0x4  }
0x23a: {  	v56 =	vshll.u32 v3, $0x1  }
0x23b: {  	v3 =	vand.u32 $0x7, v3;
	v4 =	vand.u32 $0xFFFFFFF0, v56  }
0x23c: {  	v3 =	vor.u32 v3, v4  }
0x23d: {  	v4 =	vperm.xlane v3, v0;
	_ =	sdelay $0x1  }
0x23e: {  	v3 =	vperm.xlane v3, v2;
	v4 =	vadd.s32 v1, v4;
	_ =	sdelay $0x1  }
0x23f: {  	v3 =	vadd.s32 v1, v3;
	_ =	sdelay $0x1  }
0x240: {  	s15 =	simm.s32 $0x2200  }
0x241: {  	[tilespmem:s15], [sflag:$0x5] =	stream.indirect_vreg.gather [hbm4b:s2+s3], $0x80, v4, vm0, $0xb8;
	[tilespmem:$0x14200] =	vst v63  }
0x242: {  	s7 =	simm.s32 $0x2A00  }
0x243: {  	[tilespmem:s7], [sflag:$0x5] =	stream.indirect_vreg.gather [hbm4b:s2+s3], $0x80, v3, vm0, $0xb8;
	[tilespmem:$0x14200] =	vst v63  }
0x244: {  	v3 =	vld [tilespmem:$0x30];
	_ =	sdelay $0x4  }
0x245: {  	v57 =	vshll.u32 v3, $0x1  }
0x246: {  	v3 =	vand.u32 $0x7, v3;
	v4 =	vand.u32 $0xFFFFFFF0, v57  }
0x247: {  	v3 =	vor.u32 v3, v4  }
0x248: {  	v4 =	vperm.xlane v3, v0;
	_ =	sdelay $0x1  }
0x249: {  	v3 =	vperm.xlane v3, v2;
	v4 =	vadd.s32 v1, v4;
	_ =	sdelay $0x1  }
0x24a: {  	v3 =	vadd.s32 v1, v3;
	_ =	sdelay $0x1  }
0x24b: {  	s15 =	simm.s32 $0x3200  }
0x24c: {  	[tilespmem:s15], [sflag:$0x5] =	stream.indirect_vreg.gather [hbm4b:s2+s3], $0x80, v4, vm0, $0xb8;
	[tilespmem:$0x14200] =	vst v63  }
0x24d: {  	s7 =	simm.s32 $0x3A00  }
0x24e: {  	[tilespmem:s7], [sflag:$0x5] =	stream.indirect_vreg.gather [hbm4b:s2+s3], $0x80, v3, vm0, $0xb8;
	[tilespmem:$0x14200] =	vst v63  }
0x24f: {  	v3 =	vld [tilespmem:$0x40];
	_ =	sdelay $0x4  }
0x250: {  	v58 =	vshll.u32 v3, $0x1  }
0x251: {  	v3 =	vand.u32 $0x7, v3;
	v4 =	vand.u32 $0xFFFFFFF0, v58  }
0x252: {  	v3 =	vor.u32 v3, v4  }
0x253: {  	v4 =	vperm.xlane v3, v0;
	_ =	sdelay $0x1  }
0x254: {  	v3 =	vperm.xlane v3, v2;
	v4 =	vadd.s32 v1, v4;
	_ =	sdelay $0x1  }
0x255: {  	v3 =	vadd.s32 v1, v3;
	_ =	sdelay $0x1  }
0x256: {  	s15 =	simm.s32 $0x4200  }
0x257: {  	[tilespmem:s15], [sflag:$0x5] =	stream.indirect_vreg.gather [hbm4b:s2+s3], $0x80, v4, vm0, $0xb8;
	[tilespmem:$0x14200] =	vst v63  }
0x258: {  	s7 =	simm.s32 $0x4A00  }
0x259: {  	[tilespmem:s7], [sflag:$0x5] =	stream.indirect_vreg.gather [hbm4b:s2+s3], $0x80, v3, vm0, $0xb8;
	[tilespmem:$0x14200] =	vst v63  }
0x25a: {  	s15 =	rddreg [dreg:$0x12];
	s7 =	simm.s32 $0x80  }
0x25b: {  	[tilespmem:s7], [sflag:$0x2] =	stream.linear.gather [hbm4b:s15+s3], $0x50, $0x38;
	[tilespmem:$0x14200] =	vst v63  }
0x25c: {  	_ =	swait.ge [sflag:s8], $0x5000  }
0x25d: {  	[sflag:s8] =	ssyncset.done $0x0  }
0x25e: {  	s7 =	rddreg [dreg:$0x13];
	[sflag:s8] =	ssyncadd.s32 $0xFFFFB000  }
0x25f: {  	[hbm4b:s7+s3] =	stream.linear.scatter [tilespmem:s6], [sflag:$0xB], $0x5000, $0x38;
	[tilespmem:$0x14200] =	vst v63  }
0x260: {  	_ =	swait.ge [sflag:s9], $0x5000  }
0x261: {  	[sflag:s9] =	ssyncset.done $0x0  }
0x262: {  	[sflag:s9] =	ssyncadd.s32 $0xFFFFB000  }
0x263: {  	_ =	swait.ge [sflag:s10], $0x50  }
0x264: {  	[sflag:s10] =	ssyncset.done $0x0  }
0x265: {  	[sflag:s10] =	ssyncadd.s32 $0xFFFFFFB0  }
0x266: {  	v3 =	vld [tilespmem:$0x80];
	_ =	sdelay $0x4  }
0x267: {  	v59 =	vshll.u32 v3, $0x1  }
0x268: {  	v3 =	vand.u32 $0x7, v3;
	v4 =	vand.u32 $0xFFFFFFF0, v59  }
0x269: {  	v3 =	vor.u32 v3, v4  }
0x26a: {  	v4 =	vperm.xlane v3, v0;
	_ =	sdelay $0x1  }
0x26b: {  	v3 =	vperm.xlane v3, v2;
	v4 =	vadd.s32 v1, v4;
	_ =	sdelay $0x1  }
0x26c: {  	v3 =	vadd.s32 v1, v3;
	_ =	sdelay $0x2  }
0x26d: {  	[tilespmem:s31], [sflag:$0x6] =	stream.indirect_vreg.gather [hbm4b:s2+s3], $0x80, v4, vm0, $0xb8;
	[tilespmem:$0x14200] =	vst v63  }
0x26e: {  	s15 =	simm.s32 $0x5A00  }
0x26f: {  	[tilespmem:s15], [sflag:$0x6] =	stream.indirect_vreg.gather [hbm4b:s2+s3], $0x80, v3, vm0, $0xb8;
	[tilespmem:$0x14200] =	vst v63  }
0x270: {  	v3 =	vld [tilespmem:$0x90];
	_ =	sdelay $0x4  }
0x271: {  	v60 =	vshll.u32 v3, $0x1  }
0x272: {  	v3 =	vand.u32 $0x7, v3;
	v4 =	vand.u32 $0xFFFFFFF0, v60  }
0x273: {  	v3 =	vor.u32 v3, v4  }
0x274: {  	v4 =	vperm.xlane v3, v0;
	_ =	sdelay $0x1  }
0x275: {  	v3 =	vperm.xlane v3, v2;
	v4 =	vadd.s32 v1, v4;
	_ =	sdelay $0x1  }
0x276: {  	v3 =	vadd.s32 v1, v3;
	_ =	sdelay $0x1  }
0x277: {  	s7 =	simm.s32 $0x6200  }
0x278: {  	[tilespmem:s7], [sflag:$0x6] =	stream.indirect_vreg.gather [hbm4b:s2+s3], $0x80, v4, vm0, $0xb8;
	[tilespmem:$0x14200] =	vst v63  }
0x279: {  	s8 =	simm.s32 $0x6A00  }
0x27a: {  	[tilespmem:s8], [sflag:$0x6] =	stream.indirect_vreg.gather [hbm4b:s2+s3], $0x80, v3, vm0, $0xb8;
	[tilespmem:$0x14200] =	vst v63  }
0x27b: {  	v3 =	vld [tilespmem:$0xA0];
	_ =	sdelay $0x4  }
0x27c: {  	v61 =	vshll.u32 v3, $0x1  }
0x27d: {  	v3 =	vand.u32 $0x7, v3;
	v4 =	vand.u32 $0xFFFFFFF0, v61  }
0x27e: {  	v3 =	vor.u32 v3, v4  }
0x27f: {  	v4 =	vperm.xlane v3, v0;
	_ =	sdelay $0x1  }
0x280: {  	v3 =	vperm.xlane v3, v2;
	v4 =	vadd.s32 v1, v4;
	_ =	sdelay $0x1  }
0x281: {  	v3 =	vadd.s32 v1, v3;
	_ =	sdelay $0x1  }
0x282: {  	s10 =	simm.s32 $0x7200  }
0x283: {  	[tilespmem:s10], [sflag:$0x6] =	stream.indirect_vreg.gather [hbm4b:s2+s3], $0x80, v4, vm0, $0xb8;
	[tilespmem:$0x14200] =	vst v63  }
0x284: {  	s15 =	simm.s32 $0x7A00  }
0x285: {  	[tilespmem:s15], [sflag:$0x6] =	stream.indirect_vreg.gather [hbm4b:s2+s3], $0x80, v3, vm0, $0xb8;
	[tilespmem:$0x14200] =	vst v63  }
0x286: {  	v3 =	vld [tilespmem:$0xB0];
	_ =	sdelay $0x4  }
0x287: {  	v62 =	vshll.u32 v3, $0x1  }
0x288: {  	v3 =	vand.u32 $0x7, v3;
	v4 =	vand.u32 $0xFFFFFFF0, v62  }
0x289: {  	v3 =	vor.u32 v3, v4  }
0x28a: {  	v4 =	vperm.xlane v3, v0;
	_ =	sdelay $0x1  }
0x28b: {  	v3 =	vperm.xlane v3, v2;
	v4 =	vadd.s32 v1, v4;
	_ =	sdelay $0x1  }
0x28c: {  	v3 =	vadd.s32 v1, v3;
	_ =	sdelay $0x1  }
0x28d: {  	s7 =	simm.s32 $0x8200  }
0x28e: {  	[tilespmem:s7], [sflag:$0x6] =	stream.indirect_vreg.gather [hbm4b:s2+s3], $0x80, v4, vm0, $0xb8;
	[tilespmem:$0x14200] =	vst v63  }
0x28f: {  	s8 =	simm.s32 $0x8A00  }
0x290: {  	[tilespmem:s8], [sflag:$0x6] =	stream.indirect_vreg.gather [hbm4b:s2+s3], $0x80, v3, vm0, $0xb8;
	[tilespmem:$0x14200] =	vst v63  }
0x291: {  	v3 =	vld [tilespmem:$0xC0];
	_ =	sdelay $0x4  }
0x292: {  	v63 =	vshll.u32 v3, $0x1  }
0x293: {  	v3 =	vand.u32 $0x7, v3;
	v4 =	vand.u32 $0xFFFFFFF0, v63  }
0x294: {  	v3 =	vor.u32 v3, v4  }
0x295: {  	v4 =	vperm.xlane v3, v0;
	_ =	sdelay $0x1  }
0x296: {  	v3 =	vperm.xlane v3, v2;
	v4 =	vadd.s32 v1, v4;
	_ =	sdelay $0x1  }
0x297: {  	v3 =	vadd.s32 v1, v3;
	_ =	sdelay $0x1  }
0x298: {  	s10 =	simm.s32 $0x9200  }
0x299: {  	[tilespmem:s10], [sflag:$0x6] =	stream.indirect_vreg.gather [hbm4b:s2+s3], $0x80, v4, vm0, $0xb8;
	[tilespmem:$0x14200] =	vst v63  }
0x29a: {  	s15 =	simm.s32 $0x9A00  }
0x29b: {  	[tilespmem:s15], [sflag:$0x6] =	stream.indirect_vreg.gather [hbm4b:s2+s3], $0x80, v3, vm0, $0xb8;
	[tilespmem:$0x14200] =	vst v63  }
0x29c: {  	_ =	swait.ge [sflag:s1], $0x5000  }
0x29d: {  	[sflag:s1] =	ssyncset.done $0x0  }
0x29e: {  	s7 =	rddreg [dreg:$0x14];
	[sflag:s1] =	ssyncadd.s32 $0xFFFFB000  }
0x29f: {  	[hbm4b:s7+s3] =	stream.linear.scatter [tilespmem:s25], [sflag:$0xC], $0x5000, $0x38;
	[tilespmem:$0x14200] =	vst v63  }
0x2a0: {  	_ =	swait.ge [sflag:s30], $0x5000  }
0x2a1: {  	[sflag:s30] =	ssyncset.done $0x0  }
0x2a2: {  	s8 =	rddreg [dreg:$0x15];
	[sflag:s30] =	ssyncadd.s32 $0xFFFFB000  }
0x2a3: {  	[hbm4b:s8+s3] =	stream.linear.scatter [tilespmem:s17], [sflag:$0x9], $0x5000, $0x38;
	[tilespmem:$0x14200] =	vst v63  }
0x2a4: {  	_ =	swait.ge [sflag:s28], $0x5000  }
0x2a5: {  	[sflag:s28] =	ssyncset.done $0x0  }
0x2a6: {  	s10 =	rddreg [dreg:$0x16];
	[sflag:s28] =	ssyncadd.s32 $0xFFFFB000  }
0x2a7: {  	[hbm4b:s10+s3] =	stream.linear.scatter [tilespmem:s31], [sflag:$0xA], $0x5000, $0x38;
	[tilespmem:$0x14200] =	vst v63  }
0x2a8: {  	_ =	swait.ge [sflag:s0], $0x5000  }
0x2a9: {  	[sflag:s0] =	ssyncset.done $0x0  }
0x2aa: {  	[sflag:s0] =	ssyncadd.s32 $0xFFFFB000  }
0x2ab: {  	_ =	swait.ge [sflag:s9], $0x5000  }
0x2ac: {  	[sflag:s9] =	ssyncset.done $0x0  }
0x2ad: {  	[sflag:s9] =	ssyncadd.s32 $0xFFFFB000  }
0x2ae: {  	p0 =	sne.s32 s4, $0x1;
	_ =	swait.ge [sflag:s11], $0x5000  }
.Ltmp0:
0x2af: {  	[sflag:s11] =	ssyncset.done $0x0;
	(pc) =	sbr.rel @p0 .LBB2_1-.Ltmp0, $4  }
0x2b0: {  	[sflag:s11] =	ssyncadd.s32 $0xFFFFB000  }
0x2b1: {  	_ =	swait.ge [sflag:s13], $0x5000  }
0x2b2: {  	[sflag:s13] =	ssyncset.done $0x0  }
0x2b3: {  	s4 =	sadd.s32 $0xFFFFFFFF, s4;
	[sflag:s13] =	ssyncadd.s32 $0xFFFFB000  }
0x2b4: {  	_ =	sfence.sel $0x180000  }
0x2b5: {  	[bflag:$0x0] =	sbarrier.arrive $0xFFFF  }
0x2b6: {  	_ =	strace $0x9000004A  }
0x2b7: {  	s0 =	stileid.u32;
	[bflag:$0x2] =	sbarrier.arrive $0xFFFF  }
0x2b8: {  	p0 =	sne.s32 s0, $0x0;
	s0 =	rddreg [dreg:$0x2]  }
0x2b9: {  	s0 =	sadd.s32 @!p0 $0x100000, s0  }
0x2ba: {  	[sflag:s0] =	ssyncadd.tile.s32 @!p0 $0x1;
	_ =	shalt  }
.Lfunc_end2:
_tile_overlayer_lowered:
.L_overlay_start_2:
0x2bb: {  	(tag) =	ssettag $0x2  }
0x2bc: {  	s0 =	rddreg [dreg:$0x0];
	s2 =	stileid.u32  }
0x2bd: {  	s1 =	rddreg [dreg:$0x1];
	p0 =	sne.s32 s2, $0x0  }
0x2be: {  	s3 =	rddreg [dreg:$0x2];
	[bflag:$0x3] =	sbarrier.arrive $0xFFFF;
	s2 =	simm.s32 @!p0 $0x1C0D  }
0x2bf: {  	[timem:s3], [sflag:s2] =	dma.local @!p0 [hbm:s0], s1  }
0x2c0: {  	s0 =	simm.s32 @!p0 $0xD  }
0x2c1: {  	_ =	swait.ge @!p0 [sflag:s0], s1  }
0x2c2: {  	s1 =	ssub.s32 @!p0 $0x0, s1;
	[sflag:s0] =	ssyncset.done @!p0 $0x0  }
0x2c3: {  	[sflag:s0] =	ssyncadd.s32 @!p0 s1  }
0x2c4: {  	[bflag:$0x3] =	sbarrier.arrive $0xFFFF  }
0x2c5: {  	_ =	shalt  }

</sc_bundles>
